<compile_context>
chip_gen: v7x
topology: tpu7x:2x2x1
jax: 0.10.2.dev20260603
libtpu: 0.0.44.dev20260713+nightly
codegen_flags: <defaults>
</compile_context>

<pallas_src>
import functools

import jax
import jax.numpy as jnp
from jax import lax
from jax.experimental import pallas as pl
from jax.experimental.pallas import tpu as pltpu
from jax.experimental.pallas import tpu_sc as plsc

N = 10000
E = 320000
IN_CH = 128
AD = 64
NCL = 8
SCAL = float(AD) ** (-0.5)

NWORK = 32
EPT = E // NWORK
NB = 1000
EB = 2000
NEB = E // EB

_mesh = plsc.VectorSubcoreMesh(core_axis_name="c", subcore_axis_name="s")


def _q_body(x_ref, wd_ref, bd_ref, wq_ref, bq_ref, q_ref):
    nf = jnp.dot(x_ref[...], wd_ref[...], preferred_element_type=jnp.float32)
    nf = jnp.maximum(nf + bd_ref[...], 0.0)
    q_ref[...] = jnp.dot(nf, wq_ref[...], preferred_element_type=jnp.float32) + bq_ref[...]


def _q_call(x, wd, bd, wq, bq):
    return pl.pallas_call(
        _q_body,
        grid=(N // NB,),
        in_specs=[
            pl.BlockSpec((NB, IN_CH), lambda i: (i, 0)),
            pl.BlockSpec((IN_CH, AD), lambda i: (0, 0)),
            pl.BlockSpec((1, AD), lambda i: (0, 0)),
            pl.BlockSpec((AD, AD), lambda i: (0, 0)),
            pl.BlockSpec((1, AD), lambda i: (0, 0)),
        ],
        out_specs=pl.BlockSpec((NB, AD), lambda i: (i, 0)),
        out_shape=jax.ShapeDtypeStruct((N, AD), jnp.float32),
    )(x, wd, bd, wq, bq)


def _edge_body(ea_ref, qi_ref, wt_ref, bt_ref, wk_ref, bk_ref, wv_ref,
               bv_ref, cem_ref, v_ref, e_ref, a_ref, r16_ref, cnt_ref):
    i = pl.program_id(0)
    tf = jnp.dot(ea_ref[...], wt_ref[...], preferred_element_type=jnp.float32)
    tf = jnp.maximum(tf + bt_ref[...], 0.0)
    k = jnp.dot(tf, wk_ref[...], preferred_element_type=jnp.float32) + bk_ref[...]
    v_ref[...] = jnp.dot(tf, wv_ref[...], preferred_element_type=jnp.float32) + bv_ref[...]
    sim = jnp.dot(tf, cem_ref[...], preferred_element_type=jnp.float32)
    best = sim[:, 0]
    bidx = jnp.zeros((EB,), jnp.int32)
    for c in range(1, NCL):
        m = sim[:, c] > best
        best = jnp.where(m, sim[:, c], best)
        bidx = jnp.where(m, jnp.int32(c), bidx)
    a_ref[...] = bidx[None, None, :]
    att = jnp.sum(qi_ref[...] * k, axis=1) * SCAL
    ee = jnp.exp(att)
    e_ref[...] = ee[None, None, :]
    col = lax.broadcasted_iota(jnp.int32, (EB, 16), 1)
    a2 = bidx[:, None]
    r16_ref[...] = (jnp.where(col == a2, ee[:, None], 0.0)
                    + jnp.where(col == a2 + NCL, 1.0, 0.0))
    onehot = (lax.broadcasted_iota(jnp.int32, (EB, NCL), 1) == a2)
    part = jnp.sum(onehot.astype(jnp.float32), axis=0, keepdims=True)

    @pl.when(i == 0)
    def _():
        cnt_ref[...] = jnp.zeros_like(cnt_ref)

    cnt_ref[...] += part


def _edge_call(ea, qi, wt, bt, wk, bk, wv, bv, cem):
    return pl.pallas_call(
        _edge_body,
        grid=(E // EB,),
        in_specs=[
            pl.BlockSpec((EB, 16), lambda i: (i, 0)),
            pl.BlockSpec((EB, AD), lambda i: (i, 0)),
            pl.BlockSpec((16, AD), lambda i: (0, 0)),
            pl.BlockSpec((1, AD), lambda i: (0, 0)),
            pl.BlockSpec((AD, AD), lambda i: (0, 0)),
            pl.BlockSpec((1, AD), lambda i: (0, 0)),
            pl.BlockSpec((AD, AD), lambda i: (0, 0)),
            pl.BlockSpec((1, AD), lambda i: (0, 0)),
            pl.BlockSpec((AD, NCL), lambda i: (0, 0)),
        ],
        out_specs=[
            pl.BlockSpec((EB, AD), lambda i: (i, 0)),
            pl.BlockSpec((1, 1, EB), lambda i: (i, 0, 0)),
            pl.BlockSpec((1, 1, EB), lambda i: (i, 0, 0)),
            pl.BlockSpec((EB, 16), lambda i: (i, 0)),
            pl.BlockSpec((1, NCL), lambda i: (0, 0)),
        ],
        out_shape=[
            jax.ShapeDtypeStruct((E, AD), jnp.float32),
            jax.ShapeDtypeStruct((NEB, 1, EB), jnp.float32),
            jax.ShapeDtypeStruct((NEB, 1, EB), jnp.int32),
            jax.ShapeDtypeStruct((E, 16), jnp.float32),
            jax.ShapeDtypeStruct((1, NCL), jnp.float32),
        ],
    )(ea, qi, wt, bt, wk, bk, wv, bv, cem)


_GQ_CH = 1000


@functools.partial(
    pl.kernel,
    out_type=jax.ShapeDtypeStruct((E, AD), jnp.float32),
    mesh=_mesh,
    compiler_params=pltpu.CompilerParams(use_tc_tiling_on_sc=False, needs_layout_passes=False),
    scratch_types=[
        pltpu.VMEM((_GQ_CH,), jnp.int32),
        pltpu.VMEM((_GQ_CH, AD), jnp.float32),
        pltpu.SemaphoreType.DMA,
    ],
)
def _gather_q(q_hbm, src_hbm, out_hbm, idx_v, rows_v, sem):
    wid = lax.axis_index("s") * 2 + lax.axis_index("c")
    base = wid * EPT

    def body(i, carry):
        off = pl.multiple_of(base + i * _GQ_CH, 8)
        pltpu.sync_copy(src_hbm.at[pl.ds(off, _GQ_CH)], idx_v)
        pltpu.async_copy(q_hbm.at[idx_v], rows_v, sem).wait()
        pltpu.sync_copy(rows_v, out_hbm.at[pl.ds(off, _GQ_CH)])
        return carry

    lax.fori_loop(0, EPT // _GQ_CH, body, 0)


_H_CH = 2000


@functools.partial(
    pl.kernel,
    out_type=jax.ShapeDtypeStruct((2, N, 16), jnp.float32),
    mesh=_mesh,
    compiler_params=pltpu.CompilerParams(use_tc_tiling_on_sc=False, needs_layout_passes=False),
    scratch_types=[
        pltpu.VMEM((_H_CH, 16), jnp.float32),
        pltpu.VMEM((_H_CH,), jnp.int32),
        pltpu.VMEM_SHARED((N, 16), jnp.float32),
        pltpu.SemaphoreType.DMA,
    ],
)
def _hist(r16_hbm, src_hbm, z_hbm, out_hbm, rows_v, idx_v, bins_sh, sem):
    cid = lax.axis_index("c")
    sid = lax.axis_index("s")
    wid = sid * 2 + cid

    @pl.when(sid == 0)
    def _():
        pltpu.sync_copy(z_hbm, bins_sh)

    plsc.subcore_barrier()

    def body(i, carry):
        off = pl.multiple_of(wid * EPT + i * _H_CH, 8)
        d1 = pltpu.async_copy(src_hbm.at[pl.ds(off, _H_CH)], idx_v, sem)
        d2 = pltpu.async_copy(r16_hbm.at[pl.ds(off, _H_CH)], rows_v, sem)
        d1.wait()
        d2.wait()
        pltpu.sync_copy(rows_v, bins_sh.at[idx_v], add=True)
        return carry

    lax.fori_loop(0, EPT // _H_CH, body, 0)
    plsc.subcore_barrier()
    rpt = N // 16
    ro = pl.multiple_of(sid * rpt, 8)
    pltpu.sync_copy(bins_sh.at[pl.ds(ro, rpt)], out_hbm.at[cid].at[pl.ds(ro, rpt)])


_F_CH = 400


def _splat(vec, j):
    idx = jnp.full((16, 1), j, jnp.int32)
    dn = lax.GatherDimensionNumbers(
        offset_dims=(), collapsed_slice_dims=(0,), start_index_map=(0,))
    return lax.gather(vec, idx, dn, (1,),
                      mode=lax.GatherScatterMode.PROMISE_IN_BOUNDS)


@functools.partial(
    pl.kernel,
    out_type=jax.ShapeDtypeStruct((2, N, AD), jnp.float32),
    mesh=_mesh,
    compiler_params=pltpu.CompilerParams(use_tc_tiling_on_sc=False, needs_layout_passes=False),
    scratch_types=[
        pltpu.VMEM((_F_CH, 16), jnp.float32),
        pltpu.VMEM((_F_CH, 16), jnp.float32),
        pltpu.VMEM((_F_CH,), jnp.int32),
        pltpu.VMEM((_F_CH,), jnp.int32),
        pltpu.VMEM((_F_CH,), jnp.float32),
        pltpu.VMEM((_F_CH, AD), jnp.float32),
        pltpu.VMEM_SHARED((N, AD), jnp.float32),
        pltpu.SemaphoreType.DMA,
    ],
)
def _combine(b0_hbm, b1_hbm, src_hbm, asg_hbm, e_hbm, v_hbm, z_hbm, out_hbm,
             r0_v, r1_v, src_v, asg_v, e_v, rows_v, comb_sh, sem):
    cid = lax.axis_index("c")
    sid = lax.axis_index("s")
    wid = sid * 2 + cid

    @pl.when(sid == 0)
    def _():
        pltpu.sync_copy(z_hbm, comb_sh)

    plsc.subcore_barrier()

    def body(i, carry):
        off = pl.multiple_of(wid * EPT + i * _F_CH, 8)
        d1 = pltpu.async_copy(src_hbm.at[pl.ds(off, _F_CH)], src_v, sem)
        d2 = pltpu.async_copy(asg_hbm.at[pl.ds(off, _F_CH)], asg_v, sem)
        d3 = pltpu.async_copy(e_hbm.at[pl.ds(off, _F_CH)], e_v, sem)
        d4 = pltpu.async_copy(v_hbm.at[pl.ds(off, _F_CH)], rows_v, sem)
        d1.wait()
        d2.wait()
        d3.wait()
        d4.wait()
        g1 = pltpu.async_copy(b0_hbm.at[src_v], r0_v, sem)
        g2 = pltpu.async_copy(b1_hbm.at[src_v], r1_v, sem)
        g1.wait()
        g2.wait()

        def grp(g, c2):
            gb = pl.multiple_of(g * 16, 8)
            rows = lax.broadcasted_iota(jnp.int32, (16,), 0) + gb
            a16 = asg_v[pl.ds(gb, 16)]
            den = (plsc.load_gather(r0_v, [rows, a16])
                   + plsc.load_gather(r1_v, [rows, a16]))
            cnt = (plsc.load_gather(r0_v, [rows, a16 + NCL])
                   + plsc.load_gather(r1_v, [rows, a16 + NCL]))
            den = jnp.where(den > 0.0, den, 1.0)
            cnt = jnp.maximum(cnt, 1.0)
            e16 = e_v[pl.ds(gb, 16)]
            coef = e16 / den / cnt
            for j in range(16):
                cf = _splat(coef, j)
                for d in range(AD // 16):
                    rows_v[gb + j, pl.ds(d * 16, 16)] = (
                        rows_v[gb + j, pl.ds(d * 16, 16)] * cf)
            return c2

        lax.fori_loop(0, _F_CH // 16, grp, 0)
        pltpu.sync_copy(rows_v, comb_sh.at[src_v], add=True)
        return carry

    lax.fori_loop(0, EPT // _F_CH, body, 0)
    plsc.subcore_barrier()
    rpt = N // 16
    ro = pl.multiple_of(sid * rpt, 8)
    pltpu.sync_copy(comb_sh.at[pl.ds(ro, rpt)], out_hbm.at[cid].at[pl.ds(ro, rpt)])


def _final_body(x_ref, c0_ref, c1_ref, cnt_ref, wo_ref, bo_ref, wu_ref,
                bu_ref, out_ref):
    ne = jnp.sum((cnt_ref[...] > 0.0).astype(jnp.float32))
    comb = (c0_ref[...] + c1_ref[...]) / jnp.maximum(ne, 1.0)
    fused = jnp.dot(comb, wo_ref[...], preferred_element_type=jnp.float32)
    fused = jnp.maximum(fused + bo_ref[...], 0.0)
    out = jnp.dot(fused, wu_ref[...], preferred_element_type=jnp.float32)
    out_ref[...] = x_ref[...] + out + bu_ref[...]


def _final_call(x, c0, c1, cnt8, wo, bo, wu, bu):
    return pl.pallas_call(
        _final_body,
        grid=(N // NB,),
        in_specs=[
            pl.BlockSpec((NB, IN_CH), lambda i: (i, 0)),
            pl.BlockSpec((NB, AD), lambda i: (i, 0)),
            pl.BlockSpec((NB, AD), lambda i: (i, 0)),
            pl.BlockSpec((1, NCL), lambda i: (0, 0)),
            pl.BlockSpec((AD, AD), lambda i: (0, 0)),
            pl.BlockSpec((1, AD), lambda i: (0, 0)),
            pl.BlockSpec((AD, IN_CH), lambda i: (0, 0)),
            pl.BlockSpec((1, IN_CH), lambda i: (0, 0)),
        ],
        out_specs=pl.BlockSpec((NB, IN_CH), lambda i: (i, 0)),
        out_shape=jax.ShapeDtypeStruct((N, IN_CH), jnp.float32),
    )(x, c0, c1, cnt8, wo, bo, wu, bu)


@jax.jit
def kernel(x, edge_index, edge_attr, W_down, b_down, W_up, b_up, W_time,
           b_time, W_q, b_q, W_k, b_k, W_v, b_v, cluster_emb, W_out, b_out):
    src = edge_index[0].astype(jnp.int32)
    q = _q_call(x, W_down, b_down.reshape(1, AD), W_q, b_q.reshape(1, AD))
    qi = _gather_q(q, src)
    v, e3, a3, r16, cnt8 = _edge_call(
        edge_attr, qi, W_time, b_time.reshape(1, AD), W_k, b_k.reshape(1, AD),
        W_v, b_v.reshape(1, AD), cluster_emb.T)
    e = e3.reshape(E)
    assign = a3.reshape(E)
    bins = _hist(r16, src, jnp.zeros((N, 16), jnp.float32))
    comb = _combine(bins[0], bins[1], src, assign, e, v,
                    jnp.zeros((N, AD), jnp.float32))
    return _final_call(x, comb[0], comb[1], cnt8, W_out,
                       b_out.reshape(1, AD), W_up, b_up.reshape(1, IN_CH))

# --- scband reference (transcript-rebuilt; emitter-appended) ---
"""Pipeline reference for scband-adapter-30872224923942 (READ-ONLY COPY).

The authoritative reference and input builder live on the scoring server;
editing this copy changes nothing except your own understanding.
"""

import jax, jax.numpy as jnp
import numpy as np

N = 10000
E = 320000
IN_CH = 128
AD = 64
ED = 16
NC = 8


def setup_inputs(seed: int = 0) -> dict:
    key = jax.random.key(seed)
    ks = jax.random.split(key, 12)

    def lin(k, fan_in, shape):
        return jax.random.normal(k, shape, jnp.float32) * (1.0 / np.sqrt(fan_in))

    inp = {}
    inp["x"] = jax.random.normal(ks[0], (N, IN_CH), jnp.float32)
    inp["edge_index"] = jax.random.randint(ks[1], (2, E), 0, N)
    inp["edge_attr"] = jax.random.normal(ks[2], (E, ED), jnp.float32)
    inp["W_down"] = lin(ks[3], IN_CH, (IN_CH, AD))
    inp["b_down"] = jnp.zeros((AD,), jnp.float32)
    inp["W_up"] = lin(ks[4], AD, (AD, IN_CH))
    inp["b_up"] = jnp.zeros((IN_CH,), jnp.float32)
    inp["W_time"] = lin(ks[5], ED, (ED, AD))
    inp["b_time"] = jnp.zeros((AD,), jnp.float32)
    inp["W_q"] = lin(ks[6], AD, (AD, AD))
    inp["b_q"] = jnp.zeros((AD,), jnp.float32)
    inp["W_k"] = lin(ks[7], AD, (AD, AD))
    inp["b_k"] = jnp.zeros((AD,), jnp.float32)
    inp["W_v"] = lin(ks[8], AD, (AD, AD))
    inp["b_v"] = jnp.zeros((AD,), jnp.float32)
    inp["cluster_emb"] = jax.random.normal(ks[9], (NC, AD), jnp.float32)
    inp["W_out"] = lin(ks[10], AD, (AD, AD))
    inp["b_out"] = jnp.zeros((AD,), jnp.float32)
    return inp


def reference(x, edge_index, edge_attr, W_down, b_down, W_up, b_up, W_time, b_time,
              W_q, b_q, W_k, b_k, W_v, b_v, cluster_emb, W_out, b_out):
    n = x.shape[0]
    scaling = float(AD) ** (-0.5)
    node_feat = jax.nn.relu(x @ W_down + b_down)
    time_feat = jax.nn.relu(edge_attr @ W_time + b_time)
    q = node_feat @ W_q + b_q
    k = time_feat @ W_k + b_k
    v = time_feat @ W_v + b_v
    sim = (time_feat @ cluster_emb.T) * scaling
    assign = jnp.argmax(sim, axis=-1)
    src = edge_index[0]
    q_i = jnp.take(q, src, axis=0)
    attn = jnp.sum(q_i * k, axis=-1) * scaling
    NEG = -1e30
    combined = jnp.zeros((n, AD), jnp.float32)
    nonempty = jnp.zeros((), jnp.float32)
    for c in range(NC):
        mask = (assign == c)
        maskf = mask.astype(jnp.float32)
        # scatter_softmax over masked edges grouped by src node
        attn_m = jnp.where(mask, attn, NEG)
        mmax = jax.ops.segment_max(attn_m, src, num_segments=n)
        m_safe = jnp.where(mmax > NEG * 0.5, mmax, 0.0)
        z = jnp.where(mask, attn - jnp.take(m_safe, src), NEG)
        e = jnp.exp(z)
        denom = jax.ops.segment_sum(e, src, num_segments=n)
        denom_safe = jnp.where(denom > 0, denom, 1.0)
        w = e / jnp.take(denom_safe, src)
        wv = v * w[:, None]
        # scatter_mean with dim_size = n over masked edges
        sums = jax.ops.segment_sum(wv, src, num_segments=n)
        counts = jax.ops.segment_sum(maskf, src, num_segments=n)
        mean = sums / jnp.where(counts > 0, counts, 1.0)[:, None]
        combined = combined + mean
        nonempty = nonempty + (jnp.sum(maskf) > 0).astype(jnp.float32)
    combined = combined / jnp.maximum(nonempty, 1.0)
    fused = jax.nn.relu(combined @ W_out + b_out)
    out = fused @ W_up + b_up
    return x + out

if __name__ == "__main__":
    import jax
    _d = setup_inputs()
    print(jax.jit(kernel)(*tuple(_d.values())))

</pallas_src>

<mosaic_0001>
#map = affine_map<(d0, d1) -> (0, 0)>
#map1 = affine_map<(d0, d1) -> (0)>
#map2 = affine_map<(d0, d1) -> (0, 0, 0)>
module attributes {stable_mosaic.version = 14 : i64} {
  func.func @_combine(%arg0: i32, %arg1: i32, %arg2: memref<10000x16xf32, #tpu.memory_space<hbm>>, %arg3: memref<10000x16xf32, #tpu.memory_space<hbm>>, %arg4: memref<320000xi32, #tpu.memory_space<hbm>>, %arg5: memref<320000xi32, #tpu.memory_space<hbm>>, %arg6: memref<320000xf32, #tpu.memory_space<hbm>>, %arg7: memref<320000x64xf32, #tpu.memory_space<hbm>>, %arg8: memref<10000x64xf32, #tpu.memory_space<hbm>>, %arg9: memref<2x10000x64xf32, #tpu.memory_space<hbm>>, %arg10: memref<400x16xf32, #tpu.memory_space<vmem>>, %arg11: memref<400x16xf32, #tpu.memory_space<vmem>>, %arg12: memref<400xi32, #tpu.memory_space<vmem>>, %arg13: memref<400xi32, #tpu.memory_space<vmem>>, %arg14: memref<400xf32, #tpu.memory_space<vmem>>, %arg15: memref<400x64xf32, #tpu.memory_space<vmem>>, %arg16: memref<10000x64xf32, #tpu.memory_space<vmem_shared>>, %arg17: memref<!tpu.dma_semaphore, #tpu.memory_space<semaphore_mem>>) attributes {dimension_semantics = [#tpu.dimension_semantics<core_parallel>, #tpu.dimension_semantics<subcore_parallel>], iteration_bounds = array<i64: 2, 16>, scalar_prefetch = 0 : i64, scratch_operands = 8 : i64, tpu.core_type = #tpu.core_type<sc_vector_subcore>, window_params = [{transform_indices = #map}, {transform_indices = #map}, {transform_indices = #map1}, {transform_indices = #map1}, {transform_indices = #map1}, {transform_indices = #map}, {transform_indices = #map}, {transform_indices = #map2}]} {
    %mul3A = arith.constant 2 : i32
    %mul3A_0 = arith.muli %arg1, %mul3A : i32
    %add3A = arith.addi %mul3A_0, %arg0 : i32
    %eq3A = arith.constant 0 : i32
    %eq3A_1 = arith.cmpi eq, %arg1, %eq3A : i32
    %convert_element_type3A = arith.extui %eq3A_1 : i1 to i32
    %cond3A = arith.constant 0 : i32
    %cond3A_2 = arith.cmpi ne, %convert_element_type3A, %cond3A : i32
    scf.if %cond3A_2 {
      "tpu.region"() ({
        %run_scoped3A = tpu.sem_alloc : memref<!tpu.dma_semaphore, #tpu.memory_space<semaphore_mem>>
        tpu.enqueue_dma source(%arg8 : memref<10000x64xf32, #tpu.memory_space<hbm>>) target(%arg16 : memref<10000x64xf32, #tpu.memory_space<vmem_shared>>) target_semaphore(%run_scoped3A : memref<!tpu.dma_semaphore, #tpu.memory_space<semaphore_mem>>)
        tpu.wait_dma2 semaphore(%run_scoped3A : memref<!tpu.dma_semaphore, #tpu.memory_space<semaphore_mem>>) src(%arg8 : memref<10000x64xf32, #tpu.memory_space<hbm>>) dst(%arg16 : memref<10000x64xf32, #tpu.memory_space<vmem_shared>>)
        tpu.yield
      }) : () -> ()
    } else {
    }
    %barrier3A = arith.constant 0 : index
    tpu.barrier barrier_id(%barrier3A)
    %scan3A = arith.constant 0 : i32
    %scan3A_3 = arith.constant 0 : i32
    %scan3A_4 = arith.constant 25 : i32
    %scan3A_5 = arith.addi %scan3A_3, %scan3A_4 : i32
    %scan3A_6 = arith.constant 1 : i32
    scf.for %scan3A_11 = %scan3A_3 to %scan3A_5 step %scan3A_6  : i32 {
      %mul3A_12 = arith.constant 10000 : i32
      %mul3A_13 = arith.muli %add3A, %mul3A_12 : i32
      %mul3A_14 = arith.constant 400 : i32
      %mul3A_15 = arith.muli %scan3A_11, %mul3A_14 : i32
      %add3A_16 = arith.addi %mul3A_13, %mul3A_15 : i32
      %multiple_of3A_17 = tpu.assume_multiple %add3A_16, 8 : i32
      %dma_start3A = tpu.memref_slice %arg4[%multiple_of3A_17] : memref<320000xi32, #tpu.memory_space<hbm>> -> memref<400xi32, #tpu.memory_space<hbm>>
      %dma_start3A_18 = tpu.memref_slice %arg4[%multiple_of3A_17] : memref<320000xi32, #tpu.memory_space<hbm>> -> memref<400xi32, #tpu.memory_space<hbm>>
      tpu.enqueue_dma source(%dma_start3A_18 : memref<400xi32, #tpu.memory_space<hbm>>) target(%arg12 : memref<400xi32, #tpu.memory_space<vmem>>) target_semaphore(%arg17 : memref<!tpu.dma_semaphore, #tpu.memory_space<semaphore_mem>>)
      %dma_start3A_19 = tpu.memref_slice %arg5[%multiple_of3A_17] : memref<320000xi32, #tpu.memory_space<hbm>> -> memref<400xi32, #tpu.memory_space<hbm>>
      %dma_start3A_20 = tpu.memref_slice %arg5[%multiple_of3A_17] : memref<320000xi32, #tpu.memory_space<hbm>> -> memref<400xi32, #tpu.memory_space<hbm>>
      tpu.enqueue_dma source(%dma_start3A_20 : memref<400xi32, #tpu.memory_space<hbm>>) target(%arg13 : memref<400xi32, #tpu.memory_space<vmem>>) target_semaphore(%arg17 : memref<!tpu.dma_semaphore, #tpu.memory_space<semaphore_mem>>)
      %dma_start3A_21 = tpu.memref_slice %arg6[%multiple_of3A_17] : memref<320000xf32, #tpu.memory_space<hbm>> -> memref<400xf32, #tpu.memory_space<hbm>>
      %dma_start3A_22 = tpu.memref_slice %arg6[%multiple_of3A_17] : memref<320000xf32, #tpu.memory_space<hbm>> -> memref<400xf32, #tpu.memory_space<hbm>>
      tpu.enqueue_dma source(%dma_start3A_22 : memref<400xf32, #tpu.memory_space<hbm>>) target(%arg14 : memref<400xf32, #tpu.memory_space<vmem>>) target_semaphore(%arg17 : memref<!tpu.dma_semaphore, #tpu.memory_space<semaphore_mem>>)
      %dma_start3A_23 = arith.constant 0 : i32
      %dma_start3A_24 = tpu.memref_slice %arg7[%multiple_of3A_17, %dma_start3A_23] : memref<320000x64xf32, #tpu.memory_space<hbm>> -> memref<400x64xf32, #tpu.memory_space<hbm>>
      %dma_start3A_25 = arith.constant 0 : i32
      %dma_start3A_26 = tpu.memref_slice %arg7[%multiple_of3A_17, %dma_start3A_25] : memref<320000x64xf32, #tpu.memory_space<hbm>> -> memref<400x64xf32, #tpu.memory_space<hbm>>
      tpu.enqueue_dma source(%dma_start3A_26 : memref<400x64xf32, #tpu.memory_space<hbm>>) target(%arg15 : memref<400x64xf32, #tpu.memory_space<vmem>>) target_semaphore(%arg17 : memref<!tpu.dma_semaphore, #tpu.memory_space<semaphore_mem>>)
      %dma_wait3A = tpu.memref_slice %arg4[%multiple_of3A_17] : memref<320000xi32, #tpu.memory_space<hbm>> -> memref<400xi32, #tpu.memory_space<hbm>>
      %dma_wait3A_27 = tpu.memref_slice %arg4[%multiple_of3A_17] : memref<320000xi32, #tpu.memory_space<hbm>> -> memref<400xi32, #tpu.memory_space<hbm>>
      tpu.wait_dma2 semaphore(%arg17 : memref<!tpu.dma_semaphore, #tpu.memory_space<semaphore_mem>>) src(%dma_wait3A_27 : memref<400xi32, #tpu.memory_space<hbm>>) dst(%arg12 : memref<400xi32, #tpu.memory_space<vmem>>)
      %dma_wait3A_28 = tpu.memref_slice %arg5[%multiple_of3A_17] : memref<320000xi32, #tpu.memory_space<hbm>> -> memref<400xi32, #tpu.memory_space<hbm>>
      %dma_wait3A_29 = tpu.memref_slice %arg5[%multiple_of3A_17] : memref<320000xi32, #tpu.memory_space<hbm>> -> memref<400xi32, #tpu.memory_space<hbm>>
      tpu.wait_dma2 semaphore(%arg17 : memref<!tpu.dma_semaphore, #tpu.memory_space<semaphore_mem>>) src(%dma_wait3A_29 : memref<400xi32, #tpu.memory_space<hbm>>) dst(%arg13 : memref<400xi32, #tpu.memory_space<vmem>>)
      %dma_wait3A_30 = tpu.memref_slice %arg6[%multiple_of3A_17] : memref<320000xf32, #tpu.memory_space<hbm>> -> memref<400xf32, #tpu.memory_space<hbm>>
      %dma_wait3A_31 = tpu.memref_slice %arg6[%multiple_of3A_17] : memref<320000xf32, #tpu.memory_space<hbm>> -> memref<400xf32, #tpu.memory_space<hbm>>
      tpu.wait_dma2 semaphore(%arg17 : memref<!tpu.dma_semaphore, #tpu.memory_space<semaphore_mem>>) src(%dma_wait3A_31 : memref<400xf32, #tpu.memory_space<hbm>>) dst(%arg14 : memref<400xf32, #tpu.memory_space<vmem>>)
      %dma_wait3A_32 = arith.constant 0 : i32
      %dma_wait3A_33 = tpu.memref_slice %arg7[%multiple_of3A_17, %dma_wait3A_32] : memref<320000x64xf32, #tpu.memory_space<hbm>> -> memref<400x64xf32, #tpu.memory_space<hbm>>
      %dma_wait3A_34 = arith.constant 0 : i32
      %dma_wait3A_35 = tpu.memref_slice %arg7[%multiple_of3A_17, %dma_wait3A_34] : memref<320000x64xf32, #tpu.memory_space<hbm>> -> memref<400x64xf32, #tpu.memory_space<hbm>>
      tpu.wait_dma2 semaphore(%arg17 : memref<!tpu.dma_semaphore, #tpu.memory_space<semaphore_mem>>) src(%dma_wait3A_35 : memref<400x64xf32, #tpu.memory_space<hbm>>) dst(%arg15 : memref<400x64xf32, #tpu.memory_space<vmem>>)
      %dma_start3A_36 = arith.constant 0 : i32
      %dma_start3A_37 = arith.constant 0 : i32
      %dma_start3A_38 = tpu.memref_slice %arg2[%dma_start3A_36, %dma_start3A_37] : memref<10000x16xf32, #tpu.memory_space<hbm>> -> memref<10000x16xf32, #tpu.memory_space<hbm>>
      tpu.enqueue_indirect_dma source(%dma_start3A_38 : memref<10000x16xf32, #tpu.memory_space<hbm>>) target(%arg10 : memref<400x16xf32, #tpu.memory_space<vmem>>) offsets(%arg12 : memref<400xi32, #tpu.memory_space<vmem>>) semaphore(%arg17 : memref<!tpu.dma_semaphore, #tpu.memory_space<semaphore_mem>>)
      %dma_start3A_39 = arith.constant 0 : i32
      %dma_start3A_40 = arith.constant 0 : i32
      %dma_start3A_41 = tpu.memref_slice %arg3[%dma_start3A_39, %dma_start3A_40] : memref<10000x16xf32, #tpu.memory_space<hbm>> -> memref<10000x16xf32, #tpu.memory_space<hbm>>
      tpu.enqueue_indirect_dma source(%dma_start3A_41 : memref<10000x16xf32, #tpu.memory_space<hbm>>) target(%arg11 : memref<400x16xf32, #tpu.memory_space<vmem>>) offsets(%arg12 : memref<400xi32, #tpu.memory_space<vmem>>) semaphore(%arg17 : memref<!tpu.dma_semaphore, #tpu.memory_space<semaphore_mem>>)
      %dma_wait3A_42 = arith.constant 0 : i32
      %dma_wait3A_43 = arith.constant 0 : i32
      %dma_wait3A_44 = tpu.memref_slice %arg2[%dma_wait3A_42, %dma_wait3A_43] : memref<10000x16xf32, #tpu.memory_space<hbm>> -> memref<10000x16xf32, #tpu.memory_space<hbm>>
      tpu.wait_indirect_dma semaphore(%arg17 : memref<!tpu.dma_semaphore, #tpu.memory_space<semaphore_mem>>) src(%dma_wait3A_44 : memref<10000x16xf32, #tpu.memory_space<hbm>>) dst(%arg10 : memref<400x16xf32, #tpu.memory_space<vmem>>)
      %dma_wait3A_45 = arith.constant 0 : i32
      %dma_wait3A_46 = arith.constant 0 : i32
      %dma_wait3A_47 = tpu.memref_slice %arg3[%dma_wait3A_45, %dma_wait3A_46] : memref<10000x16xf32, #tpu.memory_space<hbm>> -> memref<10000x16xf32, #tpu.memory_space<hbm>>
      tpu.wait_indirect_dma semaphore(%arg17 : memref<!tpu.dma_semaphore, #tpu.memory_space<semaphore_mem>>) src(%dma_wait3A_47 : memref<10000x16xf32, #tpu.memory_space<hbm>>) dst(%arg11 : memref<400x16xf32, #tpu.memory_space<vmem>>)
      %scan3A_48 = arith.constant 0 : i32
      %scan3A_49 = arith.constant 0 : i32
      %scan3A_50 = arith.constant 25 : i32
      %scan3A_51 = arith.addi %scan3A_49, %scan3A_50 : i32
      %scan3A_52 = arith.constant 1 : i32
      scf.for %scan3A_54 = %scan3A_49 to %scan3A_51 step %scan3A_52  : i32 {
        %mul3A_55 = arith.constant 16 : i32
        %mul3A_56 = arith.muli %scan3A_54, %mul3A_55 : i32
        %multiple_of3A_57 = tpu.assume_multiple %mul3A_56, 8 : i32
        %iota3A = tpu.iota {dimensions = array<i32: 0>} : vector<16xi32>
        %add3A_58 = vector.broadcast %multiple_of3A_57 : i32 to vector<16xi32>
        %add3A_59 = arith.addi %iota3A, %add3A_58 : vector<16xi32>
        %get3A = arith.index_cast %multiple_of3A_57 : i32 to index
        %get3A_60 = tpu.vector_load %arg13[%get3A] {strides = array<i32>} : memref<400xi32, #tpu.memory_space<vmem>>, vector<16xi32>,
        %gather3A = tpu.vector_load_idx %arg10[%add3A_59, %get3A_60] : memref<400x16xf32, #tpu.memory_space<vmem>>[vector<16xi32>, vector<16xi32>], vector<16xf32>,
        %gather3A_61 = tpu.vector_load_idx %arg11[%add3A_59, %get3A_60] : memref<400x16xf32, #tpu.memory_space<vmem>>[vector<16xi32>, vector<16xi32>], vector<16xf32>,
        %add3A_62 = arith.addf %gather3A, %gather3A_61 : vector<16xf32>
        %add3A_63 = arith.constant 8 : i32
        %add3A_64 = vector.broadcast %add3A_63 : i32 to vector<16xi32>
        %add3A_65 = arith.addi %get3A_60, %add3A_64 : vector<16xi32>
        %gather3A_66 = tpu.vector_load_idx %arg10[%add3A_59, %add3A_65] : memref<400x16xf32, #tpu.memory_space<vmem>>[vector<16xi32>, vector<16xi32>], vector<16xf32>,
        %add3A_67 = arith.constant 8 : i32
        %add3A_68 = vector.broadcast %add3A_67 : i32 to vector<16xi32>
        %add3A_69 = arith.addi %get3A_60, %add3A_68 : vector<16xi32>
        %gather3A_70 = tpu.vector_load_idx %arg11[%add3A_59, %add3A_69] : memref<400x16xf32, #tpu.memory_space<vmem>>[vector<16xi32>, vector<16xi32>], vector<16xf32>,
        %add3A_71 = arith.addf %gather3A_66, %gather3A_70 : vector<16xf32>
        %gt3A = arith.constant 0.000000e+00 : f32
        %gt3A_72 = vector.broadcast %gt3A : f32 to vector<16xf32>
        %gt3A_73 = arith.cmpf ogt, %add3A_62, %gt3A_72 : vector<16xf32>
        %jit3A = arith.constant 1.000000e+00 : f32
        %broadcast_in_dim3A = vector.broadcast %jit3A : f32 to vector<16xf32>
        %select_n3A = arith.select %gt3A_73, %add3A_62, %broadcast_in_dim3A : vector<16xi1>, vector<16xf32>
        %max3A = arith.constant 1.000000e+00 : f32
        %max3A_74 = vector.broadcast %max3A : f32 to vector<16xf32>
        %max3A_75 = arith.maximumf %add3A_71, %max3A_74 : vector<16xf32>
        %get3A_76 = arith.index_cast %multiple_of3A_57 : i32 to index
        %get3A_77 = tpu.vector_load %arg14[%get3A_76] {strides = array<i32>} : memref<400xf32, #tpu.memory_space<vmem>>, vector<16xf32>,
        %div3A = arith.divf %get3A_77, %select_n3A : vector<16xf32>
        %div3A_78 = arith.divf %div3A, %max3A_75 : vector<16xf32>
        %broadcast_in_dim3A_79 = arith.constant 0 : i32
        %broadcast_in_dim3A_80 = vector.broadcast %broadcast_in_dim3A_79 : i32 to vector<16x1xi32>
        %gather3A_81 = vector.shape_cast %broadcast_in_dim3A_80 : vector<16x1xi32> to vector<16xi32>
        %gather3A_82 = tpu.dynamic_gather %div3A_78[%gather3A_81] in [0] : vector<16xf32>, vector<16xi32> -> vector<16xf32>
        %add3A_83 = arith.constant 0 : i32
        %add3A_84 = arith.addi %multiple_of3A_57, %add3A_83 : i32
        %get3A_85 = arith.index_cast %add3A_84 : i32 to index
        %get3A_86 = arith.constant 0 : index
        %get3A_87 = tpu.vector_load %arg15[%get3A_85, %get3A_86] {strides = array<i32>} : memref<400x64xf32, #tpu.memory_space<vmem>>, vector<16xf32>,
        %mul3A_88 = arith.mulf %get3A_87, %gather3A_82 : vector<16xf32>
        %add3A_89 = arith.constant 0 : i32
        %add3A_90 = arith.addi %multiple_of3A_57, %add3A_89 : i32
        %swap3A = arith.index_cast %add3A_90 : i32 to index
        %swap3A_91 = arith.constant 0 : index
        %swap3A_92 = tpu.vector_load %arg15[%swap3A, %swap3A_91] {strides = array<i32>} : memref<400x64xf32, #tpu.memory_space<vmem>>, vector<16xf32>,
        tpu.vector_store %arg15[%swap3A, %swap3A_91], %mul3A_88 {strides = array<i32>} : memref<400x64xf32, #tpu.memory_space<vmem>>, vector<16xf32>,
        %add3A_93 = arith.constant 0 : i32
        %add3A_94 = arith.addi %multiple_of3A_57, %add3A_93 : i32
        %get3A_95 = arith.index_cast %add3A_94 : i32 to index
        %get3A_96 = arith.constant 16 : index
        %get3A_97 = tpu.vector_load %arg15[%get3A_95, %get3A_96] {strides = array<i32>} : memref<400x64xf32, #tpu.memory_space<vmem>>, vector<16xf32>,
        %mul3A_98 = arith.mulf %get3A_97, %gather3A_82 : vector<16xf32>
        %add3A_99 = arith.constant 0 : i32
        %add3A_100 = arith.addi %multiple_of3A_57, %add3A_99 : i32
        %swap3A_101 = arith.index_cast %add3A_100 : i32 to index
        %swap3A_102 = arith.constant 16 : index
        %swap3A_103 = tpu.vector_load %arg15[%swap3A_101, %swap3A_102] {strides = array<i32>} : memref<400x64xf32, #tpu.memory_space<vmem>>, vector<16xf32>,
        tpu.vector_store %arg15[%swap3A_101, %swap3A_102], %mul3A_98 {strides = array<i32>} : memref<400x64xf32, #tpu.memory_space<vmem>>, vector<16xf32>,
        %add3A_104 = arith.constant 0 : i32
        %add3A_105 = arith.addi %multiple_of3A_57, %add3A_104 : i32
        %get3A_106 = arith.index_cast %add3A_105 : i32 to index
        %get3A_107 = arith.constant 32 : index
        %get3A_108 = tpu.vector_load %arg15[%get3A_106, %get3A_107] {strides = array<i32>} : memref<400x64xf32, #tpu.memory_space<vmem>>, vector<16xf32>,
        %mul3A_109 = arith.mulf %get3A_108, %gather3A_82 : vector<16xf32>
        %add3A_110 = arith.constant 0 : i32
        %add3A_111 = arith.addi %multiple_of3A_57, %add3A_110 : i32
        %swap3A_112 = arith.index_cast %add3A_111 : i32 to index
        %swap3A_113 = arith.constant 32 : index
        %swap3A_114 = tpu.vector_load %arg15[%swap3A_112, %swap3A_113] {strides = array<i32>} : memref<400x64xf32, #tpu.memory_space<vmem>>, vector<16xf32>,
        tpu.vector_store %arg15[%swap3A_112, %swap3A_113], %mul3A_109 {strides = array<i32>} : memref<400x64xf32, #tpu.memory_space<vmem>>, vector<16xf32>,
        %add3A_115 = arith.constant 0 : i32
        %add3A_116 = arith.addi %multiple_of3A_57, %add3A_115 : i32
        %get3A_117 = arith.index_cast %add3A_116 : i32 to index
        %get3A_118 = arith.constant 48 : index
        %get3A_119 = tpu.vector_load %arg15[%get3A_117, %get3A_118] {strides = array<i32>} : memref<400x64xf32, #tpu.memory_space<vmem>>, vector<16xf32>,
        %mul3A_120 = arith.mulf %get3A_119, %gather3A_82 : vector<16xf32>
        %add3A_121 = arith.constant 0 : i32
        %add3A_122 = arith.addi %multiple_of3A_57, %add3A_121 : i32
        %swap3A_123 = arith.index_cast %add3A_122 : i32 to index
        %swap3A_124 = arith.constant 48 : index
        %swap3A_125 = tpu.vector_load %arg15[%swap3A_123, %swap3A_124] {strides = array<i32>} : memref<400x64xf32, #tpu.memory_space<vmem>>, vector<16xf32>,
        tpu.vector_store %arg15[%swap3A_123, %swap3A_124], %mul3A_120 {strides = array<i32>} : memref<400x64xf32, #tpu.memory_space<vmem>>, vector<16xf32>,
        %broadcast_in_dim3A_126 = arith.constant 1 : i32
        %broadcast_in_dim3A_127 = vector.broadcast %broadcast_in_dim3A_126 : i32 to vector<16x1xi32>
        %gather3A_128 = vector.shape_cast %broadcast_in_dim3A_127 : vector<16x1xi32> to vector<16xi32>
        %gather3A_129 = tpu.dynamic_gather %div3A_78[%gather3A_128] in [0] : vector<16xf32>, vector<16xi32> -> vector<16xf32>
        %add3A_130 = arith.constant 1 : i32
        %add3A_131 = arith.addi %multiple_of3A_57, %add3A_130 : i32
        %get3A_132 = arith.index_cast %add3A_131 : i32 to index
        %get3A_133 = arith.constant 0 : index
        %get3A_134 = tpu.vector_load %arg15[%get3A_132, %get3A_133] {strides = array<i32>} : memref<400x64xf32, #tpu.memory_space<vmem>>, vector<16xf32>,
        %mul3A_135 = arith.mulf %get3A_134, %gather3A_129 : vector<16xf32>
        %add3A_136 = arith.constant 1 : i32
        %add3A_137 = arith.addi %multiple_of3A_57, %add3A_136 : i32
        %swap3A_138 = arith.index_cast %add3A_137 : i32 to index
        %swap3A_139 = arith.constant 0 : index
        %swap3A_140 = tpu.vector_load %arg15[%swap3A_138, %swap3A_139] {strides = array<i32>} : memref<400x64xf32, #tpu.memory_space<vmem>>, vector<16xf32>,
        tpu.vector_store %arg15[%swap3A_138, %swap3A_139], %mul3A_135 {strides = array<i32>} : memref<400x64xf32, #tpu.memory_space<vmem>>, vector<16xf32>,
        %add3A_141 = arith.constant 1 : i32
        %add3A_142 = arith.addi %multiple_of3A_57, %add3A_141 : i32
        %get3A_143 = arith.index_cast %add3A_142 : i32 to index
        %get3A_144 = arith.constant 16 : index
        %get3A_145 = tpu.vector_load %arg15[%get3A_143, %get3A_144] {strides = array<i32>} : memref<400x64xf32, #tpu.memory_space<vmem>>, vector<16xf32>,
        %mul3A_146 = arith.mulf %get3A_145, %gather3A_129 : vector<16xf32>
        %add3A_147 = arith.constant 1 : i32
        %add3A_148 = arith.addi %multiple_of3A_57, %add3A_147 : i32
        %swap3A_149 = arith.index_cast %add3A_148 : i32 to index
        %swap3A_150 = arith.constant 16 : index
        %swap3A_151 = tpu.vector_load %arg15[%swap3A_149, %swap3A_150] {strides = array<i32>} : memref<400x64xf32, #tpu.memory_space<vmem>>, vector<16xf32>,
        tpu.vector_store %arg15[%swap3A_149, %swap3A_150], %mul3A_146 {strides = array<i32>} : memref<400x64xf32, #tpu.memory_space<vmem>>, vector<16xf32>,
        %add3A_152 = arith.constant 1 : i32
        %add3A_153 = arith.addi %multiple_of3A_57, %add3A_152 : i32
        %get3A_154 = arith.index_cast %add3A_153 : i32 to index
        %get3A_155 = arith.constant 32 : index
        %get3A_156 = tpu.vector_load %arg15[%get3A_154, %get3A_155] {strides = array<i32>} : memref<400x64xf32, #tpu.memory_space<vmem>>, vector<16xf32>,
        %mul3A_157 = arith.mulf %get3A_156, %gather3A_129 : vector<16xf32>
        %add3A_158 = arith.constant 1 : i32
        %add3A_159 = arith.addi %multiple_of3A_57, %add3A_158 : i32
        %swap3A_160 = arith.index_cast %add3A_159 : i32 to index
        %swap3A_161 = arith.constant 32 : index
        %swap3A_162 = tpu.vector_load %arg15[%swap3A_160, %swap3A_161] {strides = array<i32>} : memref<400x64xf32, #tpu.memory_space<vmem>>, vector<16xf32>,
        tpu.vector_store %arg15[%swap3A_160, %swap3A_161], %mul3A_157 {strides = array<i32>} : memref<400x64xf32, #tpu.memory_space<vmem>>, vector<16xf32>,
        %add3A_163 = arith.constant 1 : i32
        %add3A_164 = arith.addi %multiple_of3A_57, %add3A_163 : i32
        %get3A_165 = arith.index_cast %add3A_164 : i32 to index
        %get3A_166 = arith.constant 48 : index
        %get3A_167 = tpu.vector_load %arg15[%get3A_165, %get3A_166] {strides = array<i32>} : memref<400x64xf32, #tpu.memory_space<vmem>>, vector<16xf32>,
        %mul3A_168 = arith.mulf %get3A_167, %gather3A_129 : vector<16xf32>
        %add3A_169 = arith.constant 1 : i32
        %add3A_170 = arith.addi %multiple_of3A_57, %add3A_169 : i32
        %swap3A_171 = arith.index_cast %add3A_170 : i32 to index
        %swap3A_172 = arith.constant 48 : index
        %swap3A_173 = tpu.vector_load %arg15[%swap3A_171, %swap3A_172] {strides = array<i32>} : memref<400x64xf32, #tpu.memory_space<vmem>>, vector<16xf32>,
        tpu.vector_store %arg15[%swap3A_171, %swap3A_172], %mul3A_168 {strides = array<i32>} : memref<400x64xf32, #tpu.memory_space<vmem>>, vector<16xf32>,
        %broadcast_in_dim3A_174 = arith.constant 2 : i32
        %broadcast_in_dim3A_175 = vector.broadcast %broadcast_in_dim3A_174 : i32 to vector<16x1xi32>
        %gather3A_176 = vector.shape_cast %broadcast_in_dim3A_175 : vector<16x1xi32> to vector<16xi32>
        %gather3A_177 = tpu.dynamic_gather %div3A_78[%gather3A_176] in [0] : vector<16xf32>, vector<16xi32> -> vector<16xf32>
        %add3A_178 = arith.constant 2 : i32
        %add3A_179 = arith.addi %multiple_of3A_57, %add3A_178 : i32
        %get3A_180 = arith.index_cast %add3A_179 : i32 to index
        %get3A_181 = arith.constant 0 : index
        %get3A_182 = tpu.vector_load %arg15[%get3A_180, %get3A_181] {strides = array<i32>} : memref<400x64xf32, #tpu.memory_space<vmem>>, vector<16xf32>,
        %mul3A_183 = arith.mulf %get3A_182, %gather3A_177 : vector<16xf32>
        %add3A_184 = arith.constant 2 : i32
        %add3A_185 = arith.addi %multiple_of3A_57, %add3A_184 : i32
        %swap3A_186 = arith.index_cast %add3A_185 : i32 to index
        %swap3A_187 = arith.constant 0 : index
        %swap3A_188 = tpu.vector_load %arg15[%swap3A_186, %swap3A_187] {strides = array<i32>} : memref<400x64xf32, #tpu.memory_space<vmem>>, vector<16xf32>,
        tpu.vector_store %arg15[%swap3A_186, %swap3A_187], %mul3A_183 {strides = array<i32>} : memref<400x64xf32, #tpu.memory_space<vmem>>, vector<16xf32>,
        %add3A_189 = arith.constant 2 : i32
        %add3A_190 = arith.addi %multiple_of3A_57, %add3A_189 : i32
        %get3A_191 = arith.index_cast %add3A_190 : i32 to index
        %get3A_192 = arith.constant 16 : index
        %get3A_193 = tpu.vector_load %arg15[%get3A_191, %get3A_192] {strides = array<i32>} : memref<400x64xf32, #tpu.memory_space<vmem>>, vector<16xf32>,
        %mul3A_194 = arith.mulf %get3A_193, %gather3A_177 : vector<16xf32>
        %add3A_195 = arith.constant 2 : i32
        %add3A_196 = arith.addi %multiple_of3A_57, %add3A_195 : i32
        %swap3A_197 = arith.index_cast %add3A_196 : i32 to index
        %swap3A_198 = arith.constant 16 : index
        %swap3A_199 = tpu.vector_load %arg15[%swap3A_197, %swap3A_198] {strides = array<i32>} : memref<400x64xf32, #tpu.memory_space<vmem>>, vector<16xf32>,
        tpu.vector_store %arg15[%swap3A_197, %swap3A_198], %mul3A_194 {strides = array<i32>} : memref<400x64xf32, #tpu.memory_space<vmem>>, vector<16xf32>,
        %add3A_200 = arith.constant 2 : i32
        %add3A_201 = arith.addi %multiple_of3A_57, %add3A_200 : i32
        %get3A_202 = arith.index_cast %add3A_201 : i32 to index
        %get3A_203 = arith.constant 32 : index
        %get3A_204 = tpu.vector_load %arg15[%get3A_202, %get3A_203] {strides = array<i32>} : memref<400x64xf32, #tpu.memory_space<vmem>>, vector<16xf32>,
        %mul3A_205 = arith.mulf %get3A_204, %gather3A_177 : vector<16xf32>
        %add3A_206 = arith.constant 2 : i32
        %add3A_207 = arith.addi %multiple_of3A_57, %add3A_206 : i32
        %swap3A_208 = arith.index_cast %add3A_207 : i32 to index
        %swap3A_209 = arith.constant 32 : index
        %swap3A_210 = tpu.vector_load %arg15[%swap3A_208, %swap3A_209] {strides = array<i32>} : memref<400x64xf32, #tpu.memory_space<vmem>>, vector<16xf32>,
        tpu.vector_store %arg15[%swap3A_208, %swap3A_209], %mul3A_205 {strides = array<i32>} : memref<400x64xf32, #tpu.memory_space<vmem>>, vector<16xf32>,
        %add3A_211 = arith.constant 2 : i32
        %add3A_212 = arith.addi %multiple_of3A_57, %add3A_211 : i32
        %get3A_213 = arith.index_cast %add3A_212 : i32 to index
        %get3A_214 = arith.constant 48 : index
        %get3A_215 = tpu.vector_load %arg15[%get3A_213, %get3A_214] {strides = array<i32>} : memref<400x64xf32, #tpu.memory_space<vmem>>, vector<16xf32>,
        %mul3A_216 = arith.mulf %get3A_215, %gather3A_177 : vector<16xf32>
        %add3A_217 = arith.constant 2 : i32
        %add3A_218 = arith.addi %multiple_of3A_57, %add3A_217 : i32
        %swap3A_219 = arith.index_cast %add3A_218 : i32 to index
        %swap3A_220 = arith.constant 48 : index
        %swap3A_221 = tpu.vector_load %arg15[%swap3A_219, %swap3A_220] {strides = array<i32>} : memref<400x64xf32, #tpu.memory_space<vmem>>, vector<16xf32>,
        tpu.vector_store %arg15[%swap3A_219, %swap3A_220], %mul3A_216 {strides = array<i32>} : memref<400x64xf32, #tpu.memory_space<vmem>>, vector<16xf32>,
        %broadcast_in_dim3A_222 = arith.constant 3 : i32
        %broadcast_in_dim3A_223 = vector.broadcast %broadcast_in_dim3A_222 : i32 to vector<16x1xi32>
        %gather3A_224 = vector.shape_cast %broadcast_in_dim3A_223 : vector<16x1xi32> to vector<16xi32>
        %gather3A_225 = tpu.dynamic_gather %div3A_78[%gather3A_224] in [0] : vector<16xf32>, vector<16xi32> -> vector<16xf32>
        %add3A_226 = arith.constant 3 : i32
        %add3A_227 = arith.addi %multiple_of3A_57, %add3A_226 : i32
        %get3A_228 = arith.index_cast %add3A_227 : i32 to index
        %get3A_229 = arith.constant 0 : index
        %get3A_230 = tpu.vector_load %arg15[%get3A_228, %get3A_229] {strides = array<i32>} : memref<400x64xf32, #tpu.memory_space<vmem>>, vector<16xf32>,
        %mul3A_231 = arith.mulf %get3A_230, %gather3A_225 : vector<16xf32>
        %add3A_232 = arith.constant 3 : i32
        %add3A_233 = arith.addi %multiple_of3A_57, %add3A_232 : i32
        %swap3A_234 = arith.index_cast %add3A_233 : i32 to index
        %swap3A_235 = arith.constant 0 : index
        %swap3A_236 = tpu.vector_load %arg15[%swap3A_234, %swap3A_235] {strides = array<i32>} : memref<400x64xf32, #tpu.memory_space<vmem>>, vector<16xf32>,
        tpu.vector_store %arg15[%swap3A_234, %swap3A_235], %mul3A_231 {strides = array<i32>} : memref<400x64xf32, #tpu.memory_space<vmem>>, vector<16xf32>,
        %add3A_237 = arith.constant 3 : i32
        %add3A_238 = arith.addi %multiple_of3A_57, %add3A_237 : i32
        %get3A_239 = arith.index_cast %add3A_238 : i32 to index
        %get3A_240 = arith.constant 16 : index
        %get3A_241 = tpu.vector_load %arg15[%get3A_239, %get3A_240] {strides = array<i32>} : memref<400x64xf32, #tpu.memory_space<vmem>>, vector<16xf32>,
        %mul3A_242 = arith.mulf %get3A_241, %gather3A_225 : vector<16xf32>
        %add3A_243 = arith.constant 3 : i32
        %add3A_244 = arith.addi %multiple_of3A_57, %add3A_243 : i32
        %swap3A_245 = arith.index_cast %add3A_244 : i32 to index
        %swap3A_246 = arith.constant 16 : index
        %swap3A_247 = tpu.vector_load %arg15[%swap3A_245, %swap3A_246] {strides = array<i32>} : memref<400x64xf32, #tpu.memory_space<vmem>>, vector<16xf32>,
        tpu.vector_store %arg15[%swap3A_245, %swap3A_246], %mul3A_242 {strides = array<i32>} : memref<400x64xf32, #tpu.memory_space<vmem>>, vector<16xf32>,
        %add3A_248 = arith.constant 3 : i32
        %add3A_249 = arith.addi %multiple_of3A_57, %add3A_248 : i32
        %get3A_250 = arith.index_cast %add3A_249 : i32 to index
        %get3A_251 = arith.constant 32 : index
        %get3A_252 = tpu.vector_load %arg15[%get3A_250, %get3A_251] {strides = array<i32>} : memref<400x64xf32, #tpu.memory_space<vmem>>, vector<16xf32>,
        %mul3A_253 = arith.mulf %get3A_252, %gather3A_225 : vector<16xf32>
        %add3A_254 = arith.constant 3 : i32
        %add3A_255 = arith.addi %multiple_of3A_57, %add3A_254 : i32
        %swap3A_256 = arith.index_cast %add3A_255 : i32 to index
        %swap3A_257 = arith.constant 32 : index
        %swap3A_258 = tpu.vector_load %arg15[%swap3A_256, %swap3A_257] {strides = array<i32>} : memref<400x64xf32, #tpu.memory_space<vmem>>, vector<16xf32>,
        tpu.vector_store %arg15[%swap3A_256, %swap3A_257], %mul3A_253 {strides = array<i32>} : memref<400x64xf32, #tpu.memory_space<vmem>>, vector<16xf32>,
        %add3A_259 = arith.constant 3 : i32
        %add3A_260 = arith.addi %multiple_of3A_57, %add3A_259 : i32
        %get3A_261 = arith.index_cast %add3A_260 : i32 to index
        %get3A_262 = arith.constant 48 : index
        %get3A_263 = tpu.vector_load %arg15[%get3A_261, %get3A_262] {strides = array<i32>} : memref<400x64xf32, #tpu.memory_space<vmem>>, vector<16xf32>,
        %mul3A_264 = arith.mulf %get3A_263, %gather3A_225 : vector<16xf32>
        %add3A_265 = arith.constant 3 : i32
        %add3A_266 = arith.addi %multiple_of3A_57, %add3A_265 : i32
        %swap3A_267 = arith.index_cast %add3A_266 : i32 to index
        %swap3A_268 = arith.constant 48 : index
        %swap3A_269 = tpu.vector_load %arg15[%swap3A_267, %swap3A_268] {strides = array<i32>} : memref<400x64xf32, #tpu.memory_space<vmem>>, vector<16xf32>,
        tpu.vector_store %arg15[%swap3A_267, %swap3A_268], %mul3A_264 {strides = array<i32>} : memref<400x64xf32, #tpu.memory_space<vmem>>, vector<16xf32>,
        %broadcast_in_dim3A_270 = arith.constant 4 : i32
        %broadcast_in_dim3A_271 = vector.broadcast %broadcast_in_dim3A_270 : i32 to vector<16x1xi32>
        %gather3A_272 = vector.shape_cast %broadcast_in_dim3A_271 : vector<16x1xi32> to vector<16xi32>
        %gather3A_273 = tpu.dynamic_gather %div3A_78[%gather3A_272] in [0] : vector<16xf32>, vector<16xi32> -> vector<16xf32>
        %add3A_274 = arith.constant 4 : i32
        %add3A_275 = arith.addi %multiple_of3A_57, %add3A_274 : i32
        %get3A_276 = arith.index_cast %add3A_275 : i32 to index
        %get3A_277 = arith.constant 0 : index
        %get3A_278 = tpu.vector_load %arg15[%get3A_276, %get3A_277] {strides = array<i32>} : memref<400x64xf32, #tpu.memory_space<vmem>>, vector<16xf32>,
        %mul3A_279 = arith.mulf %get3A_278, %gather3A_273 : vector<16xf32>
        %add3A_280 = arith.constant 4 : i32
        %add3A_281 = arith.addi %multiple_of3A_57, %add3A_280 : i32
        %swap3A_282 = arith.index_cast %add3A_281 : i32 to index
        %swap3A_283 = arith.constant 0 : index
        %swap3A_284 = tpu.vector_load %arg15[%swap3A_282, %swap3A_283] {strides = array<i32>} : memref<400x64xf32, #tpu.memory_space<vmem>>, vector<16xf32>,
        tpu.vector_store %arg15[%swap3A_282, %swap3A_283], %mul3A_279 {strides = array<i32>} : memref<400x64xf32, #tpu.memory_space<vmem>>, vector<16xf32>,
        %add3A_285 = arith.constant 4 : i32
        %add3A_286 = arith.addi %multiple_of3A_57, %add3A_285 : i32
        %get3A_287 = arith.index_cast %add3A_286 : i32 to index
        %get3A_288 = arith.constant 16 : index
        %get3A_289 = tpu.vector_load %arg15[%get3A_287, %get3A_288] {strides = array<i32>} : memref<400x64xf32, #tpu.memory_space<vmem>>, vector<16xf32>,
        %mul3A_290 = arith.mulf %get3A_289, %gather3A_273 : vector<16xf32>
        %add3A_291 = arith.constant 4 : i32
        %add3A_292 = arith.addi %multiple_of3A_57, %add3A_291 : i32
        %swap3A_293 = arith.index_cast %add3A_292 : i32 to index
        %swap3A_294 = arith.constant 16 : index
        %swap3A_295 = tpu.vector_load %arg15[%swap3A_293, %swap3A_294] {strides = array<i32>} : memref<400x64xf32, #tpu.memory_space<vmem>>, vector<16xf32>,
        tpu.vector_store %arg15[%swap3A_293, %swap3A_294], %mul3A_290 {strides = array<i32>} : memref<400x64xf32, #tpu.memory_space<vmem>>, vector<16xf32>,
        %add3A_296 = arith.constant 4 : i32
        %add3A_297 = arith.addi %multiple_of3A_57, %add3A_296 : i32
        %get3A_298 = arith.index_cast %add3A_297 : i32 to index
        %get3A_299 = arith.constant 32 : index
        %get3A_300 = tpu.vector_load %arg15[%get3A_298, %get3A_299] {strides = array<i32>} : memref<400x64xf32, #tpu.memory_space<vmem>>, vector<16xf32>,
        %mul3A_301 = arith.mulf %get3A_300, %gather3A_273 : vector<16xf32>
        %add3A_302 = arith.constant 4 : i32
        %add3A_303 = arith.addi %multiple_of3A_57, %add3A_302 : i32
        %swap3A_304 = arith.index_cast %add3A_303 : i32 to index
        %swap3A_305 = arith.constant 32 : index
        %swap3A_306 = tpu.vector_load %arg15[%swap3A_304, %swap3A_305] {strides = array<i32>} : memref<400x64xf32, #tpu.memory_space<vmem>>, vector<16xf32>,
        tpu.vector_store %arg15[%swap3A_304, %swap3A_305], %mul3A_301 {strides = array<i32>} : memref<400x64xf32, #tpu.memory_space<vmem>>, vector<16xf32>,
        %add3A_307 = arith.constant 4 : i32
        %add3A_308 = arith.addi %multiple_of3A_57, %add3A_307 : i32
        %get3A_309 = arith.index_cast %add3A_308 : i32 to index
        %get3A_310 = arith.constant 48 : index
        %get3A_311 = tpu.vector_load %arg15[%get3A_309, %get3A_310] {strides = array<i32>} : memref<400x64xf32, #tpu.memory_space<vmem>>, vector<16xf32>,
        %mul3A_312 = arith.mulf %get3A_311, %gather3A_273 : vector<16xf32>
        %add3A_313 = arith.constant 4 : i32
        %add3A_314 = arith.addi %multiple_of3A_57, %add3A_313 : i32
        %swap3A_315 = arith.index_cast %add3A_314 : i32 to index
        %swap3A_316 = arith.constant 48 : index
        %swap3A_317 = tpu.vector_load %arg15[%swap3A_315, %swap3A_316] {strides = array<i32>} : memref<400x64xf32, #tpu.memory_space<vmem>>, vector<16xf32>,
        tpu.vector_store %arg15[%swap3A_315, %swap3A_316], %mul3A_312 {strides = array<i32>} : memref<400x64xf32, #tpu.memory_space<vmem>>, vector<16xf32>,
        %broadcast_in_dim3A_318 = arith.constant 5 : i32
        %broadcast_in_dim3A_319 = vector.broadcast %broadcast_in_dim3A_318 : i32 to vector<16x1xi32>
        %gather3A_320 = vector.shape_cast %broadcast_in_dim3A_319 : vector<16x1xi32> to vector<16xi32>
        %gather3A_321 = tpu.dynamic_gather %div3A_78[%gather3A_320] in [0] : vector<16xf32>, vector<16xi32> -> vector<16xf32>
        %add3A_322 = arith.constant 5 : i32
        %add3A_323 = arith.addi %multiple_of3A_57, %add3A_322 : i32
        %get3A_324 = arith.index_cast %add3A_323 : i32 to index
        %get3A_325 = arith.constant 0 : index
        %get3A_326 = tpu.vector_load %arg15[%get3A_324, %get3A_325] {strides = array<i32>} : memref<400x64xf32, #tpu.memory_space<vmem>>, vector<16xf32>,
        %mul3A_327 = arith.mulf %get3A_326, %gather3A_321 : vector<16xf32>
        %add3A_328 = arith.constant 5 : i32
        %add3A_329 = arith.addi %multiple_of3A_57, %add3A_328 : i32
        %swap3A_330 = arith.index_cast %add3A_329 : i32 to index
        %swap3A_331 = arith.constant 0 : index
        %swap3A_332 = tpu.vector_load %arg15[%swap3A_330, %swap3A_331] {strides = array<i32>} : memref<400x64xf32, #tpu.memory_space<vmem>>, vector<16xf32>,
        tpu.vector_store %arg15[%swap3A_330, %swap3A_331], %mul3A_327 {strides = array<i32>} : memref<400x64xf32, #tpu.memory_space<vmem>>, vector<16xf32>,
        %add3A_333 = arith.constant 5 : i32
        %add3A_334 = arith.addi %multiple_of3A_57, %add3A_333 : i32
        %get3A_335 = arith.index_cast %add3A_334 : i32 to index
        %get3A_336 = arith.constant 16 : index
        %get3A_337 = tpu.vector_load %arg15[%get3A_335, %get3A_336] {strides = array<i32>} : memref<400x64xf32, #tpu.memory_space<vmem>>, vector<16xf32>,
        %mul3A_338 = arith.mulf %get3A_337, %gather3A_321 : vector<16xf32>
        %add3A_339 = arith.constant 5 : i32
        %add3A_340 = arith.addi %multiple_of3A_57, %add3A_339 : i32
        %swap3A_341 = arith.index_cast %add3A_340 : i32 to index
        %swap3A_342 = arith.constant 16 : index
        %swap3A_343 = tpu.vector_load %arg15[%swap3A_341, %swap3A_342] {strides = array<i32>} : memref<400x64xf32, #tpu.memory_space<vmem>>, vector<16xf32>,
        tpu.vector_store %arg15[%swap3A_341, %swap3A_342], %mul3A_338 {strides = array<i32>} : memref<400x64xf32, #tpu.memory_space<vmem>>, vector<16xf32>,
        %add3A_344 = arith.constant 5 : i32
        %add3A_345 = arith.addi %multiple_of3A_57, %add3A_344 : i32
        %get3A_346 = arith.index_cast %add3A_345 : i32 to index
        %get3A_347 = arith.constant 32 : index
        %get3A_348 = tpu.vector_load %arg15[%get3A_346, %get3A_347] {strides = array<i32>} : memref<400x64xf32, #tpu.memory_space<vmem>>, vector<16xf32>,
        %mul3A_349 = arith.mulf %get3A_348, %gather3A_321 : vector<16xf32>
        %add3A_350 = arith.constant 5 : i32
        %add3A_351 = arith.addi %multiple_of3A_57, %add3A_350 : i32
        %swap3A_352 = arith.index_cast %add3A_351 : i32 to index
        %swap3A_353 = arith.constant 32 : index
        %swap3A_354 = tpu.vector_load %arg15[%swap3A_352, %swap3A_353] {strides = array<i32>} : memref<400x64xf32, #tpu.memory_space<vmem>>, vector<16xf32>,
        tpu.vector_store %arg15[%swap3A_352, %swap3A_353], %mul3A_349 {strides = array<i32>} : memref<400x64xf32, #tpu.memory_space<vmem>>, vector<16xf32>,
        %add3A_355 = arith.constant 5 : i32
        %add3A_356 = arith.addi %multiple_of3A_57, %add3A_355 : i32
        %get3A_357 = arith.index_cast %add3A_356 : i32 to index
        %get3A_358 = arith.constant 48 : index
        %get3A_359 = tpu.vector_load %arg15[%get3A_357, %get3A_358] {strides = array<i32>} : memref<400x64xf32, #tpu.memory_space<vmem>>, vector<16xf32>,
        %mul3A_360 = arith.mulf %get3A_359, %gather3A_321 : vector<16xf32>
        %add3A_361 = arith.constant 5 : i32
        %add3A_362 = arith.addi %multiple_of3A_57, %add3A_361 : i32
        %swap3A_363 = arith.index_cast %add3A_362 : i32 to index
        %swap3A_364 = arith.constant 48 : index
        %swap3A_365 = tpu.vector_load %arg15[%swap3A_363, %swap3A_364] {strides = array<i32>} : memref<400x64xf32, #tpu.memory_space<vmem>>, vector<16xf32>,
        tpu.vector_store %arg15[%swap3A_363, %swap3A_364], %mul3A_360 {strides = array<i32>} : memref<400x64xf32, #tpu.memory_space<vmem>>, vector<16xf32>,
        %broadcast_in_dim3A_366 = arith.constant 6 : i32
        %broadcast_in_dim3A_367 = vector.broadcast %broadcast_in_dim3A_366 : i32 to vector<16x1xi32>
        %gather3A_368 = vector.shape_cast %broadcast_in_dim3A_367 : vector<16x1xi32> to vector<16xi32>
        %gather3A_369 = tpu.dynamic_gather %div3A_78[%gather3A_368] in [0] : vector<16xf32>, vector<16xi32> -> vector<16xf32>
        %add3A_370 = arith.constant 6 : i32
        %add3A_371 = arith.addi %multiple_of3A_57, %add3A_370 : i32
        %get3A_372 = arith.index_cast %add3A_371 : i32 to index
        %get3A_373 = arith.constant 0 : index
        %get3A_374 = tpu.vector_load %arg15[%get3A_372, %get3A_373] {strides = array<i32>} : memref<400x64xf32, #tpu.memory_space<vmem>>, vector<16xf32>,
        %mul3A_375 = arith.mulf %get3A_374, %gather3A_369 : vector<16xf32>
        %add3A_376 = arith.constant 6 : i32
        %add3A_377 = arith.addi %multiple_of3A_57, %add3A_376 : i32
        %swap3A_378 = arith.index_cast %add3A_377 : i32 to index
        %swap3A_379 = arith.constant 0 : index
        %swap3A_380 = tpu.vector_load %arg15[%swap3A_378, %swap3A_379] {strides = array<i32>} : memref<400x64xf32, #tpu.memory_space<vmem>>, vector<16xf32>,
        tpu.vector_store %arg15[%swap3A_378, %swap3A_379], %mul3A_375 {strides = array<i32>} : memref<400x64xf32, #tpu.memory_space<vmem>>, vector<16xf32>,
        %add3A_381 = arith.constant 6 : i32
        %add3A_382 = arith.addi %multiple_of3A_57, %add3A_381 : i32
        %get3A_383 = arith.index_cast %add3A_382 : i32 to index
        %get3A_384 = arith.constant 16 : index
        %get3A_385 = tpu.vector_load %arg15[%get3A_383, %get3A_384] {strides = array<i32>} : memref<400x64xf32, #tpu.memory_space<vmem>>, vector<16xf32>,
        %mul3A_386 = arith.mulf %get3A_385, %gather3A_369 : vector<16xf32>
        %add3A_387 = arith.constant 6 : i32
        %add3A_388 = arith.addi %multiple_of3A_57, %add3A_387 : i32
        %swap3A_389 = arith.index_cast %add3A_388 : i32 to index
        %swap3A_390 = arith.constant 16 : index
        %swap3A_391 = tpu.vector_load %arg15[%swap3A_389, %swap3A_390] {strides = array<i32>} : memref<400x64xf32, #tpu.memory_space<vmem>>, vector<16xf32>,
        tpu.vector_store %arg15[%swap3A_389, %swap3A_390], %mul3A_386 {strides = array<i32>} : memref<400x64xf32, #tpu.memory_space<vmem>>, vector<16xf32>,
        %add3A_392 = arith.constant 6 : i32
        %add3A_393 = arith.addi %multiple_of3A_57, %add3A_392 : i32
        %get3A_394 = arith.index_cast %add3A_393 : i32 to index
        %get3A_395 = arith.constant 32 : index
        %get3A_396 = tpu.vector_load %arg15[%get3A_394, %get3A_395] {strides = array<i32>} : memref<400x64xf32, #tpu.memory_space<vmem>>, vector<16xf32>,
        %mul3A_397 = arith.mulf %get3A_396, %gather3A_369 : vector<16xf32>
        %add3A_398 = arith.constant 6 : i32
        %add3A_399 = arith.addi %multiple_of3A_57, %add3A_398 : i32
        %swap3A_400 = arith.index_cast %add3A_399 : i32 to index
        %swap3A_401 = arith.constant 32 : index
        %swap3A_402 = tpu.vector_load %arg15[%swap3A_400, %swap3A_401] {strides = array<i32>} : memref<400x64xf32, #tpu.memory_space<vmem>>, vector<16xf32>,
        tpu.vector_store %arg15[%swap3A_400, %swap3A_401], %mul3A_397 {strides = array<i32>} : memref<400x64xf32, #tpu.memory_space<vmem>>, vector<16xf32>,
        %add3A_403 = arith.constant 6 : i32
        %add3A_404 = arith.addi %multiple_of3A_57, %add3A_403 : i32
        %get3A_405 = arith.index_cast %add3A_404 : i32 to index
        %get3A_406 = arith.constant 48 : index
        %get3A_407 = tpu.vector_load %arg15[%get3A_405, %get3A_406] {strides = array<i32>} : memref<400x64xf32, #tpu.memory_space<vmem>>, vector<16xf32>,
        %mul3A_408 = arith.mulf %get3A_407, %gather3A_369 : vector<16xf32>
        %add3A_409 = arith.constant 6 : i32
        %add3A_410 = arith.addi %multiple_of3A_57, %add3A_409 : i32
        %swap3A_411 = arith.index_cast %add3A_410 : i32 to index
        %swap3A_412 = arith.constant 48 : index
        %swap3A_413 = tpu.vector_load %arg15[%swap3A_411, %swap3A_412] {strides = array<i32>} : memref<400x64xf32, #tpu.memory_space<vmem>>, vector<16xf32>,
        tpu.vector_store %arg15[%swap3A_411, %swap3A_412], %mul3A_408 {strides = array<i32>} : memref<400x64xf32, #tpu.memory_space<vmem>>, vector<16xf32>,
        %broadcast_in_dim3A_414 = arith.constant 7 : i32
        %broadcast_in_dim3A_415 = vector.broadcast %broadcast_in_dim3A_414 : i32 to vector<16x1xi32>
        %gather3A_416 = vector.shape_cast %broadcast_in_dim3A_415 : vector<16x1xi32> to vector<16xi32>
        %gather3A_417 = tpu.dynamic_gather %div3A_78[%gather3A_416] in [0] : vector<16xf32>, vector<16xi32> -> vector<16xf32>
        %add3A_418 = arith.constant 7 : i32
        %add3A_419 = arith.addi %multiple_of3A_57, %add3A_418 : i32
        %get3A_420 = arith.index_cast %add3A_419 : i32 to index
        %get3A_421 = arith.constant 0 : index
        %get3A_422 = tpu.vector_load %arg15[%get3A_420, %get3A_421] {strides = array<i32>} : memref<400x64xf32, #tpu.memory_space<vmem>>, vector<16xf32>,
        %mul3A_423 = arith.mulf %get3A_422, %gather3A_417 : vector<16xf32>
        %add3A_424 = arith.constant 7 : i32
        %add3A_425 = arith.addi %multiple_of3A_57, %add3A_424 : i32
        %swap3A_426 = arith.index_cast %add3A_425 : i32 to index
        %swap3A_427 = arith.constant 0 : index
        %swap3A_428 = tpu.vector_load %arg15[%swap3A_426, %swap3A_427] {strides = array<i32>} : memref<400x64xf32, #tpu.memory_space<vmem>>, vector<16xf32>,
        tpu.vector_store %arg15[%swap3A_426, %swap3A_427], %mul3A_423 {strides = array<i32>} : memref<400x64xf32, #tpu.memory_space<vmem>>, vector<16xf32>,
        %add3A_429 = arith.constant 7 : i32
        %add3A_430 = arith.addi %multiple_of3A_57, %add3A_429 : i32
        %get3A_431 = arith.index_cast %add3A_430 : i32 to index
        %get3A_432 = arith.constant 16 : index
        %get3A_433 = tpu.vector_load %arg15[%get3A_431, %get3A_432] {strides = array<i32>} : memref<400x64xf32, #tpu.memory_space<vmem>>, vector<16xf32>,
        %mul3A_434 = arith.mulf %get3A_433, %gather3A_417 : vector<16xf32>
        %add3A_435 = arith.constant 7 : i32
        %add3A_436 = arith.addi %multiple_of3A_57, %add3A_435 : i32
        %swap3A_437 = arith.index_cast %add3A_436 : i32 to index
        %swap3A_438 = arith.constant 16 : index
        %swap3A_439 = tpu.vector_load %arg15[%swap3A_437, %swap3A_438] {strides = array<i32>} : memref<400x64xf32, #tpu.memory_space<vmem>>, vector<16xf32>,
        tpu.vector_store %arg15[%swap3A_437, %swap3A_438], %mul3A_434 {strides = array<i32>} : memref<400x64xf32, #tpu.memory_space<vmem>>, vector<16xf32>,
        %add3A_440 = arith.constant 7 : i32
        %add3A_441 = arith.addi %multiple_of3A_57, %add3A_440 : i32
        %get3A_442 = arith.index_cast %add3A_441 : i32 to index
        %get3A_443 = arith.constant 32 : index
        %get3A_444 = tpu.vector_load %arg15[%get3A_442, %get3A_443] {strides = array<i32>} : memref<400x64xf32, #tpu.memory_space<vmem>>, vector<16xf32>,
        %mul3A_445 = arith.mulf %get3A_444, %gather3A_417 : vector<16xf32>
        %add3A_446 = arith.constant 7 : i32
        %add3A_447 = arith.addi %multiple_of3A_57, %add3A_446 : i32
        %swap3A_448 = arith.index_cast %add3A_447 : i32 to index
        %swap3A_449 = arith.constant 32 : index
        %swap3A_450 = tpu.vector_load %arg15[%swap3A_448, %swap3A_449] {strides = array<i32>} : memref<400x64xf32, #tpu.memory_space<vmem>>, vector<16xf32>,
        tpu.vector_store %arg15[%swap3A_448, %swap3A_449], %mul3A_445 {strides = array<i32>} : memref<400x64xf32, #tpu.memory_space<vmem>>, vector<16xf32>,
        %add3A_451 = arith.constant 7 : i32
        %add3A_452 = arith.addi %multiple_of3A_57, %add3A_451 : i32
        %get3A_453 = arith.index_cast %add3A_452 : i32 to index
        %get3A_454 = arith.constant 48 : index
        %get3A_455 = tpu.vector_load %arg15[%get3A_453, %get3A_454] {strides = array<i32>} : memref<400x64xf32, #tpu.memory_space<vmem>>, vector<16xf32>,
        %mul3A_456 = arith.mulf %get3A_455, %gather3A_417 : vector<16xf32>
        %add3A_457 = arith.constant 7 : i32
        %add3A_458 = arith.addi %multiple_of3A_57, %add3A_457 : i32
        %swap3A_459 = arith.index_cast %add3A_458 : i32 to index
        %swap3A_460 = arith.constant 48 : index
        %swap3A_461 = tpu.vector_load %arg15[%swap3A_459, %swap3A_460] {strides = array<i32>} : memref<400x64xf32, #tpu.memory_space<vmem>>, vector<16xf32>,
        tpu.vector_store %arg15[%swap3A_459, %swap3A_460], %mul3A_456 {strides = array<i32>} : memref<400x64xf32, #tpu.memory_space<vmem>>, vector<16xf32>,
        %broadcast_in_dim3A_462 = arith.constant 8 : i32
        %broadcast_in_dim3A_463 = vector.broadcast %broadcast_in_dim3A_462 : i32 to vector<16x1xi32>
        %gather3A_464 = vector.shape_cast %broadcast_in_dim3A_463 : vector<16x1xi32> to vector<16xi32>
        %gather3A_465 = tpu.dynamic_gather %div3A_78[%gather3A_464] in [0] : vector<16xf32>, vector<16xi32> -> vector<16xf32>
        %add3A_466 = arith.constant 8 : i32
        %add3A_467 = arith.addi %multiple_of3A_57, %add3A_466 : i32
        %get3A_468 = arith.index_cast %add3A_467 : i32 to index
        %get3A_469 = arith.constant 0 : index
        %get3A_470 = tpu.vector_load %arg15[%get3A_468, %get3A_469] {strides = array<i32>} : memref<400x64xf32, #tpu.memory_space<vmem>>, vector<16xf32>,
        %mul3A_471 = arith.mulf %get3A_470, %gather3A_465 : vector<16xf32>
        %add3A_472 = arith.constant 8 : i32
        %add3A_473 = arith.addi %multiple_of3A_57, %add3A_472 : i32
        %swap3A_474 = arith.index_cast %add3A_473 : i32 to index
        %swap3A_475 = arith.constant 0 : index
        %swap3A_476 = tpu.vector_load %arg15[%swap3A_474, %swap3A_475] {strides = array<i32>} : memref<400x64xf32, #tpu.memory_space<vmem>>, vector<16xf32>,
        tpu.vector_store %arg15[%swap3A_474, %swap3A_475], %mul3A_471 {strides = array<i32>} : memref<400x64xf32, #tpu.memory_space<vmem>>, vector<16xf32>,
        %add3A_477 = arith.constant 8 : i32
        %add3A_478 = arith.addi %multiple_of3A_57, %add3A_477 : i32
        %get3A_479 = arith.index_cast %add3A_478 : i32 to index
        %get3A_480 = arith.constant 16 : index
        %get3A_481 = tpu.vector_load %arg15[%get3A_479, %get3A_480] {strides = array<i32>} : memref<400x64xf32, #tpu.memory_space<vmem>>, vector<16xf32>,
        %mul3A_482 = arith.mulf %get3A_481, %gather3A_465 : vector<16xf32>
        %add3A_483 = arith.constant 8 : i32
        %add3A_484 = arith.addi %multiple_of3A_57, %add3A_483 : i32
        %swap3A_485 = arith.index_cast %add3A_484 : i32 to index
        %swap3A_486 = arith.constant 16 : index
        %swap3A_487 = tpu.vector_load %arg15[%swap3A_485, %swap3A_486] {strides = array<i32>} : memref<400x64xf32, #tpu.memory_space<vmem>>, vector<16xf32>,
        tpu.vector_store %arg15[%swap3A_485, %swap3A_486], %mul3A_482 {strides = array<i32>} : memref<400x64xf32, #tpu.memory_space<vmem>>, vector<16xf32>,
        %add3A_488 = arith.constant 8 : i32
        %add3A_489 = arith.addi %multiple_of3A_57, %add3A_488 : i32
        %get3A_490 = arith.index_cast %add3A_489 : i32 to index
        %get3A_491 = arith.constant 32 : index
        %get3A_492 = tpu.vector_load %arg15[%get3A_490, %get3A_491] {strides = array<i32>} : memref<400x64xf32, #tpu.memory_space<vmem>>, vector<16xf32>,
        %mul3A_493 = arith.mulf %get3A_492, %gather3A_465 : vector<16xf32>
        %add3A_494 = arith.constant 8 : i32
        %add3A_495 = arith.addi %multiple_of3A_57, %add3A_494 : i32
        %swap3A_496 = arith.index_cast %add3A_495 : i32 to index
        %swap3A_497 = arith.constant 32 : index
        %swap3A_498 = tpu.vector_load %arg15[%swap3A_496, %swap3A_497] {strides = array<i32>} : memref<400x64xf32, #tpu.memory_space<vmem>>, vector<16xf32>,
        tpu.vector_store %arg15[%swap3A_496, %swap3A_497], %mul3A_493 {strides = array<i32>} : memref<400x64xf32, #tpu.memory_space<vmem>>, vector<16xf32>,
        %add3A_499 = arith.constant 8 : i32
        %add3A_500 = arith.addi %multiple_of3A_57, %add3A_499 : i32
        %get3A_501 = arith.index_cast %add3A_500 : i32 to index
        %get3A_502 = arith.constant 48 : index
        %get3A_503 = tpu.vector_load %arg15[%get3A_501, %get3A_502] {strides = array<i32>} : memref<400x64xf32, #tpu.memory_space<vmem>>, vector<16xf32>,
        %mul3A_504 = arith.mulf %get3A_503, %gather3A_465 : vector<16xf32>
        %add3A_505 = arith.constant 8 : i32
        %add3A_506 = arith.addi %multiple_of3A_57, %add3A_505 : i32
        %swap3A_507 = arith.index_cast %add3A_506 : i32 to index
        %swap3A_508 = arith.constant 48 : index
        %swap3A_509 = tpu.vector_load %arg15[%swap3A_507, %swap3A_508] {strides = array<i32>} : memref<400x64xf32, #tpu.memory_space<vmem>>, vector<16xf32>,
        tpu.vector_store %arg15[%swap3A_507, %swap3A_508], %mul3A_504 {strides = array<i32>} : memref<400x64xf32, #tpu.memory_space<vmem>>, vector<16xf32>,
        %broadcast_in_dim3A_510 = arith.constant 9 : i32
        %broadcast_in_dim3A_511 = vector.broadcast %broadcast_in_dim3A_510 : i32 to vector<16x1xi32>
        %gather3A_512 = vector.shape_cast %broadcast_in_dim3A_511 : vector<16x1xi32> to vector<16xi32>
        %gather3A_513 = tpu.dynamic_gather %div3A_78[%gather3A_512] in [0] : vector<16xf32>, vector<16xi32> -> vector<16xf32>
        %add3A_514 = arith.constant 9 : i32
        %add3A_515 = arith.addi %multiple_of3A_57, %add3A_514 : i32
        %get3A_516 = arith.index_cast %add3A_515 : i32 to index
        %get3A_517 = arith.constant 0 : index
        %get3A_518 = tpu.vector_load %arg15[%get3A_516, %get3A_517] {strides = array<i32>} : memref<400x64xf32, #tpu.memory_space<vmem>>, vector<16xf32>,
        %mul3A_519 = arith.mulf %get3A_518, %gather3A_513 : vector<16xf32>
        %add3A_520 = arith.constant 9 : i32
        %add3A_521 = arith.addi %multiple_of3A_57, %add3A_520 : i32
        %swap3A_522 = arith.index_cast %add3A_521 : i32 to index
        %swap3A_523 = arith.constant 0 : index
        %swap3A_524 = tpu.vector_load %arg15[%swap3A_522, %swap3A_523] {strides = array<i32>} : memref<400x64xf32, #tpu.memory_space<vmem>>, vector<16xf32>,
        tpu.vector_store %arg15[%swap3A_522, %swap3A_523], %mul3A_519 {strides = array<i32>} : memref<400x64xf32, #tpu.memory_space<vmem>>, vector<16xf32>,
        %add3A_525 = arith.constant 9 : i32
        %add3A_526 = arith.addi %multiple_of3A_57, %add3A_525 : i32
        %get3A_527 = arith.index_cast %add3A_526 : i32 to index
        %get3A_528 = arith.constant 16 : index
        %get3A_529 = tpu.vector_load %arg15[%get3A_527, %get3A_528] {strides = array<i32>} : memref<400x64xf32, #tpu.memory_space<vmem>>, vector<16xf32>,
        %mul3A_530 = arith.mulf %get3A_529, %gather3A_513 : vector<16xf32>
        %add3A_531 = arith.constant 9 : i32
        %add3A_532 = arith.addi %multiple_of3A_57, %add3A_531 : i32
        %swap3A_533 = arith.index_cast %add3A_532 : i32 to index
        %swap3A_534 = arith.constant 16 : index
        %swap3A_535 = tpu.vector_load %arg15[%swap3A_533, %swap3A_534] {strides = array<i32>} : memref<400x64xf32, #tpu.memory_space<vmem>>, vector<16xf32>,
        tpu.vector_store %arg15[%swap3A_533, %swap3A_534], %mul3A_530 {strides = array<i32>} : memref<400x64xf32, #tpu.memory_space<vmem>>, vector<16xf32>,
        %add3A_536 = arith.constant 9 : i32
        %add3A_537 = arith.addi %multiple_of3A_57, %add3A_536 : i32
        %get3A_538 = arith.index_cast %add3A_537 : i32 to index
        %get3A_539 = arith.constant 32 : index
        %get3A_540 = tpu.vector_load %arg15[%get3A_538, %get3A_539] {strides = array<i32>} : memref<400x64xf32, #tpu.memory_space<vmem>>, vector<16xf32>,
        %mul3A_541 = arith.mulf %get3A_540, %gather3A_513 : vector<16xf32>
        %add3A_542 = arith.constant 9 : i32
        %add3A_543 = arith.addi %multiple_of3A_57, %add3A_542 : i32
        %swap3A_544 = arith.index_cast %add3A_543 : i32 to index
        %swap3A_545 = arith.constant 32 : index
        %swap3A_546 = tpu.vector_load %arg15[%swap3A_544, %swap3A_545] {strides = array<i32>} : memref<400x64xf32, #tpu.memory_space<vmem>>, vector<16xf32>,
        tpu.vector_store %arg15[%swap3A_544, %swap3A_545], %mul3A_541 {strides = array<i32>} : memref<400x64xf32, #tpu.memory_space<vmem>>, vector<16xf32>,
        %add3A_547 = arith.constant 9 : i32
        %add3A_548 = arith.addi %multiple_of3A_57, %add3A_547 : i32
        %get3A_549 = arith.index_cast %add3A_548 : i32 to index
        %get3A_550 = arith.constant 48 : index
        %get3A_551 = tpu.vector_load %arg15[%get3A_549, %get3A_550] {strides = array<i32>} : memref<400x64xf32, #tpu.memory_space<vmem>>, vector<16xf32>,
        %mul3A_552 = arith.mulf %get3A_551, %gather3A_513 : vector<16xf32>
        %add3A_553 = arith.constant 9 : i32
        %add3A_554 = arith.addi %multiple_of3A_57, %add3A_553 : i32
        %swap3A_555 = arith.index_cast %add3A_554 : i32 to index
        %swap3A_556 = arith.constant 48 : index
        %swap3A_557 = tpu.vector_load %arg15[%swap3A_555, %swap3A_556] {strides = array<i32>} : memref<400x64xf32, #tpu.memory_space<vmem>>, vector<16xf32>,
        tpu.vector_store %arg15[%swap3A_555, %swap3A_556], %mul3A_552 {strides = array<i32>} : memref<400x64xf32, #tpu.memory_space<vmem>>, vector<16xf32>,
        %broadcast_in_dim3A_558 = arith.constant 10 : i32
        %broadcast_in_dim3A_559 = vector.broadcast %broadcast_in_dim3A_558 : i32 to vector<16x1xi32>
        %gather3A_560 = vector.shape_cast %broadcast_in_dim3A_559 : vector<16x1xi32> to vector<16xi32>
        %gather3A_561 = tpu.dynamic_gather %div3A_78[%gather3A_560] in [0] : vector<16xf32>, vector<16xi32> -> vector<16xf32>
        %add3A_562 = arith.constant 10 : i32
        %add3A_563 = arith.addi %multiple_of3A_57, %add3A_562 : i32
        %get3A_564 = arith.index_cast %add3A_563 : i32 to index
        %get3A_565 = arith.constant 0 : index
        %get3A_566 = tpu.vector_load %arg15[%get3A_564, %get3A_565] {strides = array<i32>} : memref<400x64xf32, #tpu.memory_space<vmem>>, vector<16xf32>,
        %mul3A_567 = arith.mulf %get3A_566, %gather3A_561 : vector<16xf32>
        %add3A_568 = arith.constant 10 : i32
        %add3A_569 = arith.addi %multiple_of3A_57, %add3A_568 : i32
        %swap3A_570 = arith.index_cast %add3A_569 : i32 to index
        %swap3A_571 = arith.constant 0 : index
        %swap3A_572 = tpu.vector_load %arg15[%swap3A_570, %swap3A_571] {strides = array<i32>} : memref<400x64xf32, #tpu.memory_space<vmem>>, vector<16xf32>,
        tpu.vector_store %arg15[%swap3A_570, %swap3A_571], %mul3A_567 {strides = array<i32>} : memref<400x64xf32, #tpu.memory_space<vmem>>, vector<16xf32>,
        %add3A_573 = arith.constant 10 : i32
        %add3A_574 = arith.addi %multiple_of3A_57, %add3A_573 : i32
        %get3A_575 = arith.index_cast %add3A_574 : i32 to index
        %get3A_576 = arith.constant 16 : index
        %get3A_577 = tpu.vector_load %arg15[%get3A_575, %get3A_576] {strides = array<i32>} : memref<400x64xf32, #tpu.memory_space<vmem>>, vector<16xf32>,
        %mul3A_578 = arith.mulf %get3A_577, %gather3A_561 : vector<16xf32>
        %add3A_579 = arith.constant 10 : i32
        %add3A_580 = arith.addi %multiple_of3A_57, %add3A_579 : i32
        %swap3A_581 = arith.index_cast %add3A_580 : i32 to index
        %swap3A_582 = arith.constant 16 : index
        %swap3A_583 = tpu.vector_load %arg15[%swap3A_581, %swap3A_582] {strides = array<i32>} : memref<400x64xf32, #tpu.memory_space<vmem>>, vector<16xf32>,
        tpu.vector_store %arg15[%swap3A_581, %swap3A_582], %mul3A_578 {strides = array<i32>} : memref<400x64xf32, #tpu.memory_space<vmem>>, vector<16xf32>,
        %add3A_584 = arith.constant 10 : i32
        %add3A_585 = arith.addi %multiple_of3A_57, %add3A_584 : i32
        %get3A_586 = arith.index_cast %add3A_585 : i32 to index
        %get3A_587 = arith.constant 32 : index
        %get3A_588 = tpu.vector_load %arg15[%get3A_586, %get3A_587] {strides = array<i32>} : memref<400x64xf32, #tpu.memory_space<vmem>>, vector<16xf32>,
        %mul3A_589 = arith.mulf %get3A_588, %gather3A_561 : vector<16xf32>
        %add3A_590 = arith.constant 10 : i32
        %add3A_591 = arith.addi %multiple_of3A_57, %add3A_590 : i32
        %swap3A_592 = arith.index_cast %add3A_591 : i32 to index
        %swap3A_593 = arith.constant 32 : index
        %swap3A_594 = tpu.vector_load %arg15[%swap3A_592, %swap3A_593] {strides = array<i32>} : memref<400x64xf32, #tpu.memory_space<vmem>>, vector<16xf32>,
        tpu.vector_store %arg15[%swap3A_592, %swap3A_593], %mul3A_589 {strides = array<i32>} : memref<400x64xf32, #tpu.memory_space<vmem>>, vector<16xf32>,
        %add3A_595 = arith.constant 10 : i32
        %add3A_596 = arith.addi %multiple_of3A_57, %add3A_595 : i32
        %get3A_597 = arith.index_cast %add3A_596 : i32 to index
        %get3A_598 = arith.constant 48 : index
        %get3A_599 = tpu.vector_load %arg15[%get3A_597, %get3A_598] {strides = array<i32>} : memref<400x64xf32, #tpu.memory_space<vmem>>, vector<16xf32>,
        %mul3A_600 = arith.mulf %get3A_599, %gather3A_561 : vector<16xf32>
        %add3A_601 = arith.constant 10 : i32
        %add3A_602 = arith.addi %multiple_of3A_57, %add3A_601 : i32
        %swap3A_603 = arith.index_cast %add3A_602 : i32 to index
        %swap3A_604 = arith.constant 48 : index
        %swap3A_605 = tpu.vector_load %arg15[%swap3A_603, %swap3A_604] {strides = array<i32>} : memref<400x64xf32, #tpu.memory_space<vmem>>, vector<16xf32>,
        tpu.vector_store %arg15[%swap3A_603, %swap3A_604], %mul3A_600 {strides = array<i32>} : memref<400x64xf32, #tpu.memory_space<vmem>>, vector<16xf32>,
        %broadcast_in_dim3A_606 = arith.constant 11 : i32
        %broadcast_in_dim3A_607 = vector.broadcast %broadcast_in_dim3A_606 : i32 to vector<16x1xi32>
        %gather3A_608 = vector.shape_cast %broadcast_in_dim3A_607 : vector<16x1xi32> to vector<16xi32>
        %gather3A_609 = tpu.dynamic_gather %div3A_78[%gather3A_608] in [0] : vector<16xf32>, vector<16xi32> -> vector<16xf32>
        %add3A_610 = arith.constant 11 : i32
        %add3A_611 = arith.addi %multiple_of3A_57, %add3A_610 : i32
        %get3A_612 = arith.index_cast %add3A_611 : i32 to index
        %get3A_613 = arith.constant 0 : index
        %get3A_614 = tpu.vector_load %arg15[%get3A_612, %get3A_613] {strides = array<i32>} : memref<400x64xf32, #tpu.memory_space<vmem>>, vector<16xf32>,
        %mul3A_615 = arith.mulf %get3A_614, %gather3A_609 : vector<16xf32>
        %add3A_616 = arith.constant 11 : i32
        %add3A_617 = arith.addi %multiple_of3A_57, %add3A_616 : i32
        %swap3A_618 = arith.index_cast %add3A_617 : i32 to index
        %swap3A_619 = arith.constant 0 : index
        %swap3A_620 = tpu.vector_load %arg15[%swap3A_618, %swap3A_619] {strides = array<i32>} : memref<400x64xf32, #tpu.memory_space<vmem>>, vector<16xf32>,
        tpu.vector_store %arg15[%swap3A_618, %swap3A_619], %mul3A_615 {strides = array<i32>} : memref<400x64xf32, #tpu.memory_space<vmem>>, vector<16xf32>,
        %add3A_621 = arith.constant 11 : i32
        %add3A_622 = arith.addi %multiple_of3A_57, %add3A_621 : i32
        %get3A_623 = arith.index_cast %add3A_622 : i32 to index
        %get3A_624 = arith.constant 16 : index
        %get3A_625 = tpu.vector_load %arg15[%get3A_623, %get3A_624] {strides = array<i32>} : memref<400x64xf32, #tpu.memory_space<vmem>>, vector<16xf32>,
        %mul3A_626 = arith.mulf %get3A_625, %gather3A_609 : vector<16xf32>
        %add3A_627 = arith.constant 11 : i32
        %add3A_628 = arith.addi %multiple_of3A_57, %add3A_627 : i32
        %swap3A_629 = arith.index_cast %add3A_628 : i32 to index
        %swap3A_630 = arith.constant 16 : index
        %swap3A_631 = tpu.vector_load %arg15[%swap3A_629, %swap3A_630] {strides = array<i32>} : memref<400x64xf32, #tpu.memory_space<vmem>>, vector<16xf32>,
        tpu.vector_store %arg15[%swap3A_629, %swap3A_630], %mul3A_626 {strides = array<i32>} : memref<400x64xf32, #tpu.memory_space<vmem>>, vector<16xf32>,
        %add3A_632 = arith.constant 11 : i32
        %add3A_633 = arith.addi %multiple_of3A_57, %add3A_632 : i32
        %get3A_634 = arith.index_cast %add3A_633 : i32 to index
        %get3A_635 = arith.constant 32 : index
        %get3A_636 = tpu.vector_load %arg15[%get3A_634, %get3A_635] {strides = array<i32>} : memref<400x64xf32, #tpu.memory_space<vmem>>, vector<16xf32>,
        %mul3A_637 = arith.mulf %get3A_636, %gather3A_609 : vector<16xf32>
        %add3A_638 = arith.constant 11 : i32
        %add3A_639 = arith.addi %multiple_of3A_57, %add3A_638 : i32
        %swap3A_640 = arith.index_cast %add3A_639 : i32 to index
        %swap3A_641 = arith.constant 32 : index
        %swap3A_642 = tpu.vector_load %arg15[%swap3A_640, %swap3A_641] {strides = array<i32>} : memref<400x64xf32, #tpu.memory_space<vmem>>, vector<16xf32>,
        tpu.vector_store %arg15[%swap3A_640, %swap3A_641], %mul3A_637 {strides = array<i32>} : memref<400x64xf32, #tpu.memory_space<vmem>>, vector<16xf32>,
        %add3A_643 = arith.constant 11 : i32
        %add3A_644 = arith.addi %multiple_of3A_57, %add3A_643 : i32
        %get3A_645 = arith.index_cast %add3A_644 : i32 to index
        %get3A_646 = arith.constant 48 : index
        %get3A_647 = tpu.vector_load %arg15[%get3A_645, %get3A_646] {strides = array<i32>} : memref<400x64xf32, #tpu.memory_space<vmem>>, vector<16xf32>,
        %mul3A_648 = arith.mulf %get3A_647, %gather3A_609 : vector<16xf32>
        %add3A_649 = arith.constant 11 : i32
        %add3A_650 = arith.addi %multiple_of3A_57, %add3A_649 : i32
        %swap3A_651 = arith.index_cast %add3A_650 : i32 to index
        %swap3A_652 = arith.constant 48 : index
        %swap3A_653 = tpu.vector_load %arg15[%swap3A_651, %swap3A_652] {strides = array<i32>} : memref<400x64xf32, #tpu.memory_space<vmem>>, vector<16xf32>,
        tpu.vector_store %arg15[%swap3A_651, %swap3A_652], %mul3A_648 {strides = array<i32>} : memref<400x64xf32, #tpu.memory_space<vmem>>, vector<16xf32>,
        %broadcast_in_dim3A_654 = arith.constant 12 : i32
        %broadcast_in_dim3A_655 = vector.broadcast %broadcast_in_dim3A_654 : i32 to vector<16x1xi32>
        %gather3A_656 = vector.shape_cast %broadcast_in_dim3A_655 : vector<16x1xi32> to vector<16xi32>
        %gather3A_657 = tpu.dynamic_gather %div3A_78[%gather3A_656] in [0] : vector<16xf32>, vector<16xi32> -> vector<16xf32>
        %add3A_658 = arith.constant 12 : i32
        %add3A_659 = arith.addi %multiple_of3A_57, %add3A_658 : i32
        %get3A_660 = arith.index_cast %add3A_659 : i32 to index
        %get3A_661 = arith.constant 0 : index
        %get3A_662 = tpu.vector_load %arg15[%get3A_660, %get3A_661] {strides = array<i32>} : memref<400x64xf32, #tpu.memory_space<vmem>>, vector<16xf32>,
        %mul3A_663 = arith.mulf %get3A_662, %gather3A_657 : vector<16xf32>
        %add3A_664 = arith.constant 12 : i32
        %add3A_665 = arith.addi %multiple_of3A_57, %add3A_664 : i32
        %swap3A_666 = arith.index_cast %add3A_665 : i32 to index
        %swap3A_667 = arith.constant 0 : index
        %swap3A_668 = tpu.vector_load %arg15[%swap3A_666, %swap3A_667] {strides = array<i32>} : memref<400x64xf32, #tpu.memory_space<vmem>>, vector<16xf32>,
        tpu.vector_store %arg15[%swap3A_666, %swap3A_667], %mul3A_663 {strides = array<i32>} : memref<400x64xf32, #tpu.memory_space<vmem>>, vector<16xf32>,
        %add3A_669 = arith.constant 12 : i32
        %add3A_670 = arith.addi %multiple_of3A_57, %add3A_669 : i32
        %get3A_671 = arith.index_cast %add3A_670 : i32 to index
        %get3A_672 = arith.constant 16 : index
        %get3A_673 = tpu.vector_load %arg15[%get3A_671, %get3A_672] {strides = array<i32>} : memref<400x64xf32, #tpu.memory_space<vmem>>, vector<16xf32>,
        %mul3A_674 = arith.mulf %get3A_673, %gather3A_657 : vector<16xf32>
        %add3A_675 = arith.constant 12 : i32
        %add3A_676 = arith.addi %multiple_of3A_57, %add3A_675 : i32
        %swap3A_677 = arith.index_cast %add3A_676 : i32 to index
        %swap3A_678 = arith.constant 16 : index
        %swap3A_679 = tpu.vector_load %arg15[%swap3A_677, %swap3A_678] {strides = array<i32>} : memref<400x64xf32, #tpu.memory_space<vmem>>, vector<16xf32>,
        tpu.vector_store %arg15[%swap3A_677, %swap3A_678], %mul3A_674 {strides = array<i32>} : memref<400x64xf32, #tpu.memory_space<vmem>>, vector<16xf32>,
        %add3A_680 = arith.constant 12 : i32
        %add3A_681 = arith.addi %multiple_of3A_57, %add3A_680 : i32
        %get3A_682 = arith.index_cast %add3A_681 : i32 to index
        %get3A_683 = arith.constant 32 : index
        %get3A_684 = tpu.vector_load %arg15[%get3A_682, %get3A_683] {strides = array<i32>} : memref<400x64xf32, #tpu.memory_space<vmem>>, vector<16xf32>,
        %mul3A_685 = arith.mulf %get3A_684, %gather3A_657 : vector<16xf32>
        %add3A_686 = arith.constant 12 : i32
        %add3A_687 = arith.addi %multiple_of3A_57, %add3A_686 : i32
        %swap3A_688 = arith.index_cast %add3A_687 : i32 to index
        %swap3A_689 = arith.constant 32 : index
        %swap3A_690 = tpu.vector_load %arg15[%swap3A_688, %swap3A_689] {strides = array<i32>} : memref<400x64xf32, #tpu.memory_space<vmem>>, vector<16xf32>,
        tpu.vector_store %arg15[%swap3A_688, %swap3A_689], %mul3A_685 {strides = array<i32>} : memref<400x64xf32, #tpu.memory_space<vmem>>, vector<16xf32>,
        %add3A_691 = arith.constant 12 : i32
        %add3A_692 = arith.addi %multiple_of3A_57, %add3A_691 : i32
        %get3A_693 = arith.index_cast %add3A_692 : i32 to index
        %get3A_694 = arith.constant 48 : index
        %get3A_695 = tpu.vector_load %arg15[%get3A_693, %get3A_694] {strides = array<i32>} : memref<400x64xf32, #tpu.memory_space<vmem>>, vector<16xf32>,
        %mul3A_696 = arith.mulf %get3A_695, %gather3A_657 : vector<16xf32>
        %add3A_697 = arith.constant 12 : i32
        %add3A_698 = arith.addi %multiple_of3A_57, %add3A_697 : i32
        %swap3A_699 = arith.index_cast %add3A_698 : i32 to index
        %swap3A_700 = arith.constant 48 : index
        %swap3A_701 = tpu.vector_load %arg15[%swap3A_699, %swap3A_700] {strides = array<i32>} : memref<400x64xf32, #tpu.memory_space<vmem>>, vector<16xf32>,
        tpu.vector_store %arg15[%swap3A_699, %swap3A_700], %mul3A_696 {strides = array<i32>} : memref<400x64xf32, #tpu.memory_space<vmem>>, vector<16xf32>,
        %broadcast_in_dim3A_702 = arith.constant 13 : i32
        %broadcast_in_dim3A_703 = vector.broadcast %broadcast_in_dim3A_702 : i32 to vector<16x1xi32>
        %gather3A_704 = vector.shape_cast %broadcast_in_dim3A_703 : vector<16x1xi32> to vector<16xi32>
        %gather3A_705 = tpu.dynamic_gather %div3A_78[%gather3A_704] in [0] : vector<16xf32>, vector<16xi32> -> vector<16xf32>
        %add3A_706 = arith.constant 13 : i32
        %add3A_707 = arith.addi %multiple_of3A_57, %add3A_706 : i32
        %get3A_708 = arith.index_cast %add3A_707 : i32 to index
        %get3A_709 = arith.constant 0 : index
        %get3A_710 = tpu.vector_load %arg15[%get3A_708, %get3A_709] {strides = array<i32>} : memref<400x64xf32, #tpu.memory_space<vmem>>, vector<16xf32>,
        %mul3A_711 = arith.mulf %get3A_710, %gather3A_705 : vector<16xf32>
        %add3A_712 = arith.constant 13 : i32
        %add3A_713 = arith.addi %multiple_of3A_57, %add3A_712 : i32
        %swap3A_714 = arith.index_cast %add3A_713 : i32 to index
        %swap3A_715 = arith.constant 0 : index
        %swap3A_716 = tpu.vector_load %arg15[%swap3A_714, %swap3A_715] {strides = array<i32>} : memref<400x64xf32, #tpu.memory_space<vmem>>, vector<16xf32>,
        tpu.vector_store %arg15[%swap3A_714, %swap3A_715], %mul3A_711 {strides = array<i32>} : memref<400x64xf32, #tpu.memory_space<vmem>>, vector<16xf32>,
        %add3A_717 = arith.constant 13 : i32
        %add3A_718 = arith.addi %multiple_of3A_57, %add3A_717 : i32
        %get3A_719 = arith.index_cast %add3A_718 : i32 to index
        %get3A_720 = arith.constant 16 : index
        %get3A_721 = tpu.vector_load %arg15[%get3A_719, %get3A_720] {strides = array<i32>} : memref<400x64xf32, #tpu.memory_space<vmem>>, vector<16xf32>,
        %mul3A_722 = arith.mulf %get3A_721, %gather3A_705 : vector<16xf32>
        %add3A_723 = arith.constant 13 : i32
        %add3A_724 = arith.addi %multiple_of3A_57, %add3A_723 : i32
        %swap3A_725 = arith.index_cast %add3A_724 : i32 to index
        %swap3A_726 = arith.constant 16 : index
        %swap3A_727 = tpu.vector_load %arg15[%swap3A_725, %swap3A_726] {strides = array<i32>} : memref<400x64xf32, #tpu.memory_space<vmem>>, vector<16xf32>,
        tpu.vector_store %arg15[%swap3A_725, %swap3A_726], %mul3A_722 {strides = array<i32>} : memref<400x64xf32, #tpu.memory_space<vmem>>, vector<16xf32>,
        %add3A_728 = arith.constant 13 : i32
        %add3A_729 = arith.addi %multiple_of3A_57, %add3A_728 : i32
        %get3A_730 = arith.index_cast %add3A_729 : i32 to index
        %get3A_731 = arith.constant 32 : index
        %get3A_732 = tpu.vector_load %arg15[%get3A_730, %get3A_731] {strides = array<i32>} : memref<400x64xf32, #tpu.memory_space<vmem>>, vector<16xf32>,
        %mul3A_733 = arith.mulf %get3A_732, %gather3A_705 : vector<16xf32>
        %add3A_734 = arith.constant 13 : i32
        %add3A_735 = arith.addi %multiple_of3A_57, %add3A_734 : i32
        %swap3A_736 = arith.index_cast %add3A_735 : i32 to index
        %swap3A_737 = arith.constant 32 : index
        %swap3A_738 = tpu.vector_load %arg15[%swap3A_736, %swap3A_737] {strides = array<i32>} : memref<400x64xf32, #tpu.memory_space<vmem>>, vector<16xf32>,
        tpu.vector_store %arg15[%swap3A_736, %swap3A_737], %mul3A_733 {strides = array<i32>} : memref<400x64xf32, #tpu.memory_space<vmem>>, vector<16xf32>,
        %add3A_739 = arith.constant 13 : i32
        %add3A_740 = arith.addi %multiple_of3A_57, %add3A_739 : i32
        %get3A_741 = arith.index_cast %add3A_740 : i32 to index
        %get3A_742 = arith.constant 48 : index
        %get3A_743 = tpu.vector_load %arg15[%get3A_741, %get3A_742] {strides = array<i32>} : memref<400x64xf32, #tpu.memory_space<vmem>>, vector<16xf32>,
        %mul3A_744 = arith.mulf %get3A_743, %gather3A_705 : vector<16xf32>
        %add3A_745 = arith.constant 13 : i32
        %add3A_746 = arith.addi %multiple_of3A_57, %add3A_745 : i32
        %swap3A_747 = arith.index_cast %add3A_746 : i32 to index
        %swap3A_748 = arith.constant 48 : index
        %swap3A_749 = tpu.vector_load %arg15[%swap3A_747, %swap3A_748] {strides = array<i32>} : memref<400x64xf32, #tpu.memory_space<vmem>>, vector<16xf32>,
        tpu.vector_store %arg15[%swap3A_747, %swap3A_748], %mul3A_744 {strides = array<i32>} : memref<400x64xf32, #tpu.memory_space<vmem>>, vector<16xf32>,
        %broadcast_in_dim3A_750 = arith.constant 14 : i32
        %broadcast_in_dim3A_751 = vector.broadcast %broadcast_in_dim3A_750 : i32 to vector<16x1xi32>
        %gather3A_752 = vector.shape_cast %broadcast_in_dim3A_751 : vector<16x1xi32> to vector<16xi32>
        %gather3A_753 = tpu.dynamic_gather %div3A_78[%gather3A_752] in [0] : vector<16xf32>, vector<16xi32> -> vector<16xf32>
        %add3A_754 = arith.constant 14 : i32
        %add3A_755 = arith.addi %multiple_of3A_57, %add3A_754 : i32
        %get3A_756 = arith.index_cast %add3A_755 : i32 to index
        %get3A_757 = arith.constant 0 : index
        %get3A_758 = tpu.vector_load %arg15[%get3A_756, %get3A_757] {strides = array<i32>} : memref<400x64xf32, #tpu.memory_space<vmem>>, vector<16xf32>,
        %mul3A_759 = arith.mulf %get3A_758, %gather3A_753 : vector<16xf32>
        %add3A_760 = arith.constant 14 : i32
        %add3A_761 = arith.addi %multiple_of3A_57, %add3A_760 : i32
        %swap3A_762 = arith.index_cast %add3A_761 : i32 to index
        %swap3A_763 = arith.constant 0 : index
        %swap3A_764 = tpu.vector_load %arg15[%swap3A_762, %swap3A_763] {strides = array<i32>} : memref<400x64xf32, #tpu.memory_space<vmem>>, vector<16xf32>,
        tpu.vector_store %arg15[%swap3A_762, %swap3A_763], %mul3A_759 {strides = array<i32>} : memref<400x64xf32, #tpu.memory_space<vmem>>, vector<16xf32>,
        %add3A_765 = arith.constant 14 : i32
        %add3A_766 = arith.addi %multiple_of3A_57, %add3A_765 : i32
        %get3A_767 = arith.index_cast %add3A_766 : i32 to index
        %get3A_768 = arith.constant 16 : index
        %get3A_769 = tpu.vector_load %arg15[%get3A_767, %get3A_768] {strides = array<i32>} : memref<400x64xf32, #tpu.memory_space<vmem>>, vector<16xf32>,
        %mul3A_770 = arith.mulf %get3A_769, %gather3A_753 : vector<16xf32>
        %add3A_771 = arith.constant 14 : i32
        %add3A_772 = arith.addi %multiple_of3A_57, %add3A_771 : i32
        %swap3A_773 = arith.index_cast %add3A_772 : i32 to index
        %swap3A_774 = arith.constant 16 : index
        %swap3A_775 = tpu.vector_load %arg15[%swap3A_773, %swap3A_774] {strides = array<i32>} : memref<400x64xf32, #tpu.memory_space<vmem>>, vector<16xf32>,
        tpu.vector_store %arg15[%swap3A_773, %swap3A_774], %mul3A_770 {strides = array<i32>} : memref<400x64xf32, #tpu.memory_space<vmem>>, vector<16xf32>,
        %add3A_776 = arith.constant 14 : i32
        %add3A_777 = arith.addi %multiple_of3A_57, %add3A_776 : i32
        %get3A_778 = arith.index_cast %add3A_777 : i32 to index
        %get3A_779 = arith.constant 32 : index
        %get3A_780 = tpu.vector_load %arg15[%get3A_778, %get3A_779] {strides = array<i32>} : memref<400x64xf32, #tpu.memory_space<vmem>>, vector<16xf32>,
        %mul3A_781 = arith.mulf %get3A_780, %gather3A_753 : vector<16xf32>
        %add3A_782 = arith.constant 14 : i32
        %add3A_783 = arith.addi %multiple_of3A_57, %add3A_782 : i32
        %swap3A_784 = arith.index_cast %add3A_783 : i32 to index
        %swap3A_785 = arith.constant 32 : index
        %swap3A_786 = tpu.vector_load %arg15[%swap3A_784, %swap3A_785] {strides = array<i32>} : memref<400x64xf32, #tpu.memory_space<vmem>>, vector<16xf32>,
        tpu.vector_store %arg15[%swap3A_784, %swap3A_785], %mul3A_781 {strides = array<i32>} : memref<400x64xf32, #tpu.memory_space<vmem>>, vector<16xf32>,
        %add3A_787 = arith.constant 14 : i32
        %add3A_788 = arith.addi %multiple_of3A_57, %add3A_787 : i32
        %get3A_789 = arith.index_cast %add3A_788 : i32 to index
        %get3A_790 = arith.constant 48 : index
        %get3A_791 = tpu.vector_load %arg15[%get3A_789, %get3A_790] {strides = array<i32>} : memref<400x64xf32, #tpu.memory_space<vmem>>, vector<16xf32>,
        %mul3A_792 = arith.mulf %get3A_791, %gather3A_753 : vector<16xf32>
        %add3A_793 = arith.constant 14 : i32
        %add3A_794 = arith.addi %multiple_of3A_57, %add3A_793 : i32
        %swap3A_795 = arith.index_cast %add3A_794 : i32 to index
        %swap3A_796 = arith.constant 48 : index
        %swap3A_797 = tpu.vector_load %arg15[%swap3A_795, %swap3A_796] {strides = array<i32>} : memref<400x64xf32, #tpu.memory_space<vmem>>, vector<16xf32>,
        tpu.vector_store %arg15[%swap3A_795, %swap3A_796], %mul3A_792 {strides = array<i32>} : memref<400x64xf32, #tpu.memory_space<vmem>>, vector<16xf32>,
        %broadcast_in_dim3A_798 = arith.constant 15 : i32
        %broadcast_in_dim3A_799 = vector.broadcast %broadcast_in_dim3A_798 : i32 to vector<16x1xi32>
        %gather3A_800 = vector.shape_cast %broadcast_in_dim3A_799 : vector<16x1xi32> to vector<16xi32>
        %gather3A_801 = tpu.dynamic_gather %div3A_78[%gather3A_800] in [0] : vector<16xf32>, vector<16xi32> -> vector<16xf32>
        %add3A_802 = arith.constant 15 : i32
        %add3A_803 = arith.addi %multiple_of3A_57, %add3A_802 : i32
        %get3A_804 = arith.index_cast %add3A_803 : i32 to index
        %get3A_805 = arith.constant 0 : index
        %get3A_806 = tpu.vector_load %arg15[%get3A_804, %get3A_805] {strides = array<i32>} : memref<400x64xf32, #tpu.memory_space<vmem>>, vector<16xf32>,
        %mul3A_807 = arith.mulf %get3A_806, %gather3A_801 : vector<16xf32>
        %add3A_808 = arith.constant 15 : i32
        %add3A_809 = arith.addi %multiple_of3A_57, %add3A_808 : i32
        %swap3A_810 = arith.index_cast %add3A_809 : i32 to index
        %swap3A_811 = arith.constant 0 : index
        %swap3A_812 = tpu.vector_load %arg15[%swap3A_810, %swap3A_811] {strides = array<i32>} : memref<400x64xf32, #tpu.memory_space<vmem>>, vector<16xf32>,
        tpu.vector_store %arg15[%swap3A_810, %swap3A_811], %mul3A_807 {strides = array<i32>} : memref<400x64xf32, #tpu.memory_space<vmem>>, vector<16xf32>,
        %add3A_813 = arith.constant 15 : i32
        %add3A_814 = arith.addi %multiple_of3A_57, %add3A_813 : i32
        %get3A_815 = arith.index_cast %add3A_814 : i32 to index
        %get3A_816 = arith.constant 16 : index
        %get3A_817 = tpu.vector_load %arg15[%get3A_815, %get3A_816] {strides = array<i32>} : memref<400x64xf32, #tpu.memory_space<vmem>>, vector<16xf32>,
        %mul3A_818 = arith.mulf %get3A_817, %gather3A_801 : vector<16xf32>
        %add3A_819 = arith.constant 15 : i32
        %add3A_820 = arith.addi %multiple_of3A_57, %add3A_819 : i32
        %swap3A_821 = arith.index_cast %add3A_820 : i32 to index
        %swap3A_822 = arith.constant 16 : index
        %swap3A_823 = tpu.vector_load %arg15[%swap3A_821, %swap3A_822] {strides = array<i32>} : memref<400x64xf32, #tpu.memory_space<vmem>>, vector<16xf32>,
        tpu.vector_store %arg15[%swap3A_821, %swap3A_822], %mul3A_818 {strides = array<i32>} : memref<400x64xf32, #tpu.memory_space<vmem>>, vector<16xf32>,
        %add3A_824 = arith.constant 15 : i32
        %add3A_825 = arith.addi %multiple_of3A_57, %add3A_824 : i32
        %get3A_826 = arith.index_cast %add3A_825 : i32 to index
        %get3A_827 = arith.constant 32 : index
        %get3A_828 = tpu.vector_load %arg15[%get3A_826, %get3A_827] {strides = array<i32>} : memref<400x64xf32, #tpu.memory_space<vmem>>, vector<16xf32>,
        %mul3A_829 = arith.mulf %get3A_828, %gather3A_801 : vector<16xf32>
        %add3A_830 = arith.constant 15 : i32
        %add3A_831 = arith.addi %multiple_of3A_57, %add3A_830 : i32
        %swap3A_832 = arith.index_cast %add3A_831 : i32 to index
        %swap3A_833 = arith.constant 32 : index
        %swap3A_834 = tpu.vector_load %arg15[%swap3A_832, %swap3A_833] {strides = array<i32>} : memref<400x64xf32, #tpu.memory_space<vmem>>, vector<16xf32>,
        tpu.vector_store %arg15[%swap3A_832, %swap3A_833], %mul3A_829 {strides = array<i32>} : memref<400x64xf32, #tpu.memory_space<vmem>>, vector<16xf32>,
        %add3A_835 = arith.constant 15 : i32
        %add3A_836 = arith.addi %multiple_of3A_57, %add3A_835 : i32
        %get3A_837 = arith.index_cast %add3A_836 : i32 to index
        %get3A_838 = arith.constant 48 : index
        %get3A_839 = tpu.vector_load %arg15[%get3A_837, %get3A_838] {strides = array<i32>} : memref<400x64xf32, #tpu.memory_space<vmem>>, vector<16xf32>,
        %mul3A_840 = arith.mulf %get3A_839, %gather3A_801 : vector<16xf32>
        %add3A_841 = arith.constant 15 : i32
        %add3A_842 = arith.addi %multiple_of3A_57, %add3A_841 : i32
        %swap3A_843 = arith.index_cast %add3A_842 : i32 to index
        %swap3A_844 = arith.constant 48 : index
        %swap3A_845 = tpu.vector_load %arg15[%swap3A_843, %swap3A_844] {strides = array<i32>} : memref<400x64xf32, #tpu.memory_space<vmem>>, vector<16xf32>,
        tpu.vector_store %arg15[%swap3A_843, %swap3A_844], %mul3A_840 {strides = array<i32>} : memref<400x64xf32, #tpu.memory_space<vmem>>, vector<16xf32>,
      }
      %scan3A_53 = arith.constant 25 : i32
      "tpu.region"() ({
        %run_scoped3A = tpu.sem_alloc : memref<!tpu.dma_semaphore, #tpu.memory_space<semaphore_mem>>
        %dma_start3A_54 = arith.constant 0 : i32
        %dma_start3A_55 = arith.constant 0 : i32
        %dma_start3A_56 = tpu.memref_slice %arg16[%dma_start3A_54, %dma_start3A_55] : memref<10000x64xf32, #tpu.memory_space<vmem_shared>> -> memref<10000x64xf32, #tpu.memory_space<vmem_shared>>
        tpu.enqueue_indirect_dma source(%arg15 : memref<400x64xf32, #tpu.memory_space<vmem>>) target(%dma_start3A_56 : memref<10000x64xf32, #tpu.memory_space<vmem_shared>>) offsets(%arg12 : memref<400xi32, #tpu.memory_space<vmem>>) semaphore(%run_scoped3A : memref<!tpu.dma_semaphore, #tpu.memory_space<semaphore_mem>>) {add = true}
        %dma_wait3A_57 = arith.constant 0 : i32
        %dma_wait3A_58 = arith.constant 0 : i32
        %dma_wait3A_59 = tpu.memref_slice %arg16[%dma_wait3A_57, %dma_wait3A_58] : memref<10000x64xf32, #tpu.memory_space<vmem_shared>> -> memref<10000x64xf32, #tpu.memory_space<vmem_shared>>
        tpu.wait_indirect_dma semaphore(%run_scoped3A : memref<!tpu.dma_semaphore, #tpu.memory_space<semaphore_mem>>) src(%arg15 : memref<400x64xf32, #tpu.memory_space<vmem>>) dst(%dma_wait3A_59 : memref<10000x64xf32, #tpu.memory_space<vmem_shared>>)
        tpu.yield
      }) : () -> ()
    }
    %scan3A_7 = arith.constant 25 : i32
    %barrier3A_8 = arith.constant 0 : index
    tpu.barrier barrier_id(%barrier3A_8)
    %mul3A_9 = arith.constant 625 : i32
    %mul3A_10 = arith.muli %arg1, %mul3A_9 : i32
    %multiple_of3A = tpu.assume_multiple %mul3A_10, 8 : i32
    "tpu.region"() ({
      %run_scoped3A = tpu.sem_alloc : memref<!tpu.dma_semaphore, #tpu.memory_space<semaphore_mem>>
      %dma_start3A = arith.constant 0 : i32
      %dma_start3A_11 = arith.constant 0 : i32
      %dma_start3A_12 = tpu.memref_slice %arg9[%arg0, %dma_start3A, %dma_start3A_11] : memref<2x10000x64xf32, #tpu.memory_space<hbm>> -> memref<1x10000x64xf32, #tpu.memory_space<hbm>>
      %dma_start3A_13 = tpu.memref_squeeze %dma_start3A_12 : memref<1x10000x64xf32, #tpu.memory_space<hbm>> -> memref<10000x64xf32, #tpu.memory_space<hbm>>
      %dma_start3A_14 = arith.constant 0 : i32
      %dma_start3A_15 = tpu.memref_slice %dma_start3A_13[%multiple_of3A, %dma_start3A_14] : memref<10000x64xf32, #tpu.memory_space<hbm>> -> memref<625x64xf32, #tpu.memory_space<hbm>>
      %dma_start3A_16 = arith.constant 0 : i32
      %dma_start3A_17 = tpu.memref_slice %arg16[%multiple_of3A, %dma_start3A_16] : memref<10000x64xf32, #tpu.memory_space<vmem_shared>> -> memref<625x64xf32, #tpu.memory_space<vmem_shared>>
      tpu.enqueue_dma source(%dma_start3A_17 : memref<625x64xf32, #tpu.memory_space<vmem_shared>>) target(%dma_start3A_15 : memref<625x64xf32, #tpu.memory_space<hbm>>) target_semaphore(%run_scoped3A : memref<!tpu.dma_semaphore, #tpu.memory_space<semaphore_mem>>)
      %dma_wait3A = arith.constant 0 : i32
      %dma_wait3A_18 = arith.constant 0 : i32
      %dma_wait3A_19 = tpu.memref_slice %arg9[%arg0, %dma_wait3A, %dma_wait3A_18] : memref<2x10000x64xf32, #tpu.memory_space<hbm>> -> memref<1x10000x64xf32, #tpu.memory_space<hbm>>
      %dma_wait3A_20 = tpu.memref_squeeze %dma_wait3A_19 : memref<1x10000x64xf32, #tpu.memory_space<hbm>> -> memref<10000x64xf32, #tpu.memory_space<hbm>>
      %dma_wait3A_21 = arith.constant 0 : i32
      %dma_wait3A_22 = tpu.memref_slice %dma_wait3A_20[%multiple_of3A, %dma_wait3A_21] : memref<10000x64xf32, #tpu.memory_space<hbm>> -> memref<625x64xf32, #tpu.memory_space<hbm>>
      %dma_wait3A_23 = arith.constant 0 : i32
      %dma_wait3A_24 = tpu.memref_slice %arg16[%multiple_of3A, %dma_wait3A_23] : memref<10000x64xf32, #tpu.memory_space<vmem_shared>> -> memref<625x64xf32, #tpu.memory_space<vmem_shared>>
      tpu.wait_dma2 semaphore(%run_scoped3A : memref<!tpu.dma_semaphore, #tpu.memory_space<semaphore_mem>>) src(%dma_wait3A_24 : memref<625x64xf32, #tpu.memory_space<vmem_shared>>) dst(%dma_wait3A_22 : memref<625x64xf32, #tpu.memory_space<hbm>>)
      tpu.yield
    }) : () -> ()
    return
  }
}

#map = affine_map<(d0, d1) -> (0, 0)>
#map1 = affine_map<(d0, d1) -> (0)>
#map2 = affine_map<(d0, d1) -> (0, 0, 0)>
module attributes {stable_mosaic.version = 14 : i64} {
  func.func @_hist(%arg0: i32, %arg1: i32, %arg2: memref<320000x16xf32, #tpu.memory_space<hbm>>, %arg3: memref<320000xi32, #tpu.memory_space<hbm>>, %arg4: memref<10000x16xf32, #tpu.memory_space<hbm>>, %arg5: memref<2x10000x16xf32, #tpu.memory_space<hbm>>, %arg6: memref<2000x16xf32, #tpu.memory_space<vmem>>, %arg7: memref<2000xi32, #tpu.memory_space<vmem>>, %arg8: memref<10000x16xf32, #tpu.memory_space<vmem_shared>>, %arg9: memref<!tpu.dma_semaphore, #tpu.memory_space<semaphore_mem>>) attributes {dimension_semantics = [#tpu.dimension_semantics<core_parallel>, #tpu.dimension_semantics<subcore_parallel>], iteration_bounds = array<i64: 2, 16>, scalar_prefetch = 0 : i64, scratch_operands = 4 : i64, tpu.core_type = #tpu.core_type<sc_vector_subcore>, window_params = [{transform_indices = #map}, {transform_indices = #map1}, {transform_indices = #map}, {transform_indices = #map2}]} {
    %mul3A = arith.constant 2 : i32
    %mul3A_0 = arith.muli %arg1, %mul3A : i32
    %add3A = arith.addi %mul3A_0, %arg0 : i32
    %eq3A = arith.constant 0 : i32
    %eq3A_1 = arith.cmpi eq, %arg1, %eq3A : i32
    %convert_element_type3A = arith.extui %eq3A_1 : i1 to i32
    %cond3A = arith.constant 0 : i32
    %cond3A_2 = arith.cmpi ne, %convert_element_type3A, %cond3A : i32
    scf.if %cond3A_2 {
      "tpu.region"() ({
        %run_scoped3A = tpu.sem_alloc : memref<!tpu.dma_semaphore, #tpu.memory_space<semaphore_mem>>
        tpu.enqueue_dma source(%arg4 : memref<10000x16xf32, #tpu.memory_space<hbm>>) target(%arg8 : memref<10000x16xf32, #tpu.memory_space<vmem_shared>>) target_semaphore(%run_scoped3A : memref<!tpu.dma_semaphore, #tpu.memory_space<semaphore_mem>>)
        tpu.wait_dma2 semaphore(%run_scoped3A : memref<!tpu.dma_semaphore, #tpu.memory_space<semaphore_mem>>) src(%arg4 : memref<10000x16xf32, #tpu.memory_space<hbm>>) dst(%arg8 : memref<10000x16xf32, #tpu.memory_space<vmem_shared>>)
        tpu.yield
      }) : () -> ()
    } else {
    }
    %barrier3A = arith.constant 0 : index
    tpu.barrier barrier_id(%barrier3A)
    %scan3A = arith.constant 0 : i32
    %scan3A_3 = arith.constant 0 : i32
    %scan3A_4 = arith.constant 5 : i32
    %scan3A_5 = arith.addi %scan3A_3, %scan3A_4 : i32
    %scan3A_6 = arith.constant 1 : i32
    scf.for %scan3A_11 = %scan3A_3 to %scan3A_5 step %scan3A_6  : i32 {
      %mul3A_12 = arith.constant 10000 : i32
      %mul3A_13 = arith.muli %add3A, %mul3A_12 : i32
      %mul3A_14 = arith.constant 2000 : i32
      %mul3A_15 = arith.muli %scan3A_11, %mul3A_14 : i32
      %add3A_16 = arith.addi %mul3A_13, %mul3A_15 : i32
      %multiple_of3A_17 = tpu.assume_multiple %add3A_16, 8 : i32
      %dma_start3A = tpu.memref_slice %arg3[%multiple_of3A_17] : memref<320000xi32, #tpu.memory_space<hbm>> -> memref<2000xi32, #tpu.memory_space<hbm>>
      %dma_start3A_18 = tpu.memref_slice %arg3[%multiple_of3A_17] : memref<320000xi32, #tpu.memory_space<hbm>> -> memref<2000xi32, #tpu.memory_space<hbm>>
      tpu.enqueue_dma source(%dma_start3A_18 : memref<2000xi32, #tpu.memory_space<hbm>>) target(%arg7 : memref<2000xi32, #tpu.memory_space<vmem>>) target_semaphore(%arg9 : memref<!tpu.dma_semaphore, #tpu.memory_space<semaphore_mem>>)
      %dma_start3A_19 = arith.constant 0 : i32
      %dma_start3A_20 = tpu.memref_slice %arg2[%multiple_of3A_17, %dma_start3A_19] : memref<320000x16xf32, #tpu.memory_space<hbm>> -> memref<2000x16xf32, #tpu.memory_space<hbm>>
      %dma_start3A_21 = arith.constant 0 : i32
      %dma_start3A_22 = tpu.memref_slice %arg2[%multiple_of3A_17, %dma_start3A_21] : memref<320000x16xf32, #tpu.memory_space<hbm>> -> memref<2000x16xf32, #tpu.memory_space<hbm>>
      tpu.enqueue_dma source(%dma_start3A_22 : memref<2000x16xf32, #tpu.memory_space<hbm>>) target(%arg6 : memref<2000x16xf32, #tpu.memory_space<vmem>>) target_semaphore(%arg9 : memref<!tpu.dma_semaphore, #tpu.memory_space<semaphore_mem>>)
      %dma_wait3A = tpu.memref_slice %arg3[%multiple_of3A_17] : memref<320000xi32, #tpu.memory_space<hbm>> -> memref<2000xi32, #tpu.memory_space<hbm>>
      %dma_wait3A_23 = tpu.memref_slice %arg3[%multiple_of3A_17] : memref<320000xi32, #tpu.memory_space<hbm>> -> memref<2000xi32, #tpu.memory_space<hbm>>
      tpu.wait_dma2 semaphore(%arg9 : memref<!tpu.dma_semaphore, #tpu.memory_space<semaphore_mem>>) src(%dma_wait3A_23 : memref<2000xi32, #tpu.memory_space<hbm>>) dst(%arg7 : memref<2000xi32, #tpu.memory_space<vmem>>)
      %dma_wait3A_24 = arith.constant 0 : i32
      %dma_wait3A_25 = tpu.memref_slice %arg2[%multiple_of3A_17, %dma_wait3A_24] : memref<320000x16xf32, #tpu.memory_space<hbm>> -> memref<2000x16xf32, #tpu.memory_space<hbm>>
      %dma_wait3A_26 = arith.constant 0 : i32
      %dma_wait3A_27 = tpu.memref_slice %arg2[%multiple_of3A_17, %dma_wait3A_26] : memref<320000x16xf32, #tpu.memory_space<hbm>> -> memref<2000x16xf32, #tpu.memory_space<hbm>>
      tpu.wait_dma2 semaphore(%arg9 : memref<!tpu.dma_semaphore, #tpu.memory_space<semaphore_mem>>) src(%dma_wait3A_27 : memref<2000x16xf32, #tpu.memory_space<hbm>>) dst(%arg6 : memref<2000x16xf32, #tpu.memory_space<vmem>>)
      "tpu.region"() ({
        %run_scoped3A = tpu.sem_alloc : memref<!tpu.dma_semaphore, #tpu.memory_space<semaphore_mem>>
        %dma_start3A_28 = arith.constant 0 : i32
        %dma_start3A_29 = arith.constant 0 : i32
        %dma_start3A_30 = tpu.memref_slice %arg8[%dma_start3A_28, %dma_start3A_29] : memref<10000x16xf32, #tpu.memory_space<vmem_shared>> -> memref<10000x16xf32, #tpu.memory_space<vmem_shared>>
        tpu.enqueue_indirect_dma source(%arg6 : memref<2000x16xf32, #tpu.memory_space<vmem>>) target(%dma_start3A_30 : memref<10000x16xf32, #tpu.memory_space<vmem_shared>>) offsets(%arg7 : memref<2000xi32, #tpu.memory_space<vmem>>) semaphore(%run_scoped3A : memref<!tpu.dma_semaphore, #tpu.memory_space<semaphore_mem>>) {add = true}
        %dma_wait3A_31 = arith.constant 0 : i32
        %dma_wait3A_32 = arith.constant 0 : i32
        %dma_wait3A_33 = tpu.memref_slice %arg8[%dma_wait3A_31, %dma_wait3A_32] : memref<10000x16xf32, #tpu.memory_space<vmem_shared>> -> memref<10000x16xf32, #tpu.memory_space<vmem_shared>>
        tpu.wait_indirect_dma semaphore(%run_scoped3A : memref<!tpu.dma_semaphore, #tpu.memory_space<semaphore_mem>>) src(%arg6 : memref<2000x16xf32, #tpu.memory_space<vmem>>) dst(%dma_wait3A_33 : memref<10000x16xf32, #tpu.memory_space<vmem_shared>>)
        tpu.yield
      }) : () -> ()
    }
    %scan3A_7 = arith.constant 5 : i32
    %barrier3A_8 = arith.constant 0 : index
    tpu.barrier barrier_id(%barrier3A_8)
    %mul3A_9 = arith.constant 625 : i32
    %mul3A_10 = arith.muli %arg1, %mul3A_9 : i32
    %multiple_of3A = tpu.assume_multiple %mul3A_10, 8 : i32
    "tpu.region"() ({
      %run_scoped3A = tpu.sem_alloc : memref<!tpu.dma_semaphore, #tpu.memory_space<semaphore_mem>>
      %dma_start3A = arith.constant 0 : i32
      %dma_start3A_11 = arith.constant 0 : i32
      %dma_start3A_12 = tpu.memref_slice %arg5[%arg0, %dma_start3A, %dma_start3A_11] : memref<2x10000x16xf32, #tpu.memory_space<hbm>> -> memref<1x10000x16xf32, #tpu.memory_space<hbm>>
      %dma_start3A_13 = tpu.memref_squeeze %dma_start3A_12 : memref<1x10000x16xf32, #tpu.memory_space<hbm>> -> memref<10000x16xf32, #tpu.memory_space<hbm>>
      %dma_start3A_14 = arith.constant 0 : i32
      %dma_start3A_15 = tpu.memref_slice %dma_start3A_13[%multiple_of3A, %dma_start3A_14] : memref<10000x16xf32, #tpu.memory_space<hbm>> -> memref<625x16xf32, #tpu.memory_space<hbm>>
      %dma_start3A_16 = arith.constant 0 : i32
      %dma_start3A_17 = tpu.memref_slice %arg8[%multiple_of3A, %dma_start3A_16] : memref<10000x16xf32, #tpu.memory_space<vmem_shared>> -> memref<625x16xf32, #tpu.memory_space<vmem_shared>>
      tpu.enqueue_dma source(%dma_start3A_17 : memref<625x16xf32, #tpu.memory_space<vmem_shared>>) target(%dma_start3A_15 : memref<625x16xf32, #tpu.memory_space<hbm>>) target_semaphore(%run_scoped3A : memref<!tpu.dma_semaphore, #tpu.memory_space<semaphore_mem>>)
      %dma_wait3A = arith.constant 0 : i32
      %dma_wait3A_18 = arith.constant 0 : i32
      %dma_wait3A_19 = tpu.memref_slice %arg5[%arg0, %dma_wait3A, %dma_wait3A_18] : memref<2x10000x16xf32, #tpu.memory_space<hbm>> -> memref<1x10000x16xf32, #tpu.memory_space<hbm>>
      %dma_wait3A_20 = tpu.memref_squeeze %dma_wait3A_19 : memref<1x10000x16xf32, #tpu.memory_space<hbm>> -> memref<10000x16xf32, #tpu.memory_space<hbm>>
      %dma_wait3A_21 = arith.constant 0 : i32
      %dma_wait3A_22 = tpu.memref_slice %dma_wait3A_20[%multiple_of3A, %dma_wait3A_21] : memref<10000x16xf32, #tpu.memory_space<hbm>> -> memref<625x16xf32, #tpu.memory_space<hbm>>
      %dma_wait3A_23 = arith.constant 0 : i32
      %dma_wait3A_24 = tpu.memref_slice %arg8[%multiple_of3A, %dma_wait3A_23] : memref<10000x16xf32, #tpu.memory_space<vmem_shared>> -> memref<625x16xf32, #tpu.memory_space<vmem_shared>>
      tpu.wait_dma2 semaphore(%run_scoped3A : memref<!tpu.dma_semaphore, #tpu.memory_space<semaphore_mem>>) src(%dma_wait3A_24 : memref<625x16xf32, #tpu.memory_space<vmem_shared>>) dst(%dma_wait3A_22 : memref<625x16xf32, #tpu.memory_space<hbm>>)
      tpu.yield
    }) : () -> ()
    return
  }
}

#map = affine_map<(d0, d1) -> (0, 0)>
#map1 = affine_map<(d0, d1) -> (0)>
module attributes {stable_mosaic.version = 14 : i64} {
  func.func @_gather_q(%arg0: i32, %arg1: i32, %arg2: memref<10000x64xf32, #tpu.memory_space<hbm>>, %arg3: memref<320000xi32, #tpu.memory_space<hbm>>, %arg4: memref<320000x64xf32, #tpu.memory_space<hbm>>, %arg5: memref<1000xi32, #tpu.memory_space<vmem>>, %arg6: memref<1000x64xf32, #tpu.memory_space<vmem>>, %arg7: memref<!tpu.dma_semaphore, #tpu.memory_space<semaphore_mem>>) attributes {dimension_semantics = [#tpu.dimension_semantics<core_parallel>, #tpu.dimension_semantics<subcore_parallel>], iteration_bounds = array<i64: 2, 16>, scalar_prefetch = 0 : i64, scratch_operands = 3 : i64, tpu.core_type = #tpu.core_type<sc_vector_subcore>, window_params = [{transform_indices = #map}, {transform_indices = #map1}, {transform_indices = #map}]} {
    %mul3A = arith.constant 2 : i32
    %mul3A_0 = arith.muli %arg1, %mul3A : i32
    %add3A = arith.addi %mul3A_0, %arg0 : i32
    %mul3A_1 = arith.constant 10000 : i32
    %mul3A_2 = arith.muli %add3A, %mul3A_1 : i32
    %scan3A = arith.constant 0 : i32
    %scan3A_3 = arith.constant 0 : i32
    %scan3A_4 = arith.constant 10 : i32
    %scan3A_5 = arith.addi %scan3A_3, %scan3A_4 : i32
    %scan3A_6 = arith.constant 1 : i32
    scf.for %scan3A_8 = %scan3A_3 to %scan3A_5 step %scan3A_6  : i32 {
      %mul3A_9 = arith.constant 1000 : i32
      %mul3A_10 = arith.muli %scan3A_8, %mul3A_9 : i32
      %add3A_11 = arith.addi %mul3A_2, %mul3A_10 : i32
      %multiple_of3A = tpu.assume_multiple %add3A_11, 8 : i32
      "tpu.region"() ({
        %run_scoped3A = tpu.sem_alloc : memref<!tpu.dma_semaphore, #tpu.memory_space<semaphore_mem>>
        %dma_start3A_16 = tpu.memref_slice %arg3[%multiple_of3A] : memref<320000xi32, #tpu.memory_space<hbm>> -> memref<1000xi32, #tpu.memory_space<hbm>>
        %dma_start3A_17 = tpu.memref_slice %arg3[%multiple_of3A] : memref<320000xi32, #tpu.memory_space<hbm>> -> memref<1000xi32, #tpu.memory_space<hbm>>
        tpu.enqueue_dma source(%dma_start3A_17 : memref<1000xi32, #tpu.memory_space<hbm>>) target(%arg5 : memref<1000xi32, #tpu.memory_space<vmem>>) target_semaphore(%run_scoped3A : memref<!tpu.dma_semaphore, #tpu.memory_space<semaphore_mem>>)
        %dma_wait3A_18 = tpu.memref_slice %arg3[%multiple_of3A] : memref<320000xi32, #tpu.memory_space<hbm>> -> memref<1000xi32, #tpu.memory_space<hbm>>
        %dma_wait3A_19 = tpu.memref_slice %arg3[%multiple_of3A] : memref<320000xi32, #tpu.memory_space<hbm>> -> memref<1000xi32, #tpu.memory_space<hbm>>
        tpu.wait_dma2 semaphore(%run_scoped3A : memref<!tpu.dma_semaphore, #tpu.memory_space<semaphore_mem>>) src(%dma_wait3A_19 : memref<1000xi32, #tpu.memory_space<hbm>>) dst(%arg5 : memref<1000xi32, #tpu.memory_space<vmem>>)
        tpu.yield
      }) : () -> ()
      %dma_start3A = arith.constant 0 : i32
      %dma_start3A_12 = arith.constant 0 : i32
      %dma_start3A_13 = tpu.memref_slice %arg2[%dma_start3A, %dma_start3A_12] : memref<10000x64xf32, #tpu.memory_space<hbm>> -> memref<10000x64xf32, #tpu.memory_space<hbm>>
      tpu.enqueue_indirect_dma source(%dma_start3A_13 : memref<10000x64xf32, #tpu.memory_space<hbm>>) target(%arg6 : memref<1000x64xf32, #tpu.memory_space<vmem>>) offsets(%arg5 : memref<1000xi32, #tpu.memory_space<vmem>>) semaphore(%arg7 : memref<!tpu.dma_semaphore, #tpu.memory_space<semaphore_mem>>)
      %dma_wait3A = arith.constant 0 : i32
      %dma_wait3A_14 = arith.constant 0 : i32
      %dma_wait3A_15 = tpu.memref_slice %arg2[%dma_wait3A, %dma_wait3A_14] : memref<10000x64xf32, #tpu.memory_space<hbm>> -> memref<10000x64xf32, #tpu.memory_space<hbm>>
      tpu.wait_indirect_dma semaphore(%arg7 : memref<!tpu.dma_semaphore, #tpu.memory_space<semaphore_mem>>) src(%dma_wait3A_15 : memref<10000x64xf32, #tpu.memory_space<hbm>>) dst(%arg6 : memref<1000x64xf32, #tpu.memory_space<vmem>>)
      "tpu.region"() ({
        %run_scoped3A = tpu.sem_alloc : memref<!tpu.dma_semaphore, #tpu.memory_space<semaphore_mem>>
        %dma_start3A_16 = arith.constant 0 : i32
        %dma_start3A_17 = tpu.memref_slice %arg4[%multiple_of3A, %dma_start3A_16] : memref<320000x64xf32, #tpu.memory_space<hbm>> -> memref<1000x64xf32, #tpu.memory_space<hbm>>
        %dma_start3A_18 = arith.constant 0 : i32
        %dma_start3A_19 = tpu.memref_slice %arg4[%multiple_of3A, %dma_start3A_18] : memref<320000x64xf32, #tpu.memory_space<hbm>> -> memref<1000x64xf32, #tpu.memory_space<hbm>>
        tpu.enqueue_dma source(%arg6 : memref<1000x64xf32, #tpu.memory_space<vmem>>) target(%dma_start3A_19 : memref<1000x64xf32, #tpu.memory_space<hbm>>) target_semaphore(%run_scoped3A : memref<!tpu.dma_semaphore, #tpu.memory_space<semaphore_mem>>)
        %dma_wait3A_20 = arith.constant 0 : i32
        %dma_wait3A_21 = tpu.memref_slice %arg4[%multiple_of3A, %dma_wait3A_20] : memref<320000x64xf32, #tpu.memory_space<hbm>> -> memref<1000x64xf32, #tpu.memory_space<hbm>>
        %dma_wait3A_22 = arith.constant 0 : i32
        %dma_wait3A_23 = tpu.memref_slice %arg4[%multiple_of3A, %dma_wait3A_22] : memref<320000x64xf32, #tpu.memory_space<hbm>> -> memref<1000x64xf32, #tpu.memory_space<hbm>>
        tpu.wait_dma2 semaphore(%run_scoped3A : memref<!tpu.dma_semaphore, #tpu.memory_space<semaphore_mem>>) src(%arg6 : memref<1000x64xf32, #tpu.memory_space<vmem>>) dst(%dma_wait3A_23 : memref<1000x64xf32, #tpu.memory_space<hbm>>)
        tpu.yield
      }) : () -> ()
    }
    %scan3A_7 = arith.constant 10 : i32
    return
  }
}

module attributes {stable_mosaic.version = 14 : i64} {
  func.func @_q_body(%arg0: i32, %arg1: memref<1000x128xf32, #tpu.memory_space<vmem>>, %arg2: memref<128x64xf32, #tpu.memory_space<vmem>>, %arg3: memref<1x64xf32, #tpu.memory_space<vmem>>, %arg4: memref<64x64xf32, #tpu.memory_space<vmem>>, %arg5: memref<1x64xf32, #tpu.memory_space<vmem>>, %arg6: memref<1000x64xf32, #tpu.memory_space<vmem>>) attributes {dimension_semantics = [#tpu.dimension_semantics<arbitrary>], iteration_bounds = array<i64: 10>, scalar_prefetch = 0 : i64, scratch_operands = 0 : i64, tpu.core_type = #tpu.core_type<tc>, window_params = [{transform_indices = @transform_0, window_bounds = array<i64: 1000, 128>}, {pipeline_mode = #tpu.pipeline_mode<synchronous>, transform_indices = @transform_1, window_bounds = array<i64: 128, 64>}, {pipeline_mode = #tpu.pipeline_mode<synchronous>, transform_indices = @transform_2, window_bounds = array<i64: 1, 64>}, {pipeline_mode = #tpu.pipeline_mode<synchronous>, transform_indices = @transform_3, window_bounds = array<i64: 64, 64>}, {pipeline_mode = #tpu.pipeline_mode<synchronous>, transform_indices = @transform_4, window_bounds = array<i64: 1, 64>}, {transform_indices = @transform_5, window_bounds = array<i64: 1000, 64>}]} {
    %get3A = arith.constant 0 : index
    %get3A_0 = arith.constant 0 : index
    %get3A_1 = vector.load %arg1[%get3A, %get3A_0] : memref<1000x128xf32, #tpu.memory_space<vmem>>, vector<1000x128xf32>
    %get3A_2 = arith.constant 0 : index
    %get3A_3 = arith.constant 0 : index
    %get3A_4 = vector.load %arg2[%get3A_2, %get3A_3] : memref<128x64xf32, #tpu.memory_space<vmem>>, vector<128x64xf32>
    %dot_general3A = arith.constant dense<0.000000e+00> : vector<1000x64xf32>
    %dot_general3A_5 = tpu.matmul %get3A_1, %get3A_4, %dot_general3A {dimension_numbers = #tpu.dot_dimension_numbers<[1], [0], [0], [1], [0, 0, 1, 1], [], []>, transpose_lhs_hint = false} : vector<1000x128xf32>, vector<128x64xf32>, vector<1000x64xf32> -> vector<1000x64xf32>
    %get3A_6 = arith.constant 0 : index
    %get3A_7 = arith.constant 0 : index
    %get3A_8 = vector.load %arg3[%get3A_6, %get3A_7] : memref<1x64xf32, #tpu.memory_space<vmem>>, vector<1x64xf32>
    %add3A = vector.broadcast %get3A_8 : vector<1x64xf32> to vector<1000x64xf32>
    %add3A_9 = arith.addf %dot_general3A_5, %add3A : vector<1000x64xf32>
    %max3A = arith.constant 0.000000e+00 : f32
    %max3A_10 = vector.broadcast %max3A : f32 to vector<1000x64xf32>
    %max3A_11 = arith.maximumf %add3A_9, %max3A_10 : vector<1000x64xf32>
    %get3A_12 = arith.constant 0 : index
    %get3A_13 = arith.constant 0 : index
    %get3A_14 = vector.load %arg4[%get3A_12, %get3A_13] : memref<64x64xf32, #tpu.memory_space<vmem>>, vector<64x64xf32>
    %dot_general3A_15 = arith.constant dense<0.000000e+00> : vector<1000x64xf32>
    %dot_general3A_16 = tpu.matmul %max3A_11, %get3A_14, %dot_general3A_15 {dimension_numbers = #tpu.dot_dimension_numbers<[1], [0], [0], [1], [0, 0, 1, 1], [], []>, transpose_lhs_hint = false} : vector<1000x64xf32>, vector<64x64xf32>, vector<1000x64xf32> -> vector<1000x64xf32>
    %get3A_17 = arith.constant 0 : index
    %get3A_18 = arith.constant 0 : index
    %get3A_19 = vector.load %arg5[%get3A_17, %get3A_18] : memref<1x64xf32, #tpu.memory_space<vmem>>, vector<1x64xf32>
    %add3A_20 = vector.broadcast %get3A_19 : vector<1x64xf32> to vector<1000x64xf32>
    %add3A_21 = arith.addf %dot_general3A_16, %add3A_20 : vector<1000x64xf32>
    %swap3A = arith.constant 0 : index
    %swap3A_22 = arith.constant 0 : index
    %swap3A_23 = vector.load %arg6[%swap3A, %swap3A_22] : memref<1000x64xf32, #tpu.memory_space<vmem>>, vector<1000x64xf32>
    tpu.vector_store %arg6[%swap3A, %swap3A_22], %add3A_21 {strides = array<i32>} : memref<1000x64xf32, #tpu.memory_space<vmem>>, vector<1000x64xf32>,
    return
  }
  func.func @transform_0(%arg0: i32) -> (i32, i32) {
    %c0_i32 = arith.constant 0 : i32
    %c0_i32_0 = arith.constant 0 : i32
    return %arg0, %c0_i32 : i32, i32
  }
  func.func @transform_1(%arg0: i32) -> (i32, i32) {
    %c0_i32 = arith.constant 0 : i32
    %c0_i32_0 = arith.constant 0 : i32
    %c0_i32_1 = arith.constant 0 : i32
    return %c0_i32, %c0_i32_0 : i32, i32
  }
  func.func @transform_2(%arg0: i32) -> (i32, i32) {
    %c0_i32 = arith.constant 0 : i32
    %c0_i32_0 = arith.constant 0 : i32
    %c0_i32_1 = arith.constant 0 : i32
    return %c0_i32, %c0_i32_0 : i32, i32
  }
  func.func @transform_3(%arg0: i32) -> (i32, i32) {
    %c0_i32 = arith.constant 0 : i32
    %c0_i32_0 = arith.constant 0 : i32
    %c0_i32_1 = arith.constant 0 : i32
    return %c0_i32, %c0_i32_0 : i32, i32
  }
  func.func @transform_4(%arg0: i32) -> (i32, i32) {
    %c0_i32 = arith.constant 0 : i32
    %c0_i32_0 = arith.constant 0 : i32
    %c0_i32_1 = arith.constant 0 : i32
    return %c0_i32, %c0_i32_0 : i32, i32
  }
  func.func @transform_5(%arg0: i32) -> (i32, i32) {
    %c0_i32 = arith.constant 0 : i32
    %c0_i32_0 = arith.constant 0 : i32
    return %arg0, %c0_i32 : i32, i32
  }
}

module attributes {stable_mosaic.version = 14 : i64} {
  func.func @_edge_body(%arg0: i32, %arg1: memref<2000x16xf32, #tpu.memory_space<vmem>>, %arg2: memref<2000x64xf32, #tpu.memory_space<vmem>>, %arg3: memref<16x64xf32, #tpu.memory_space<vmem>>, %arg4: memref<1x64xf32, #tpu.memory_space<vmem>>, %arg5: memref<64x64xf32, #tpu.memory_space<vmem>>, %arg6: memref<1x64xf32, #tpu.memory_space<vmem>>, %arg7: memref<64x64xf32, #tpu.memory_space<vmem>>, %arg8: memref<1x64xf32, #tpu.memory_space<vmem>>, %arg9: memref<64x8xf32, #tpu.memory_space<vmem>>, %arg10: memref<2000x64xf32, #tpu.memory_space<vmem>>, %arg11: memref<1x1x2000xf32, #tpu.memory_space<vmem>>, %arg12: memref<1x1x2000xi32, #tpu.memory_space<vmem>>, %arg13: memref<2000x16xf32, #tpu.memory_space<vmem>>, %arg14: memref<1x8xf32, #tpu.memory_space<vmem>>) attributes {dimension_semantics = [#tpu.dimension_semantics<arbitrary>], iteration_bounds = array<i64: 160>, scalar_prefetch = 0 : i64, scratch_operands = 0 : i64, tpu.core_type = #tpu.core_type<tc>, window_params = [{transform_indices = @transform_0, window_bounds = array<i64: 2000, 16>}, {transform_indices = @transform_1, window_bounds = array<i64: 2000, 64>}, {pipeline_mode = #tpu.pipeline_mode<synchronous>, transform_indices = @transform_2, window_bounds = array<i64: 16, 64>}, {pipeline_mode = #tpu.pipeline_mode<synchronous>, transform_indices = @transform_3, window_bounds = array<i64: 1, 64>}, {pipeline_mode = #tpu.pipeline_mode<synchronous>, transform_indices = @transform_4, window_bounds = array<i64: 64, 64>}, {pipeline_mode = #tpu.pipeline_mode<synchronous>, transform_indices = @transform_5, window_bounds = array<i64: 1, 64>}, {pipeline_mode = #tpu.pipeline_mode<synchronous>, transform_indices = @transform_6, window_bounds = array<i64: 64, 64>}, {pipeline_mode = #tpu.pipeline_mode<synchronous>, transform_indices = @transform_7, window_bounds = array<i64: 1, 64>}, {pipeline_mode = #tpu.pipeline_mode<synchronous>, transform_indices = @transform_8, window_bounds = array<i64: 64, 8>}, {transform_indices = @transform_9, window_bounds = array<i64: 2000, 64>}, {transform_indices = @transform_10, window_bounds = array<i64: 1, 1, 2000>}, {transform_indices = @transform_11, window_bounds = array<i64: 1, 1, 2000>}, {transform_indices = @transform_12, window_bounds = array<i64: 2000, 16>}, {pipeline_mode = #tpu.pipeline_mode<synchronous>, transform_indices = @transform_13, window_bounds = array<i64: 1, 8>}]} {
    %get3A = arith.constant 0 : index
    %get3A_0 = arith.constant 0 : index
    %get3A_1 = vector.load %arg1[%get3A, %get3A_0] : memref<2000x16xf32, #tpu.memory_space<vmem>>, vector<2000x16xf32>
    %get3A_2 = arith.constant 0 : index
    %get3A_3 = arith.constant 0 : index
    %get3A_4 = vector.load %arg3[%get3A_2, %get3A_3] : memref<16x64xf32, #tpu.memory_space<vmem>>, vector<16x64xf32>
    %dot_general3A = arith.constant dense<0.000000e+00> : vector<2000x64xf32>
    %dot_general3A_5 = tpu.matmul %get3A_1, %get3A_4, %dot_general3A {dimension_numbers = #tpu.dot_dimension_numbers<[1], [0], [0], [1], [0, 0, 1, 1], [], []>, transpose_lhs_hint = false} : vector<2000x16xf32>, vector<16x64xf32>, vector<2000x64xf32> -> vector<2000x64xf32>
    %get3A_6 = arith.constant 0 : index
    %get3A_7 = arith.constant 0 : index
    %get3A_8 = vector.load %arg4[%get3A_6, %get3A_7] : memref<1x64xf32, #tpu.memory_space<vmem>>, vector<1x64xf32>
    %add3A = vector.broadcast %get3A_8 : vector<1x64xf32> to vector<2000x64xf32>
    %add3A_9 = arith.addf %dot_general3A_5, %add3A : vector<2000x64xf32>
    %max3A = arith.constant 0.000000e+00 : f32
    %max3A_10 = vector.broadcast %max3A : f32 to vector<2000x64xf32>
    %max3A_11 = arith.maximumf %add3A_9, %max3A_10 : vector<2000x64xf32>
    %get3A_12 = arith.constant 0 : index
    %get3A_13 = arith.constant 0 : index
    %get3A_14 = vector.load %arg5[%get3A_12, %get3A_13] : memref<64x64xf32, #tpu.memory_space<vmem>>, vector<64x64xf32>
    %dot_general3A_15 = arith.constant dense<0.000000e+00> : vector<2000x64xf32>
    %dot_general3A_16 = tpu.matmul %max3A_11, %get3A_14, %dot_general3A_15 {dimension_numbers = #tpu.dot_dimension_numbers<[1], [0], [0], [1], [0, 0, 1, 1], [], []>, transpose_lhs_hint = false} : vector<2000x64xf32>, vector<64x64xf32>, vector<2000x64xf32> -> vector<2000x64xf32>
    %get3A_17 = arith.constant 0 : index
    %get3A_18 = arith.constant 0 : index
    %get3A_19 = vector.load %arg6[%get3A_17, %get3A_18] : memref<1x64xf32, #tpu.memory_space<vmem>>, vector<1x64xf32>
    %add3A_20 = vector.broadcast %get3A_19 : vector<1x64xf32> to vector<2000x64xf32>
    %add3A_21 = arith.addf %dot_general3A_16, %add3A_20 : vector<2000x64xf32>
    %get3A_22 = arith.constant 0 : index
    %get3A_23 = arith.constant 0 : index
    %get3A_24 = vector.load %arg7[%get3A_22, %get3A_23] : memref<64x64xf32, #tpu.memory_space<vmem>>, vector<64x64xf32>
    %dot_general3A_25 = arith.constant dense<0.000000e+00> : vector<2000x64xf32>
    %dot_general3A_26 = tpu.matmul %max3A_11, %get3A_24, %dot_general3A_25 {dimension_numbers = #tpu.dot_dimension_numbers<[1], [0], [0], [1], [0, 0, 1, 1], [], []>, transpose_lhs_hint = false} : vector<2000x64xf32>, vector<64x64xf32>, vector<2000x64xf32> -> vector<2000x64xf32>
    %get3A_27 = arith.constant 0 : index
    %get3A_28 = arith.constant 0 : index
    %get3A_29 = vector.load %arg8[%get3A_27, %get3A_28] : memref<1x64xf32, #tpu.memory_space<vmem>>, vector<1x64xf32>
    %add3A_30 = vector.broadcast %get3A_29 : vector<1x64xf32> to vector<2000x64xf32>
    %add3A_31 = arith.addf %dot_general3A_26, %add3A_30 : vector<2000x64xf32>
    %swap3A = arith.constant 0 : index
    %swap3A_32 = arith.constant 0 : index
    %swap3A_33 = vector.load %arg10[%swap3A, %swap3A_32] : memref<2000x64xf32, #tpu.memory_space<vmem>>, vector<2000x64xf32>
    tpu.vector_store %arg10[%swap3A, %swap3A_32], %add3A_31 {strides = array<i32>} : memref<2000x64xf32, #tpu.memory_space<vmem>>, vector<2000x64xf32>,
    %get3A_34 = arith.constant 0 : index
    %get3A_35 = arith.constant 0 : index
    %get3A_36 = vector.load %arg9[%get3A_34, %get3A_35] : memref<64x8xf32, #tpu.memory_space<vmem>>, vector<64x8xf32>
    %dot_general3A_37 = arith.constant dense<0.000000e+00> : vector<2000x8xf32>
    %dot_general3A_38 = tpu.matmul %max3A_11, %get3A_36, %dot_general3A_37 {dimension_numbers = #tpu.dot_dimension_numbers<[1], [0], [0], [1], [0, 0, 1, 1], [], []>, transpose_lhs_hint = false} : vector<2000x64xf32>, vector<64x8xf32>, vector<2000x8xf32> -> vector<2000x8xf32>
    %slice3A = vector.extract_strided_slice %dot_general3A_38 {offsets = [0, 0], sizes = [2000, 1], strides = [1, 1]} : vector<2000x8xf32> to vector<2000x1xf32>
    %squeeze3A = vector.shape_cast %slice3A : vector<2000x1xf32> to vector<2000xf32>
    %broadcast_in_dim3A = arith.constant 0 : i32
    %broadcast_in_dim3A_39 = vector.broadcast %broadcast_in_dim3A : i32 to vector<2000xi32>
    %slice3A_40 = vector.extract_strided_slice %dot_general3A_38 {offsets = [0, 1], sizes = [2000, 1], strides = [1, 1]} : vector<2000x8xf32> to vector<2000x1xf32>
    %squeeze3A_41 = vector.shape_cast %slice3A_40 : vector<2000x1xf32> to vector<2000xf32>
    %gt3A = arith.cmpf ogt, %squeeze3A_41, %squeeze3A : vector<2000xf32>
    %slice3A_42 = vector.extract_strided_slice %dot_general3A_38 {offsets = [0, 1], sizes = [2000, 1], strides = [1, 1]} : vector<2000x8xf32> to vector<2000x1xf32>
    %squeeze3A_43 = vector.shape_cast %slice3A_42 : vector<2000x1xf32> to vector<2000xf32>
    %select_n3A = arith.select %gt3A, %squeeze3A_43, %squeeze3A : vector<2000xi1>, vector<2000xf32>
    %jit3A = arith.constant 1 : i32
    %broadcast_in_dim3A_44 = vector.broadcast %jit3A : i32 to vector<2000xi32>
    %select_n3A_45 = arith.select %gt3A, %broadcast_in_dim3A_44, %broadcast_in_dim3A_39 : vector<2000xi1>, vector<2000xi32>
    %slice3A_46 = vector.extract_strided_slice %dot_general3A_38 {offsets = [0, 2], sizes = [2000, 1], strides = [1, 1]} : vector<2000x8xf32> to vector<2000x1xf32>
    %squeeze3A_47 = vector.shape_cast %slice3A_46 : vector<2000x1xf32> to vector<2000xf32>
    %gt3A_48 = arith.cmpf ogt, %squeeze3A_47, %select_n3A : vector<2000xf32>
    %slice3A_49 = vector.extract_strided_slice %dot_general3A_38 {offsets = [0, 2], sizes = [2000, 1], strides = [1, 1]} : vector<2000x8xf32> to vector<2000x1xf32>
    %squeeze3A_50 = vector.shape_cast %slice3A_49 : vector<2000x1xf32> to vector<2000xf32>
    %select_n3A_51 = arith.select %gt3A_48, %squeeze3A_50, %select_n3A : vector<2000xi1>, vector<2000xf32>
    %jit3A_52 = arith.constant 2 : i32
    %broadcast_in_dim3A_53 = vector.broadcast %jit3A_52 : i32 to vector<2000xi32>
    %select_n3A_54 = arith.select %gt3A_48, %broadcast_in_dim3A_53, %select_n3A_45 : vector<2000xi1>, vector<2000xi32>
    %slice3A_55 = vector.extract_strided_slice %dot_general3A_38 {offsets = [0, 3], sizes = [2000, 1], strides = [1, 1]} : vector<2000x8xf32> to vector<2000x1xf32>
    %squeeze3A_56 = vector.shape_cast %slice3A_55 : vector<2000x1xf32> to vector<2000xf32>
    %gt3A_57 = arith.cmpf ogt, %squeeze3A_56, %select_n3A_51 : vector<2000xf32>
    %slice3A_58 = vector.extract_strided_slice %dot_general3A_38 {offsets = [0, 3], sizes = [2000, 1], strides = [1, 1]} : vector<2000x8xf32> to vector<2000x1xf32>
    %squeeze3A_59 = vector.shape_cast %slice3A_58 : vector<2000x1xf32> to vector<2000xf32>
    %select_n3A_60 = arith.select %gt3A_57, %squeeze3A_59, %select_n3A_51 : vector<2000xi1>, vector<2000xf32>
    %jit3A_61 = arith.constant 3 : i32
    %broadcast_in_dim3A_62 = vector.broadcast %jit3A_61 : i32 to vector<2000xi32>
    %select_n3A_63 = arith.select %gt3A_57, %broadcast_in_dim3A_62, %select_n3A_54 : vector<2000xi1>, vector<2000xi32>
    %slice3A_64 = vector.extract_strided_slice %dot_general3A_38 {offsets = [0, 4], sizes = [2000, 1], strides = [1, 1]} : vector<2000x8xf32> to vector<2000x1xf32>
    %squeeze3A_65 = vector.shape_cast %slice3A_64 : vector<2000x1xf32> to vector<2000xf32>
    %gt3A_66 = arith.cmpf ogt, %squeeze3A_65, %select_n3A_60 : vector<2000xf32>
    %slice3A_67 = vector.extract_strided_slice %dot_general3A_38 {offsets = [0, 4], sizes = [2000, 1], strides = [1, 1]} : vector<2000x8xf32> to vector<2000x1xf32>
    %squeeze3A_68 = vector.shape_cast %slice3A_67 : vector<2000x1xf32> to vector<2000xf32>
    %select_n3A_69 = arith.select %gt3A_66, %squeeze3A_68, %select_n3A_60 : vector<2000xi1>, vector<2000xf32>
    %jit3A_70 = arith.constant 4 : i32
    %broadcast_in_dim3A_71 = vector.broadcast %jit3A_70 : i32 to vector<2000xi32>
    %select_n3A_72 = arith.select %gt3A_66, %broadcast_in_dim3A_71, %select_n3A_63 : vector<2000xi1>, vector<2000xi32>
    %slice3A_73 = vector.extract_strided_slice %dot_general3A_38 {offsets = [0, 5], sizes = [2000, 1], strides = [1, 1]} : vector<2000x8xf32> to vector<2000x1xf32>
    %squeeze3A_74 = vector.shape_cast %slice3A_73 : vector<2000x1xf32> to vector<2000xf32>
    %gt3A_75 = arith.cmpf ogt, %squeeze3A_74, %select_n3A_69 : vector<2000xf32>
    %slice3A_76 = vector.extract_strided_slice %dot_general3A_38 {offsets = [0, 5], sizes = [2000, 1], strides = [1, 1]} : vector<2000x8xf32> to vector<2000x1xf32>
    %squeeze3A_77 = vector.shape_cast %slice3A_76 : vector<2000x1xf32> to vector<2000xf32>
    %select_n3A_78 = arith.select %gt3A_75, %squeeze3A_77, %select_n3A_69 : vector<2000xi1>, vector<2000xf32>
    %jit3A_79 = arith.constant 5 : i32
    %broadcast_in_dim3A_80 = vector.broadcast %jit3A_79 : i32 to vector<2000xi32>
    %select_n3A_81 = arith.select %gt3A_75, %broadcast_in_dim3A_80, %select_n3A_72 : vector<2000xi1>, vector<2000xi32>
    %slice3A_82 = vector.extract_strided_slice %dot_general3A_38 {offsets = [0, 6], sizes = [2000, 1], strides = [1, 1]} : vector<2000x8xf32> to vector<2000x1xf32>
    %squeeze3A_83 = vector.shape_cast %slice3A_82 : vector<2000x1xf32> to vector<2000xf32>
    %gt3A_84 = arith.cmpf ogt, %squeeze3A_83, %select_n3A_78 : vector<2000xf32>
    %slice3A_85 = vector.extract_strided_slice %dot_general3A_38 {offsets = [0, 6], sizes = [2000, 1], strides = [1, 1]} : vector<2000x8xf32> to vector<2000x1xf32>
    %squeeze3A_86 = vector.shape_cast %slice3A_85 : vector<2000x1xf32> to vector<2000xf32>
    %select_n3A_87 = arith.select %gt3A_84, %squeeze3A_86, %select_n3A_78 : vector<2000xi1>, vector<2000xf32>
    %jit3A_88 = arith.constant 6 : i32
    %broadcast_in_dim3A_89 = vector.broadcast %jit3A_88 : i32 to vector<2000xi32>
    %select_n3A_90 = arith.select %gt3A_84, %broadcast_in_dim3A_89, %select_n3A_81 : vector<2000xi1>, vector<2000xi32>
    %slice3A_91 = vector.extract_strided_slice %dot_general3A_38 {offsets = [0, 7], sizes = [2000, 1], strides = [1, 1]} : vector<2000x8xf32> to vector<2000x1xf32>
    %squeeze3A_92 = vector.shape_cast %slice3A_91 : vector<2000x1xf32> to vector<2000xf32>
    %gt3A_93 = arith.cmpf ogt, %squeeze3A_92, %select_n3A_87 : vector<2000xf32>
    %jit3A_94 = arith.constant 7 : i32
    %broadcast_in_dim3A_95 = vector.broadcast %jit3A_94 : i32 to vector<2000xi32>
    %select_n3A_96 = arith.select %gt3A_93, %broadcast_in_dim3A_95, %select_n3A_90 : vector<2000xi1>, vector<2000xi32>
    %broadcast_in_dim3A_97 = vector.shape_cast %select_n3A_96 : vector<2000xi32> to vector<1x1x2000xi32>
    %swap3A_98 = arith.constant 0 : index
    %swap3A_99 = arith.constant 0 : index
    %swap3A_100 = arith.constant 0 : index
    %swap3A_101 = vector.load %arg12[%swap3A_98, %swap3A_99, %swap3A_100] : memref<1x1x2000xi32, #tpu.memory_space<vmem>>, vector<1x1x2000xi32>
    tpu.vector_store %arg12[%swap3A_98, %swap3A_99, %swap3A_100], %broadcast_in_dim3A_97 {strides = array<i32>} : memref<1x1x2000xi32, #tpu.memory_space<vmem>>, vector<1x1x2000xi32>,
    %get3A_102 = arith.constant 0 : index
    %get3A_103 = arith.constant 0 : index
    %get3A_104 = vector.load %arg2[%get3A_102, %get3A_103] : memref<2000x64xf32, #tpu.memory_space<vmem>>, vector<2000x64xf32>
    %mul3A = arith.mulf %get3A_104, %add3A_21 : vector<2000x64xf32>
    %reduce_sum3A = arith.constant dense<0.000000e+00> : vector<2000xf32>
    %reduce_sum3A_105 = vector.multi_reduction <add>, %mul3A, %reduce_sum3A [1] : vector<2000x64xf32> to vector<2000xf32>
    %mul3A_106 = arith.constant 1.250000e-01 : f32
    %mul3A_107 = vector.broadcast %mul3A_106 : f32 to vector<2000xf32>
    %mul3A_108 = arith.mulf %reduce_sum3A_105, %mul3A_107 : vector<2000xf32>
    %exp3A = math.exp %mul3A_108 : vector<2000xf32>
    %broadcast_in_dim3A_109 = vector.shape_cast %exp3A : vector<2000xf32> to vector<1x1x2000xf32>
    %swap3A_110 = arith.constant 0 : index
    %swap3A_111 = arith.constant 0 : index
    %swap3A_112 = arith.constant 0 : index
    %swap3A_113 = vector.load %arg11[%swap3A_110, %swap3A_111, %swap3A_112] : memref<1x1x2000xf32, #tpu.memory_space<vmem>>, vector<1x1x2000xf32>
    tpu.vector_store %arg11[%swap3A_110, %swap3A_111, %swap3A_112], %broadcast_in_dim3A_109 {strides = array<i32>} : memref<1x1x2000xf32, #tpu.memory_space<vmem>>, vector<1x1x2000xf32>,
    %iota3A = tpu.iota {dimensions = array<i32: 1>} : vector<2000x16xi32>
    %broadcast_in_dim3A_114 = vector.shape_cast %select_n3A_96 : vector<2000xi32> to vector<2000x1xi32>
    %eq3A = vector.broadcast %broadcast_in_dim3A_114 : vector<2000x1xi32> to vector<2000x16xi32>
    %eq3A_115 = arith.cmpi eq, %iota3A, %eq3A : vector<2000x16xi32>
    %broadcast_in_dim3A_116 = vector.shape_cast %exp3A : vector<2000xf32> to vector<2000x1xf32>
    %jit3A_117 = arith.constant 0.000000e+00 : f32
    %broadcast_in_dim3A_118 = vector.shape_cast %broadcast_in_dim3A_116 : vector<2000x1xf32> to vector<2000x1xf32>
    %broadcast_in_dim3A_119 = vector.broadcast %broadcast_in_dim3A_118 : vector<2000x1xf32> to vector<2000x16xf32>
    %broadcast_in_dim3A_120 = vector.broadcast %jit3A_117 : f32 to vector<2000x16xf32>
    %select_n3A_121 = arith.select %eq3A_115, %broadcast_in_dim3A_119, %broadcast_in_dim3A_120 : vector<2000x16xi1>, vector<2000x16xf32>
    %add3A_122 = arith.constant 8 : i32
    %add3A_123 = vector.broadcast %add3A_122 : i32 to vector<2000x1xi32>
    %add3A_124 = arith.addi %broadcast_in_dim3A_114, %add3A_123 : vector<2000x1xi32>
    %eq3A_125 = vector.broadcast %add3A_124 : vector<2000x1xi32> to vector<2000x16xi32>
    %eq3A_126 = arith.cmpi eq, %iota3A, %eq3A_125 : vector<2000x16xi32>
    %jit3A_127 = arith.constant 1.000000e+00 : f32
    %jit3A_128 = arith.constant 0.000000e+00 : f32
    %broadcast_in_dim3A_129 = vector.broadcast %jit3A_127 : f32 to vector<2000x16xf32>
    %broadcast_in_dim3A_130 = vector.broadcast %jit3A_128 : f32 to vector<2000x16xf32>
    %select_n3A_131 = arith.select %eq3A_126, %broadcast_in_dim3A_129, %broadcast_in_dim3A_130 : vector<2000x16xi1>, vector<2000x16xf32>
    %add3A_132 = arith.addf %select_n3A_121, %select_n3A_131 : vector<2000x16xf32>
    %swap3A_133 = arith.constant 0 : index
    %swap3A_134 = arith.constant 0 : index
    %swap3A_135 = vector.load %arg13[%swap3A_133, %swap3A_134] : memref<2000x16xf32, #tpu.memory_space<vmem>>, vector<2000x16xf32>
    tpu.vector_store %arg13[%swap3A_133, %swap3A_134], %add3A_132 {strides = array<i32>} : memref<2000x16xf32, #tpu.memory_space<vmem>>, vector<2000x16xf32>,
    %iota3A_136 = tpu.iota {dimensions = array<i32: 1>} : vector<2000x8xi32>
    %eq3A_137 = vector.broadcast %broadcast_in_dim3A_114 : vector<2000x1xi32> to vector<2000x8xi32>
    %eq3A_138 = arith.cmpi eq, %iota3A_136, %eq3A_137 : vector<2000x8xi32>
    %convert_element_type3A = arith.extui %eq3A_138 : vector<2000x8xi1> to vector<2000x8xi32>
    %convert_element_type3A_139 = arith.sitofp %convert_element_type3A : vector<2000x8xi32> to vector<2000x8xf32>
    %reduce_sum3A_140 = arith.constant dense<0.000000e+00> : vector<8xf32>
    %reduce_sum3A_141 = vector.multi_reduction <add>, %convert_element_type3A_139, %reduce_sum3A_140 [0] : vector<2000x8xf32> to vector<8xf32>
    %broadcast_in_dim3A_142 = vector.shape_cast %reduce_sum3A_141 : vector<8xf32> to vector<1x8xf32>
    %eq3A_143 = arith.constant 0 : i32
    %eq3A_144 = arith.cmpi eq, %arg0, %eq3A_143 : i32
    %convert_element_type3A_145 = arith.extui %eq3A_144 : i1 to i32
    %cond3A = arith.constant 0 : i32
    %cond3A_146 = arith.cmpi ne, %convert_element_type3A_145, %cond3A : i32
    scf.if %cond3A_146 {
      %broadcast_in_dim3A_154 = arith.constant 0.000000e+00 : f32
      %broadcast_in_dim3A_155 = vector.broadcast %broadcast_in_dim3A_154 : f32 to vector<1x8xf32>
      %swap3A_156 = arith.constant 0 : index
      %swap3A_157 = arith.constant 0 : index
      %swap3A_158 = vector.load %arg14[%swap3A_156, %swap3A_157] : memref<1x8xf32, #tpu.memory_space<vmem>>, vector<1x8xf32>
      tpu.vector_store %arg14[%swap3A_156, %swap3A_157], %broadcast_in_dim3A_155 {strides = array<i32>} : memref<1x8xf32, #tpu.memory_space<vmem>>, vector<1x8xf32>,
    } else {
    }
    %get3A_147 = arith.constant 0 : index
    %get3A_148 = arith.constant 0 : index
    %get3A_149 = vector.load %arg14[%get3A_147, %get3A_148] : memref<1x8xf32, #tpu.memory_space<vmem>>, vector<1x8xf32>
    %add3A_150 = arith.addf %get3A_149, %broadcast_in_dim3A_142 : vector<1x8xf32>
    %swap3A_151 = arith.constant 0 : index
    %swap3A_152 = arith.constant 0 : index
    %swap3A_153 = vector.load %arg14[%swap3A_151, %swap3A_152] : memref<1x8xf32, #tpu.memory_space<vmem>>, vector<1x8xf32>
    tpu.vector_store %arg14[%swap3A_151, %swap3A_152], %add3A_150 {strides = array<i32>} : memref<1x8xf32, #tpu.memory_space<vmem>>, vector<1x8xf32>,
    return
  }
  func.func @transform_0(%arg0: i32) -> (i32, i32) {
    %c0_i32 = arith.constant 0 : i32
    %c0_i32_0 = arith.constant 0 : i32
    return %arg0, %c0_i32 : i32, i32
  }
  func.func @transform_1(%arg0: i32) -> (i32, i32) {
    %c0_i32 = arith.constant 0 : i32
    %c0_i32_0 = arith.constant 0 : i32
    return %arg0, %c0_i32 : i32, i32
  }
  func.func @transform_2(%arg0: i32) -> (i32, i32) {
    %c0_i32 = arith.constant 0 : i32
    %c0_i32_0 = arith.constant 0 : i32
    %c0_i32_1 = arith.constant 0 : i32
    return %c0_i32, %c0_i32_0 : i32, i32
  }
  func.func @transform_3(%arg0: i32) -> (i32, i32) {
    %c0_i32 = arith.constant 0 : i32
    %c0_i32_0 = arith.constant 0 : i32
    %c0_i32_1 = arith.constant 0 : i32
    return %c0_i32, %c0_i32_0 : i32, i32
  }
  func.func @transform_4(%arg0: i32) -> (i32, i32) {
    %c0_i32 = arith.constant 0 : i32
    %c0_i32_0 = arith.constant 0 : i32
    %c0_i32_1 = arith.constant 0 : i32
    return %c0_i32, %c0_i32_0 : i32, i32
  }
  func.func @transform_5(%arg0: i32) -> (i32, i32) {
    %c0_i32 = arith.constant 0 : i32
    %c0_i32_0 = arith.constant 0 : i32
    %c0_i32_1 = arith.constant 0 : i32
    return %c0_i32, %c0_i32_0 : i32, i32
  }
  func.func @transform_6(%arg0: i32) -> (i32, i32) {
    %c0_i32 = arith.constant 0 : i32
    %c0_i32_0 = arith.constant 0 : i32
    %c0_i32_1 = arith.constant 0 : i32
    return %c0_i32, %c0_i32_0 : i32, i32
  }
  func.func @transform_7(%arg0: i32) -> (i32, i32) {
    %c0_i32 = arith.constant 0 : i32
    %c0_i32_0 = arith.constant 0 : i32
    %c0_i32_1 = arith.constant 0 : i32
    return %c0_i32, %c0_i32_0 : i32, i32
  }
  func.func @transform_8(%arg0: i32) -> (i32, i32) {
    %c0_i32 = arith.constant 0 : i32
    %c0_i32_0 = arith.constant 0 : i32
    %c0_i32_1 = arith.constant 0 : i32
    return %c0_i32, %c0_i32_0 : i32, i32
  }
  func.func @transform_9(%arg0: i32) -> (i32, i32) {
    %c0_i32 = arith.constant 0 : i32
    %c0_i32_0 = arith.constant 0 : i32
    return %arg0, %c0_i32 : i32, i32
  }
  func.func @transform_10(%arg0: i32) -> (i32, i32, i32) {
    %c0_i32 = arith.constant 0 : i32
    %c0_i32_0 = arith.constant 0 : i32
    %c0_i32_1 = arith.constant 0 : i32
    return %arg0, %c0_i32, %c0_i32_0 : i32, i32, i32
  }
  func.func @transform_11(%arg0: i32) -> (i32, i32, i32) {
    %c0_i32 = arith.constant 0 : i32
    %c0_i32_0 = arith.constant 0 : i32
    %c0_i32_1 = arith.constant 0 : i32
    return %arg0, %c0_i32, %c0_i32_0 : i32, i32, i32
  }
  func.func @transform_12(%arg0: i32) -> (i32, i32) {
    %c0_i32 = arith.constant 0 : i32
    %c0_i32_0 = arith.constant 0 : i32
    return %arg0, %c0_i32 : i32, i32
  }
  func.func @transform_13(%arg0: i32) -> (i32, i32) {
    %c0_i32 = arith.constant 0 : i32
    %c0_i32_0 = arith.constant 0 : i32
    %c0_i32_1 = arith.constant 0 : i32
    return %c0_i32, %c0_i32_0 : i32, i32
  }
}

module attributes {stable_mosaic.version = 14 : i64} {
  func.func @_final_body(%arg0: i32, %arg1: memref<1000x128xf32, #tpu.memory_space<vmem>>, %arg2: memref<1000x64xf32, #tpu.memory_space<vmem>>, %arg3: memref<1000x64xf32, #tpu.memory_space<vmem>>, %arg4: memref<1x8xf32, #tpu.memory_space<vmem>>, %arg5: memref<64x64xf32, #tpu.memory_space<vmem>>, %arg6: memref<1x64xf32, #tpu.memory_space<vmem>>, %arg7: memref<64x128xf32, #tpu.memory_space<vmem>>, %arg8: memref<1x128xf32, #tpu.memory_space<vmem>>, %arg9: memref<1000x128xf32, #tpu.memory_space<vmem>>) attributes {dimension_semantics = [#tpu.dimension_semantics<arbitrary>], iteration_bounds = array<i64: 10>, scalar_prefetch = 0 : i64, scratch_operands = 0 : i64, tpu.core_type = #tpu.core_type<tc>, window_params = [{transform_indices = @transform_0, window_bounds = array<i64: 1000, 128>}, {transform_indices = @transform_1, window_bounds = array<i64: 1000, 64>}, {transform_indices = @transform_2, window_bounds = array<i64: 1000, 64>}, {pipeline_mode = #tpu.pipeline_mode<synchronous>, transform_indices = @transform_3, window_bounds = array<i64: 1, 8>}, {pipeline_mode = #tpu.pipeline_mode<synchronous>, transform_indices = @transform_4, window_bounds = array<i64: 64, 64>}, {pipeline_mode = #tpu.pipeline_mode<synchronous>, transform_indices = @transform_5, window_bounds = array<i64: 1, 64>}, {pipeline_mode = #tpu.pipeline_mode<synchronous>, transform_indices = @transform_6, window_bounds = array<i64: 64, 128>}, {pipeline_mode = #tpu.pipeline_mode<synchronous>, transform_indices = @transform_7, window_bounds = array<i64: 1, 128>}, {transform_indices = @transform_8, window_bounds = array<i64: 1000, 128>}]} {
    %get3A = arith.constant 0 : index
    %get3A_0 = arith.constant 0 : index
    %get3A_1 = vector.load %arg4[%get3A, %get3A_0] : memref<1x8xf32, #tpu.memory_space<vmem>>, vector<1x8xf32>
    %gt3A = arith.constant 0.000000e+00 : f32
    %gt3A_2 = vector.broadcast %gt3A : f32 to vector<1x8xf32>
    %gt3A_3 = arith.cmpf ogt, %get3A_1, %gt3A_2 : vector<1x8xf32>
    %convert_element_type3A = arith.extui %gt3A_3 : vector<1x8xi1> to vector<1x8xi32>
    %convert_element_type3A_4 = arith.sitofp %convert_element_type3A : vector<1x8xi32> to vector<1x8xf32>
    %reduce_sum3A = vector.shape_cast %convert_element_type3A_4 : vector<1x8xf32> to vector<1x1x8xf32>
    %reduce_sum3A_5 = arith.constant dense<0.000000e+00> : vector<1xf32>
    %reduce_sum3A_6 = vector.multi_reduction <add>, %reduce_sum3A, %reduce_sum3A_5 [1, 2] : vector<1x1x8xf32> to vector<1xf32>
    %reduce_sum3A_7 = vector.shape_cast %reduce_sum3A_6 : vector<1xf32> to vector<1x1x1xf32>
    %reduce_sum3A_8 = vector.extract %reduce_sum3A_7[0, 0, 0] : f32 from vector<1x1x1xf32>
    %get3A_9 = arith.constant 0 : index
    %get3A_10 = arith.constant 0 : index
    %get3A_11 = vector.load %arg2[%get3A_9, %get3A_10] : memref<1000x64xf32, #tpu.memory_space<vmem>>, vector<1000x64xf32>
    %get3A_12 = arith.constant 0 : index
    %get3A_13 = arith.constant 0 : index
    %get3A_14 = vector.load %arg3[%get3A_12, %get3A_13] : memref<1000x64xf32, #tpu.memory_space<vmem>>, vector<1000x64xf32>
    %add3A = arith.addf %get3A_11, %get3A_14 : vector<1000x64xf32>
    %max3A = arith.constant 1.000000e+00 : f32
    %max3A_15 = arith.maximumf %reduce_sum3A_8, %max3A : f32
    %div3A = vector.broadcast %max3A_15 : f32 to vector<1000x64xf32>
    %div3A_16 = arith.divf %add3A, %div3A : vector<1000x64xf32>
    %get3A_17 = arith.constant 0 : index
    %get3A_18 = arith.constant 0 : index
    %get3A_19 = vector.load %arg5[%get3A_17, %get3A_18] : memref<64x64xf32, #tpu.memory_space<vmem>>, vector<64x64xf32>
    %dot_general3A = arith.constant dense<0.000000e+00> : vector<1000x64xf32>
    %dot_general3A_20 = tpu.matmul %div3A_16, %get3A_19, %dot_general3A {dimension_numbers = #tpu.dot_dimension_numbers<[1], [0], [0], [1], [0, 0, 1, 1], [], []>, transpose_lhs_hint = false} : vector<1000x64xf32>, vector<64x64xf32>, vector<1000x64xf32> -> vector<1000x64xf32>
    %get3A_21 = arith.constant 0 : index
    %get3A_22 = arith.constant 0 : index
    %get3A_23 = vector.load %arg6[%get3A_21, %get3A_22] : memref<1x64xf32, #tpu.memory_space<vmem>>, vector<1x64xf32>
    %add3A_24 = vector.broadcast %get3A_23 : vector<1x64xf32> to vector<1000x64xf32>
    %add3A_25 = arith.addf %dot_general3A_20, %add3A_24 : vector<1000x64xf32>
    %max3A_26 = arith.constant 0.000000e+00 : f32
    %max3A_27 = vector.broadcast %max3A_26 : f32 to vector<1000x64xf32>
    %max3A_28 = arith.maximumf %add3A_25, %max3A_27 : vector<1000x64xf32>
    %get3A_29 = arith.constant 0 : index
    %get3A_30 = arith.constant 0 : index
    %get3A_31 = vector.load %arg7[%get3A_29, %get3A_30] : memref<64x128xf32, #tpu.memory_space<vmem>>, vector<64x128xf32>
    %dot_general3A_32 = arith.constant dense<0.000000e+00> : vector<1000x128xf32>
    %dot_general3A_33 = tpu.matmul %max3A_28, %get3A_31, %dot_general3A_32 {dimension_numbers = #tpu.dot_dimension_numbers<[1], [0], [0], [1], [0, 0, 1, 1], [], []>, transpose_lhs_hint = false} : vector<1000x64xf32>, vector<64x128xf32>, vector<1000x128xf32> -> vector<1000x128xf32>
    %get3A_34 = arith.constant 0 : index
    %get3A_35 = arith.constant 0 : index
    %get3A_36 = vector.load %arg1[%get3A_34, %get3A_35] : memref<1000x128xf32, #tpu.memory_space<vmem>>, vector<1000x128xf32>
    %add3A_37 = arith.addf %get3A_36, %dot_general3A_33 : vector<1000x128xf32>
    %get3A_38 = arith.constant 0 : index
    %get3A_39 = arith.constant 0 : index
    %get3A_40 = vector.load %arg8[%get3A_38, %get3A_39] : memref<1x128xf32, #tpu.memory_space<vmem>>, vector<1x128xf32>
    %add3A_41 = vector.broadcast %get3A_40 : vector<1x128xf32> to vector<1000x128xf32>
    %add3A_42 = arith.addf %add3A_37, %add3A_41 : vector<1000x128xf32>
    %swap3A = arith.constant 0 : index
    %swap3A_43 = arith.constant 0 : index
    %swap3A_44 = vector.load %arg9[%swap3A, %swap3A_43] : memref<1000x128xf32, #tpu.memory_space<vmem>>, vector<1000x128xf32>
    tpu.vector_store %arg9[%swap3A, %swap3A_43], %add3A_42 {strides = array<i32>} : memref<1000x128xf32, #tpu.memory_space<vmem>>, vector<1000x128xf32>,
    return
  }
  func.func @transform_0(%arg0: i32) -> (i32, i32) {
    %c0_i32 = arith.constant 0 : i32
    %c0_i32_0 = arith.constant 0 : i32
    return %arg0, %c0_i32 : i32, i32
  }
  func.func @transform_1(%arg0: i32) -> (i32, i32) {
    %c0_i32 = arith.constant 0 : i32
    %c0_i32_0 = arith.constant 0 : i32
    return %arg0, %c0_i32 : i32, i32
  }
  func.func @transform_2(%arg0: i32) -> (i32, i32) {
    %c0_i32 = arith.constant 0 : i32
    %c0_i32_0 = arith.constant 0 : i32
    return %arg0, %c0_i32 : i32, i32
  }
  func.func @transform_3(%arg0: i32) -> (i32, i32) {
    %c0_i32 = arith.constant 0 : i32
    %c0_i32_0 = arith.constant 0 : i32
    %c0_i32_1 = arith.constant 0 : i32
    return %c0_i32, %c0_i32_0 : i32, i32
  }
  func.func @transform_4(%arg0: i32) -> (i32, i32) {
    %c0_i32 = arith.constant 0 : i32
    %c0_i32_0 = arith.constant 0 : i32
    %c0_i32_1 = arith.constant 0 : i32
    return %c0_i32, %c0_i32_0 : i32, i32
  }
  func.func @transform_5(%arg0: i32) -> (i32, i32) {
    %c0_i32 = arith.constant 0 : i32
    %c0_i32_0 = arith.constant 0 : i32
    %c0_i32_1 = arith.constant 0 : i32
    return %c0_i32, %c0_i32_0 : i32, i32
  }
  func.func @transform_6(%arg0: i32) -> (i32, i32) {
    %c0_i32 = arith.constant 0 : i32
    %c0_i32_0 = arith.constant 0 : i32
    %c0_i32_1 = arith.constant 0 : i32
    return %c0_i32, %c0_i32_0 : i32, i32
  }
  func.func @transform_7(%arg0: i32) -> (i32, i32) {
    %c0_i32 = arith.constant 0 : i32
    %c0_i32_0 = arith.constant 0 : i32
    %c0_i32_1 = arith.constant 0 : i32
    return %c0_i32, %c0_i32_0 : i32, i32
  }
  func.func @transform_8(%arg0: i32) -> (i32, i32) {
    %c0_i32 = arith.constant 0 : i32
    %c0_i32_0 = arith.constant 0 : i32
    return %arg0, %c0_i32 : i32, i32
  }
}

</mosaic_0001>

<sc_bundles>
// kernel: kernel.11.cloned.1.call-start
scs
__scs_entry_jumppad:
0x0: {  	(pc) =	sbr.rel $0x88, $3  }
0x1: {  	(tag) =	ssettag $0x0;
	lr =	simm.s32 $0x1  }
0x2: {  	[smem:$0x3F8F] =	sst lr;
	_ =	strace $0xD0000000  }
0x3: {  	_ = 	snop  }
0x4: {  	_ = 	snop  }
0x5: {  	_ = 	snop  }
0x6: {  	_ = 	snop  }
0x7: {  	_ = 	snop  }
__scs_overlays_trampoline_lowered:
0x8: {  	[smem:$0x3F9E] =	sst s0  }
0x9: {  	[smem:$0x3F9F] =	sst s1  }
0xa: {  	[smem:$0x3FA0] =	sst s2  }
0xb: {  	[smem:$0x3FA1] =	sst s3  }
0xc: {  	[smem:$0x3FA2] =	sst s4  }
0xd: {  	[smem:$0x3FA3] =	sst s5  }
0xe: {  	[smem:$0x3FA4] =	sst s6  }
0xf: {  	[smem:$0x3FA5] =	sst s7  }
0x10: {  	[smem:$0x3FA6] =	sst s8  }
0x11: {  	[smem:$0x3FA7] =	sst s9;
	s0 =	simm.s32 @!p0 $0x0  }
0x12: {  	s1 =	sld [smem:$0x3F8D];
	s0 =	simm.s32 @p0 $0x1  }
0x13: {  	[smem:$0x3FA8] =	sst s0;
	s0 =	simm.s32 @!p1 $0x0  }
0x14: {  	s2 =	sld [smem:$0x3F8C];
	s0 =	simm.s32 @p1 $0x1  }
0x15: {  	[smem:$0x3FA9] =	sst s0;
	s0 =	simm.s32 @!p2 $0x0  }
0x16: {  	s3 =	sld [smem:$0x3FDB];
	s0 =	simm.s32 @p2 $0x1  }
0x17: {  	s4 =	simm.s32 $0x1BF5;
	[smem:$0x3FAB] =	sst s0  }
0x18: {  	s0 =	sld [smem:$0x3F8E];
	_ =	swait.ge [sflag:s4], $0x0  }
0x19: {  	s7 =	sld [smem:$0x3F8F]  }
0x1a: {  	s8 =	sadd.s32 $0xFFFFE003, lr  }
0x1b: {  	s9 =	sadd.s32 $0xFFFFFEF7, lr;
	s5 =	simm.s32 $0xFFFFFFFF;
	p2 =	slt.u32 s8, $0xFFFFF086  }
0x1c: {  	p1 =	slt.u32 s9, $0xF7A;
	s5 =	simm.s32 @!p2 $0x0  }
0x1d: {  	s5 =	simm.s32 @p1 $0x1;
	p0 =	seq.s32 s7, s2  }
0x1e: {  	s7 =	smul.u32 @!p0 $0xF7A, s2;
	p2 =	seq.s32 @!p0 s5, $0x0  }
0x1f: {  	s9 =	smul.u32 $0xF7A, s1;
	s8 =	simm.s32 @!p0 $0x1BF5;
	p2 =	por !p2, p0  }
0x20: {  	[sflag:s8] =	ssyncset.s32 @!p0 $0xFFFFF086;
	s6 =	sadd.s32 @!p0 s3, s7;
	s7 =	simm.s32 @!p0 $0x108  }
0x21: {  	s3 =	sadd.s32 s3, s9;
	s6 =	sadd.s32 @!p0 $0x88, s6;
	s7 =	simm.s32 @p2 $0x1082  }
0x22: {  	[simem:s7], [sflag:s8] =	dma.local @!p0 [hbm:s6], $0xF7A  }
0x23: {  	s9 =	sor.u32 $0xD0000000, s2;
	s6 =	simm.s32 $0x108;
	_ =	swait.ge @!p0 [sflag:s8], $0x0  }
0x24: {  	s3 =	sadd.s32 $0x88, s3;
	s6 =	simm.s32 @!p1 $0x1082;
	[sflag:s4] =	ssyncset.s32 $0xFFFFF086  }
0x25: {  	[simem:s6], [sflag:s4] =	dma.local [hbm:s3], $0xF7A  }
0x26: {  	[smem:$0x3F8F] =	sst s1;
	(tag) =	ssettag s2;
	_ =	strace s9  }
0x27: {  	s1 =	sld [smem:$0x3F9F]  }
0x28: {  	s2 =	sld [smem:$0x3FA0]  }
0x29: {  	s4 =	sld [smem:$0x3FA2]  }
0x2a: {  	p0 =	seq.s32 s5, $0x0;
	s5 =	sld [smem:$0x3FA3]  }
0x2b: {  	s6 =	sld [smem:$0x3FA4]  }
0x2c: {  	s7 =	sld [smem:$0x3FA5]  }
0x2d: {  	s3 =	simm.s32 $0x108;
	s8 =	sld [smem:$0x3FA6]  }
0x2e: {  	s3 =	simm.s32 @!p0 $0x1082;
	s9 =	sld [smem:$0x3FA7]  }
0x2f: {  	lr =	sadd.s32 s0, s3;
	s0 =	sld [smem:$0x3F9E]  }
0x30: {  	s3 =	sld [smem:$0x3FA1]  }
0x31: {  	[smem:$0x3FAA] =	sst s10  }
0x32: {  	s10 =	sld [smem:$0x3FA8];
	_ =	sdelay $0x3  }
0x33: {  	p0 =	seq.s32 s10, $0x1;
	s10 =	sld [smem:$0x3FAA];
	_ =	sdelay $0x3  }
0x34: {  	[smem:$0x3FAA] =	sst s10  }
0x35: {  	s10 =	sld [smem:$0x3FA9];
	_ =	sdelay $0x3  }
0x36: {  	p1 =	seq.s32 s10, $0x1;
	s10 =	sld [smem:$0x3FAA];
	_ =	sdelay $0x3  }
0x37: {  	[smem:$0x3FAA] =	sst s10  }
0x38: {  	s10 =	sld [smem:$0x3FAB]  }
0x39: {  	_ = 	snop;
	(pc) =	sbr.ind lr, $3  }
0x3a: {  	_ = 	snop  }
0x3b: {  	_ = 	snop  }
0x3c: {  	p2 =	seq.s32 s10, $0x1;
	s10 =	sld [smem:$0x3FAA]  }
0x3d: {  	_ =	shalt  }
0x3e: {  	_ =	shalt  }
0x3f: {  	_ =	shalt  }
0x40: {  	_ =	shalt  }
0x41: {  	_ =	shalt  }
0x42: {  	_ =	shalt  }
0x43: {  	_ =	shalt  }
0x44: {  	_ =	shalt  }
0x45: {  	_ =	shalt  }
0x46: {  	_ =	shalt  }
0x47: {  	_ =	shalt  }
0x48: {  	_ =	shalt  }
0x49: {  	_ =	shalt  }
0x4a: {  	_ =	shalt  }
0x4b: {  	_ =	shalt  }
0x4c: {  	_ =	shalt  }
0x4d: {  	_ =	shalt  }
0x4e: {  	_ =	shalt  }
0x4f: {  	_ =	shalt  }
0x50: {  	_ =	shalt  }
0x51: {  	_ =	shalt  }
0x52: {  	_ =	shalt  }
0x53: {  	_ =	shalt  }
0x54: {  	_ =	shalt  }
0x55: {  	_ =	shalt  }
0x56: {  	_ =	shalt  }
0x57: {  	_ =	shalt  }
0x58: {  	_ =	shalt  }
0x59: {  	_ =	shalt  }
0x5a: {  	_ =	shalt  }
0x5b: {  	_ =	shalt  }
0x5c: {  	_ =	shalt  }
0x5d: {  	_ =	shalt  }
0x5e: {  	_ =	shalt  }
0x5f: {  	_ =	shalt  }
0x60: {  	_ =	shalt  }
0x61: {  	_ =	shalt  }
0x62: {  	_ =	shalt  }
0x63: {  	_ =	shalt  }
0x64: {  	_ =	shalt  }
0x65: {  	_ =	shalt  }
0x66: {  	_ =	shalt  }
0x67: {  	_ =	shalt  }
0x68: {  	_ =	shalt  }
0x69: {  	_ =	shalt  }
0x6a: {  	_ =	shalt  }
0x6b: {  	_ =	shalt  }
0x6c: {  	_ =	shalt  }
0x6d: {  	_ =	shalt  }
0x6e: {  	_ =	shalt  }
0x6f: {  	_ =	shalt  }
0x70: {  	_ =	shalt  }
0x71: {  	_ =	shalt  }
0x72: {  	_ =	shalt  }
0x73: {  	_ =	shalt  }
0x74: {  	_ =	shalt  }
0x75: {  	_ =	shalt  }
0x76: {  	_ =	shalt  }
0x77: {  	_ =	shalt  }
0x78: {  	_ =	shalt  }
0x79: {  	_ =	shalt  }
0x7a: {  	_ =	shalt  }
0x7b: {  	_ =	shalt  }
0x7c: {  	_ =	shalt  }
0x7d: {  	_ =	shalt  }
0x7e: {  	_ =	shalt  }
0x7f: {  	_ =	shalt  }
0x80: {  	_ =	shalt  }
0x81: {  	_ =	shalt  }
0x82: {  	_ =	shalt  }
0x83: {  	_ =	shalt  }
0x84: {  	_ =	shalt  }
0x85: {  	_ =	shalt  }
0x86: {  	_ =	shalt  }
0x87: {  	_ =	shalt  }
.Lfunc_end0:
.L_simem_size_0:
called_computation.1_lowered:
.L_overlay_start_0:
0x88: {  	s2 =	sld [smem:$0x3FD9]  }
0x89: {  	s3 =	sld [smem:$0x3FFE];
	_ =	sdelay $0x1  }
0x8a: {  	s1 =	srdreg.scid  }
0x8b: {  	s0 =	sand.u32 $0x1, s1  }
0x8c: {  	s17 =	sshll.u32 s0, $0xA;
	s2 =	sadd.s32 s3, s2  }
0x8d: {  	s2 =	sadd.s32 s2, s17  }
0x8e: {  	[smem:$0x3FB6] =	sst s2  }
0x8f: {  	_ = 	snop  }
0x90: {  	s2 =	sld [smem:$0x3FD0];
	(tm) =	ssettm $0x1  }
0x91: {  	s18 =	sld [smem:$0x3FFB];
	_ =	sdelay $0x3  }
0x92: {  	_ =	strace s18  }
0x93: {  	s3 =	sld [smem:$0x3FFC];
	_ =	sdelay $0x3  }
0x94: {  	_ =	strace s3  }
0x95: {  	s3 =	sld [smem:$0x3FFD];
	_ =	sdelay $0x3  }
0x96: {  	_ =	strace s3  }
0x97: {  	_ =	strace $0x8FFFFFFF  }
0x98: {  	s19 =	sld [smem:$0x3FDB];
	_ =	sdelay $0x1  }
0x99: {  	s4 =	simm.s32 $_scs_section_size  }
0x9a: {  	s5 =	simm.s32 $_size__tile_overlayer_lowered;
	s6 =	simm.s32 $_tile_overlayer_lowered  }
0x9b: {  	s22 =	simm.s32 $0x1BFF;
	s21 =	sshll.u32 s6, $0x1;
	s3 =	sadd.s32 s4, s19  }
0x9c: {  	s7 =	simm.s32 $0x0;
	s20 =	sshll.u32 s5, $0x1;
	s5 =	sadd.s32 s21, s3  }
0x9d: {  	[timem:s7], [sflag:s22] =	dma.local [hbm:s5], s20  }
0x9e: {  	_ =	swait.ge [sflag:s22], s20  }
0x9f: {  	s4 =	ssub.s32 $0x0, s20;
	[sflag:s22] =	ssyncset.done $0x0  }
0xa0: {  	[sflag:s22] =	ssyncadd.s32 s4;
	_ =	sdelay $0x1  }
0xa1: {  	s23 =	simm.s32 $0x1B8B  }
0xa2: {  	_ =	swait.ge [sflag:s23], $0x1  }
0xa3: {  	[sflag:s23] =	ssyncset.done $0x0  }
0xa4: {  	s25 =	simm.s32 $0x1B8E;
	s24 =	sld [smem:$0x3FFE];
	[sflag:s23] =	ssyncadd.s32 $0xFFFFFFFF  }
0xa5: {  	s26 =	simm.s32 $execute0_lowered;
	[smem:$0x3FD2] =	sst s25  }
0xa6: {  	s5 =	sshll.u32 s26, $0x1;
	_ =	strace $0x80000049;
	[dreg:$0x1] =	wrdreg $0xFFFFFFFF  }
0xa7: {  	s28 =	simm.s32 $_size_execute0_lowered;
	s3 =	sadd.s32 s3, s5;
	[dreg:$0x0] =	wrdreg $0x0  }
0xa8: {  	s5 =	sshll.u32 s28, $0x1;
	[dreg:$0x2] =	wrdreg s3  }
0xa9: {  	[dreg:$0x3] =	wrdreg s5  }
0xaa: {  	[dreg:$0x4] =	wrdreg $0xC0  }
0xab: {  	_ =	task [dreg:s7], $0x5FFFF  }
0xac: {  	[dreg:$0x1] =	wrdreg $0xFFFFFFFF  }
0xad: {  	[dreg:$0x0] =	wrdreg $0x60  }
0xae: {  	[dreg:$0x2] =	wrdreg s24  }
0xaf: {  	[dreg:$0x3] =	wrdreg s2  }
0xb0: {  	[dreg:$0x4] =	wrdreg $0x84D00  }
0xb1: {  	[dreg:$0x5] =	wrdreg $0x9  }
0xb2: {  	_ =	task.clear_ibuf [dreg:s7], $0x6FFFF;
	_ =	strace $0x90000049  }
0xb3: {  	s29 =	simm.s32 $0x9;
	_ =	strace $0x8000004B  }
0xb4: {  	_ =	swait.ge [sflag:s29], $0x1  }
0xb5: {  	[sflag:s29] =	ssyncadd.s32 $0xFFFFFFFF  }
0xb6: {  	_ =	strace $0x9000004B  }
0xb7: {  	_ =	sfence  }
0xb8: {  	s30 =	sld [smem:$0x0];
	_ =	sdelay $0x2  }
0xb9: {  	s31 =	sshll.u32 s1, $0xD;
	s1 =	sshrl.u32 s1, $0x2  }
0xba: {  	s3 =	sand.u32 $0x4000, s31;
	s1 =	sadd.s32 s1, s30  }
0xbb: {  	s0 =	sor.u32 s3, s0;
	s1 =	sshll.u32 s1, $0x11  }
0xbc: {  	s0 =	sor.u32 s1, s0  }
0xbd: {  	s0 =	sadd.s32 $0x8F2B, s0  }
0xbe: {  	[sflag:s0] =	ssyncadd.remote.s32 $0x1  }
0xbf: {  	_ =	sfence.sel $0xFFFF  }
0xc0: {  	[dreg:$0x0] =	wrdreg $0xFFFFFFFF;
	(pc) =	sbr.abs _section_cstart, $3  }
0xc1: {  	[dreg:$0x1] =	wrdreg $0xFFFFFFFF  }
0xc2: {  	_ =	task.clear_ibuf [dreg:s7], $0x2FFFF;
	_ =	strace $0x9FFFFFFF  }
0xc3: {  	(tm) =	ssettm $0x7FFFFFFF  }
tec
execute0_lowered:
.L_overlay_start_1:
0x0: {  	(tag) =	ssettag $0x1  }
0x1: {  	s4 =	rddreg [dreg:$0x0]  }
0x2: {  	s5 =	rddreg [dreg:$0x1]  }
0x3: {  	s1 =	rddreg [dreg:$0x2]  }
0x4: {  	s0 =	rddreg [dreg:$0x3]  }
0x5: {  	s3 =	simm.s32 $0x0;
	s6 =	srdreg.scid;
	s2 =	stileid.u32  }
0x6: {  	p1 =	por $0x0, $0x0;
	[smem:$0x7FF] =	sst s3;
	s6 =	sand.u32 $0x1, s6  }
0x7: {  	s7 =	sshll.u32 s2, $0x1;
	s8 =	sadd.s32 $0xE000, s4;
	s11 =	sadd.s32 $0x4000, s4  }
0x8: {  	s18 =	sadd.s32 $0xAA400, s4;
	s15 =	smul.u32 $0x2710, s2;
	p0 =	sne.s32 s2, $0x0  }
0x9: {  	s7 =	sor.u32 s6, s7;
	s9 =	ssub.s32 $0x2, s6;
	s6 =	smul.u32 $0x4E20, s6  }
0xa: {  	_ =	strace $0x8000004A;
	s10 =	smul.u32 $0x2710, s7;
	s12 =	sshrl.u32 s9, $0x1  }
0xb: {  	s7 =	smul.u32 $0x4E20, s7;
	s22 =	sshrl.u32 s15, $0x3;
	s23 =	sadd.s32 s15, s1  }
0xc: {  	s14 =	ssub.s32 s9, s12;
	s5 =	sadd.s32 s5, s6;
	s9 =	simm.s32 $0x7D0  }
0xd: {  	s16 =	sshrl.u32 s10, $0x3;
	s4 =	smax.u32 s14, $0x1;
	s20 =	sadd.s32 s8, s7  }
0xe: {  	s17 =	sadd.s32 $0x7D0, s10;
	s24 =	sadd.s32 $0xFA0, s10;
	s28 =	sadd.s32 $0x1770, s10  }
0xf: {  	s30 =	sadd.s32 $0x1F40, s10;
	s5 =	sadd.s32 s22, s5;
	s19 =	sadd.s32 s11, s16  }
0x10: {  	s21 =	sshrl.u32 s17, $0x3;
	s6 =	sshll.u32 s17, $0x1;
	s25 =	sshrl.u32 s24, $0x3  }
0x11: {  	s26 =	sshll.u32 s24, $0x1;
	s29 =	sshrl.u32 s28, $0x3;
	s24 =	sadd.s32 $0xFFFFFFFF, s4  }
0x12: {  	s7 =	sshll.u32 s28, $0x1;
	s31 =	sshrl.u32 s30, $0x3;
	p2 =	sne.s32 s24, $0x0  }
.Ltmp0:
0x13: {  	s4 =	simm.s32 $0x2;
	s16 =	sadd.s32 s11, s21;
	(pc) =	sbr.rel @!p2 .LBB2_3-.Ltmp0, $4  }
0x14: {  	s17 =	sadd.s32 s8, s6;
	s14 =	sadd.s32 s11, s25;
	s15 =	sadd.s32 s8, s26  }
0x15: {  	s12 =	sadd.s32 s11, s29;
	s13 =	sadd.s32 s8, s7;
	s6 =	sshll.u32 s30, $0x1  }
0x16: {  	s10 =	sadd.s32 s11, s31;
	s21 =	sshrl.u32 @!p0 s1, $0x3;
	s7 =	sshrl.u32 s23, $0x3  }
0x17: {  	s11 =	sadd.s32 s8, s6;
	s6 =	simm.s32 $0x7D00;
	s8 =	simm.s32 $0x1  }
0x18: {  	s22 =	simm.s32 @!p0 $0x1C02;
	s23 =	simm.s32 @!p0 $0x2  }
0x19: {  	[spmem:s21], [sflag:s22] =	dma.local @!p0 [hbm:s18], $0x4E20  }
0x1a: {  	_ =	swait.ge @!p0 [sflag:s23], $0x4E20  }
0x1b: {  	[sflag:s23] =	ssyncset.done @!p0 $0x0  }
0x1c: {  	[sflag:s23] =	ssyncadd.s32 @!p0 $0xFFFFB1E0  }
0x1d: {  	[bflag:$0x0] =	sbarrier.arrive $0xFFFF  }
0x1e: {  	[tilespmem:s6], [sflag:$0x1] =	stream.linear.gather [hbm4b:s19+s3], $0x7D0, $0x38;
	[tilespmem:$0xABE0] =	vst v63  }
0x1f: {  	_ = 	snop  }
0x20: {  	[tilespmem:s3], [sflag:$0x1] =	stream.linear.gather [hbm4b:s20+s3], $0x7D00, $0x38;
	[tilespmem:$0xABE0] =	vst v63  }
0x21: {  	_ =	swait.ge [sflag:s8], $0x7D0  }
0x22: {  	[sflag:s8] =	ssyncset.done $0x0  }
0x23: {  	[sflag:s8] =	ssyncadd.s32 $0xFFFFF830  }
0x24: {  	_ =	swait.ge [sflag:s8], $0x7D00  }
0x25: {  	[sflag:s8] =	ssyncset.done $0x0  }
0x26: {  	[sflag:s8] =	ssyncadd.s32 $0xFFFF8300  }
0x27: {  	[spmem:s1] =	stream.indirect.scatter.add.f32 [tilespmem:s3], [sflag:$0x2], $0x10, s6, s9, $0xb8;
	[tilespmem:$0xABE0] =	vst v63  }
0x28: {  	_ =	swait.ge [sflag:s4], $0x7D00  }
0x29: {  	[sflag:s4] =	ssyncset.done $0x0  }
0x2a: {  	[sflag:s4] =	ssyncadd.s32 $0xFFFF8300  }
0x2b: {  	[tilespmem:s6], [sflag:$0x1] =	stream.linear.gather [hbm4b:s16+s3], $0x7D0, $0x38;
	[tilespmem:$0xABE0] =	vst v63  }
0x2c: {  	_ = 	snop  }
0x2d: {  	[tilespmem:s3], [sflag:$0x1] =	stream.linear.gather [hbm4b:s17+s3], $0x7D00, $0x38;
	[tilespmem:$0xABE0] =	vst v63  }
0x2e: {  	_ =	swait.ge [sflag:s8], $0x7D0  }
0x2f: {  	[sflag:s8] =	ssyncset.done $0x0  }
0x30: {  	[sflag:s8] =	ssyncadd.s32 $0xFFFFF830  }
0x31: {  	_ =	swait.ge [sflag:s8], $0x7D00  }
0x32: {  	[sflag:s8] =	ssyncset.done $0x0  }
0x33: {  	[sflag:s8] =	ssyncadd.s32 $0xFFFF8300  }
0x34: {  	[spmem:s1] =	stream.indirect.scatter.add.f32 [tilespmem:s3], [sflag:$0x2], $0x10, s6, s9, $0xb8;
	[tilespmem:$0xABE0] =	vst v63  }
0x35: {  	_ =	swait.ge [sflag:s4], $0x7D00  }
0x36: {  	[sflag:s4] =	ssyncset.done $0x0  }
0x37: {  	[sflag:s4] =	ssyncadd.s32 $0xFFFF8300  }
0x38: {  	[tilespmem:s6], [sflag:$0x1] =	stream.linear.gather [hbm4b:s14+s3], $0x7D0, $0x38;
	[tilespmem:$0xABE0] =	vst v63  }
0x39: {  	_ = 	snop  }
0x3a: {  	[tilespmem:s3], [sflag:$0x1] =	stream.linear.gather [hbm4b:s15+s3], $0x7D00, $0x38;
	[tilespmem:$0xABE0] =	vst v63  }
0x3b: {  	_ =	swait.ge [sflag:s8], $0x7D0  }
0x3c: {  	[sflag:s8] =	ssyncset.done $0x0  }
0x3d: {  	[sflag:s8] =	ssyncadd.s32 $0xFFFFF830  }
0x3e: {  	_ =	swait.ge [sflag:s8], $0x7D00  }
0x3f: {  	[sflag:s8] =	ssyncset.done $0x0  }
0x40: {  	[sflag:s8] =	ssyncadd.s32 $0xFFFF8300  }
0x41: {  	[spmem:s1] =	stream.indirect.scatter.add.f32 [tilespmem:s3], [sflag:$0x2], $0x10, s6, s9, $0xb8;
	[tilespmem:$0xABE0] =	vst v63  }
0x42: {  	_ =	swait.ge [sflag:s4], $0x7D00  }
0x43: {  	[sflag:s4] =	ssyncset.done $0x0  }
0x44: {  	[sflag:s4] =	ssyncadd.s32 $0xFFFF8300  }
0x45: {  	[tilespmem:s6], [sflag:$0x1] =	stream.linear.gather [hbm4b:s12+s3], $0x7D0, $0x38;
	[tilespmem:$0xABE0] =	vst v63  }
0x46: {  	_ = 	snop  }
0x47: {  	[tilespmem:s3], [sflag:$0x1] =	stream.linear.gather [hbm4b:s13+s3], $0x7D00, $0x38;
	[tilespmem:$0xABE0] =	vst v63  }
0x48: {  	_ =	swait.ge [sflag:s8], $0x7D0  }
0x49: {  	[sflag:s8] =	ssyncset.done $0x0  }
0x4a: {  	[sflag:s8] =	ssyncadd.s32 $0xFFFFF830  }
0x4b: {  	_ =	swait.ge [sflag:s8], $0x7D00  }
0x4c: {  	[sflag:s8] =	ssyncset.done $0x0  }
0x4d: {  	[sflag:s8] =	ssyncadd.s32 $0xFFFF8300  }
0x4e: {  	[spmem:s1] =	stream.indirect.scatter.add.f32 [tilespmem:s3], [sflag:$0x2], $0x10, s6, s9, $0xb8;
	[tilespmem:$0xABE0] =	vst v63  }
0x4f: {  	_ =	swait.ge [sflag:s4], $0x7D00  }
0x50: {  	[sflag:s4] =	ssyncset.done $0x0  }
0x51: {  	[sflag:s4] =	ssyncadd.s32 $0xFFFF8300  }
0x52: {  	[tilespmem:s6], [sflag:$0x1] =	stream.linear.gather [hbm4b:s10+s3], $0x7D0, $0x38;
	[tilespmem:$0xABE0] =	vst v63  }
0x53: {  	_ = 	snop  }
0x54: {  	[tilespmem:s3], [sflag:$0x1] =	stream.linear.gather [hbm4b:s11+s3], $0x7D00, $0x38;
	[tilespmem:$0xABE0] =	vst v63  }
0x55: {  	_ =	swait.ge [sflag:s8], $0x7D0  }
0x56: {  	[sflag:s8] =	ssyncset.done $0x0  }
0x57: {  	[sflag:s8] =	ssyncadd.s32 $0xFFFFF830  }
0x58: {  	_ =	swait.ge [sflag:s8], $0x7D00  }
0x59: {  	[sflag:s8] =	ssyncset.done $0x0  }
0x5a: {  	[sflag:s8] =	ssyncadd.s32 $0xFFFF8300  }
0x5b: {  	[spmem:s1] =	stream.indirect.scatter.add.f32 [tilespmem:s3], [sflag:$0x2], $0x10, s6, s9, $0xb8;
	[tilespmem:$0xABE0] =	vst v63  }
0x5c: {  	s24 =	sadd.s32 $0xFFFFFFFF, s24;
	_ =	swait.ge [sflag:s4], $0x7D00  }
0x5d: {  	p2 =	sne.s32 s24, $0x0;
	[sflag:s4] =	ssyncset.done $0x0  }
.Ltmp1:
0x5e: {  	s25 =	sshll.u32 s2, $0x6;
	[sflag:s4] =	ssyncadd.s32 $0xFFFF8300;
	(pc) =	sbr.rel @!p2 .LBB2_3-.Ltmp1, $4  }
0x5f: {  	s25 =	sor.u32 $0x1C02, s25;
	[bflag:$0x0] =	sbarrier.arrive $0xFFFF  }
0x60: {  	[hbm:s5], [sflag:s25] =	dma.local [spmem:s7], $0x4E2  }
0x61: {  	_ =	swait.ge [sflag:s4], $0x4E2  }
0x62: {  	p1 =	por $0x1, $0x1;
	[sflag:s4] =	ssyncset.done $0x0  }
.LBB2_2:
0x63: {  	[sflag:s4] =	ssyncadd.s32 $0xFFFFFB1E  }
0x64: {  	[spmem:s21], [sflag:s22] =	dma.local @!p0 [hbm:s18], $0x4E20  }
0x65: {  	s24 =	sadd.s32 $0xFFFFFFFF, s24;
	_ =	swait.ge @!p0 [sflag:s23], $0x4E20  }
0x66: {  	p2 =	sne.s32 s24, $0x0;
	[sflag:s23] =	ssyncset.done @!p0 $0x0  }
0x67: {  	[sflag:s23] =	ssyncadd.s32 @!p0 $0xFFFFB1E0  }
0x68: {  	[bflag:$0x0] =	sbarrier.arrive $0xFFFF  }
0x69: {  	[tilespmem:s6], [sflag:$0x1] =	stream.linear.gather [hbm4b:s19+s3], $0x7D0, $0x38;
	[tilespmem:$0xABE0] =	vst v63  }
0x6a: {  	_ = 	snop  }
0x6b: {  	[tilespmem:s3], [sflag:$0x1] =	stream.linear.gather [hbm4b:s20+s3], $0x7D00, $0x38;
	[tilespmem:$0xABE0] =	vst v63  }
0x6c: {  	_ =	swait.ge [sflag:s8], $0x7D0  }
0x6d: {  	[sflag:s8] =	ssyncset.done $0x0  }
0x6e: {  	[sflag:s8] =	ssyncadd.s32 $0xFFFFF830  }
0x6f: {  	_ =	swait.ge [sflag:s8], $0x7D00  }
0x70: {  	[sflag:s8] =	ssyncset.done $0x0  }
0x71: {  	[sflag:s8] =	ssyncadd.s32 $0xFFFF8300  }
0x72: {  	[spmem:s1] =	stream.indirect.scatter.add.f32 [tilespmem:s3], [sflag:$0x2], $0x10, s6, s9, $0xb8;
	[tilespmem:$0xABE0] =	vst v63  }
0x73: {  	_ =	swait.ge [sflag:s4], $0x7D00  }
0x74: {  	[sflag:s4] =	ssyncset.done $0x0  }
0x75: {  	[sflag:s4] =	ssyncadd.s32 $0xFFFF8300  }
0x76: {  	[tilespmem:s6], [sflag:$0x1] =	stream.linear.gather [hbm4b:s16+s3], $0x7D0, $0x38;
	[tilespmem:$0xABE0] =	vst v63  }
0x77: {  	_ = 	snop  }
0x78: {  	[tilespmem:s3], [sflag:$0x1] =	stream.linear.gather [hbm4b:s17+s3], $0x7D00, $0x38;
	[tilespmem:$0xABE0] =	vst v63  }
0x79: {  	_ =	swait.ge [sflag:s8], $0x7D0  }
0x7a: {  	[sflag:s8] =	ssyncset.done $0x0  }
0x7b: {  	[sflag:s8] =	ssyncadd.s32 $0xFFFFF830  }
0x7c: {  	_ =	swait.ge [sflag:s8], $0x7D00  }
0x7d: {  	[sflag:s8] =	ssyncset.done $0x0  }
0x7e: {  	[sflag:s8] =	ssyncadd.s32 $0xFFFF8300  }
0x7f: {  	[spmem:s1] =	stream.indirect.scatter.add.f32 [tilespmem:s3], [sflag:$0x2], $0x10, s6, s9, $0xb8;
	[tilespmem:$0xABE0] =	vst v63  }
0x80: {  	_ =	swait.ge [sflag:s4], $0x7D00  }
0x81: {  	[sflag:s4] =	ssyncset.done $0x0  }
0x82: {  	[sflag:s4] =	ssyncadd.s32 $0xFFFF8300  }
0x83: {  	[tilespmem:s6], [sflag:$0x1] =	stream.linear.gather [hbm4b:s14+s3], $0x7D0, $0x38;
	[tilespmem:$0xABE0] =	vst v63  }
0x84: {  	_ = 	snop  }
0x85: {  	[tilespmem:s3], [sflag:$0x1] =	stream.linear.gather [hbm4b:s15+s3], $0x7D00, $0x38;
	[tilespmem:$0xABE0] =	vst v63  }
0x86: {  	_ =	swait.ge [sflag:s8], $0x7D0  }
0x87: {  	[sflag:s8] =	ssyncset.done $0x0  }
0x88: {  	[sflag:s8] =	ssyncadd.s32 $0xFFFFF830  }
0x89: {  	_ =	swait.ge [sflag:s8], $0x7D00  }
0x8a: {  	[sflag:s8] =	ssyncset.done $0x0  }
0x8b: {  	[sflag:s8] =	ssyncadd.s32 $0xFFFF8300  }
0x8c: {  	[spmem:s1] =	stream.indirect.scatter.add.f32 [tilespmem:s3], [sflag:$0x2], $0x10, s6, s9, $0xb8;
	[tilespmem:$0xABE0] =	vst v63  }
0x8d: {  	_ =	swait.ge [sflag:s4], $0x7D00  }
0x8e: {  	[sflag:s4] =	ssyncset.done $0x0  }
0x8f: {  	[sflag:s4] =	ssyncadd.s32 $0xFFFF8300  }
0x90: {  	[tilespmem:s6], [sflag:$0x1] =	stream.linear.gather [hbm4b:s12+s3], $0x7D0, $0x38;
	[tilespmem:$0xABE0] =	vst v63  }
0x91: {  	_ = 	snop  }
0x92: {  	[tilespmem:s3], [sflag:$0x1] =	stream.linear.gather [hbm4b:s13+s3], $0x7D00, $0x38;
	[tilespmem:$0xABE0] =	vst v63  }
0x93: {  	_ =	swait.ge [sflag:s8], $0x7D0  }
0x94: {  	[sflag:s8] =	ssyncset.done $0x0  }
0x95: {  	[sflag:s8] =	ssyncadd.s32 $0xFFFFF830  }
0x96: {  	_ =	swait.ge [sflag:s8], $0x7D00  }
0x97: {  	[sflag:s8] =	ssyncset.done $0x0  }
0x98: {  	[sflag:s8] =	ssyncadd.s32 $0xFFFF8300  }
0x99: {  	[spmem:s1] =	stream.indirect.scatter.add.f32 [tilespmem:s3], [sflag:$0x2], $0x10, s6, s9, $0xb8;
	[tilespmem:$0xABE0] =	vst v63  }
0x9a: {  	_ =	swait.ge [sflag:s4], $0x7D00  }
0x9b: {  	[sflag:s4] =	ssyncset.done $0x0  }
0x9c: {  	[sflag:s4] =	ssyncadd.s32 $0xFFFF8300  }
0x9d: {  	[tilespmem:s6], [sflag:$0x1] =	stream.linear.gather [hbm4b:s10+s3], $0x7D0, $0x38;
	[tilespmem:$0xABE0] =	vst v63  }
0x9e: {  	_ = 	snop  }
0x9f: {  	[tilespmem:s3], [sflag:$0x1] =	stream.linear.gather [hbm4b:s11+s3], $0x7D00, $0x38;
	[tilespmem:$0xABE0] =	vst v63  }
0xa0: {  	_ =	swait.ge [sflag:s8], $0x7D0  }
0xa1: {  	[sflag:s8] =	ssyncset.done $0x0  }
0xa2: {  	[sflag:s8] =	ssyncadd.s32 $0xFFFFF830  }
0xa3: {  	_ =	swait.ge [sflag:s8], $0x7D00  }
0xa4: {  	[sflag:s8] =	ssyncset.done $0x0  }
0xa5: {  	[sflag:s8] =	ssyncadd.s32 $0xFFFF8300  }
0xa6: {  	[spmem:s1] =	stream.indirect.scatter.add.f32 [tilespmem:s3], [sflag:$0x2], $0x10, s6, s9, $0xb8;
	[tilespmem:$0xABE0] =	vst v63  }
0xa7: {  	_ =	swait.ge [sflag:s4], $0x7D00  }
0xa8: {  	[sflag:s4] =	ssyncset.done $0x0  }
.Ltmp2:
0xa9: {  	[sflag:s4] =	ssyncadd.s32 $0xFFFF8300;
	(pc) =	sbr.rel @p2 .LBB2_2-.Ltmp2, $4  }
0xaa: {  	[bflag:$0x0] =	sbarrier.arrive $0xFFFF  }
0xab: {  	[hbm:s5], [sflag:s25] =	dma.local [spmem:s7], $0x4E2  }
0xac: {  	_ =	swait.ge [sflag:s4], $0x4E2  }
0xad: {  	[sflag:s4] =	ssyncset.done $0x0  }
.LBB2_3:
0xae: {  	s22 =	simm.s32 @!p0 $0x1C02;
	s23 =	simm.s32 @!p0 $0x2;
	[sflag:s4] =	ssyncadd.s32 @p1 $0xFFFFFB1E  }
0xaf: {  	[spmem:s21], [sflag:s22] =	dma.local @!p0 [hbm:s18], $0x4E20  }
0xb0: {  	_ =	swait.ge @!p0 [sflag:s23], $0x4E20  }
0xb1: {  	[sflag:s23] =	ssyncset.done @!p0 $0x0  }
0xb2: {  	[sflag:s23] =	ssyncadd.s32 @!p0 $0xFFFFB1E0  }
0xb3: {  	[bflag:$0x0] =	sbarrier.arrive $0xFFFF  }
0xb4: {  	[tilespmem:s6], [sflag:$0x1] =	stream.linear.gather [hbm4b:s19+s3], $0x7D0, $0x38;
	[tilespmem:$0xABE0] =	vst v63  }
0xb5: {  	_ = 	snop  }
0xb6: {  	[tilespmem:s3], [sflag:$0x1] =	stream.linear.gather [hbm4b:s20+s3], $0x7D00, $0x38;
	[tilespmem:$0xABE0] =	vst v63  }
0xb7: {  	_ =	swait.ge [sflag:s8], $0x7D0  }
0xb8: {  	[sflag:s8] =	ssyncset.done $0x0  }
0xb9: {  	[sflag:s8] =	ssyncadd.s32 $0xFFFFF830  }
0xba: {  	_ =	swait.ge [sflag:s8], $0x7D00  }
0xbb: {  	[sflag:s8] =	ssyncset.done $0x0  }
0xbc: {  	[sflag:s8] =	ssyncadd.s32 $0xFFFF8300  }
0xbd: {  	[spmem:s1] =	stream.indirect.scatter.add.f32 [tilespmem:s3], [sflag:$0x2], $0x10, s6, s9, $0xb8;
	[tilespmem:$0xABE0] =	vst v63  }
0xbe: {  	_ =	swait.ge [sflag:s4], $0x7D00  }
0xbf: {  	[sflag:s4] =	ssyncset.done $0x0  }
0xc0: {  	[sflag:s4] =	ssyncadd.s32 $0xFFFF8300  }
0xc1: {  	[tilespmem:s6], [sflag:$0x1] =	stream.linear.gather [hbm4b:s16+s3], $0x7D0, $0x38;
	[tilespmem:$0xABE0] =	vst v63  }
0xc2: {  	_ = 	snop  }
0xc3: {  	[tilespmem:s3], [sflag:$0x1] =	stream.linear.gather [hbm4b:s17+s3], $0x7D00, $0x38;
	[tilespmem:$0xABE0] =	vst v63  }
0xc4: {  	_ =	swait.ge [sflag:s8], $0x7D0  }
0xc5: {  	[sflag:s8] =	ssyncset.done $0x0  }
0xc6: {  	[sflag:s8] =	ssyncadd.s32 $0xFFFFF830  }
0xc7: {  	_ =	swait.ge [sflag:s8], $0x7D00  }
0xc8: {  	[sflag:s8] =	ssyncset.done $0x0  }
0xc9: {  	[sflag:s8] =	ssyncadd.s32 $0xFFFF8300  }
0xca: {  	[spmem:s1] =	stream.indirect.scatter.add.f32 [tilespmem:s3], [sflag:$0x2], $0x10, s6, s9, $0xb8;
	[tilespmem:$0xABE0] =	vst v63  }
0xcb: {  	_ =	swait.ge [sflag:s4], $0x7D00  }
0xcc: {  	[sflag:s4] =	ssyncset.done $0x0  }
0xcd: {  	[sflag:s4] =	ssyncadd.s32 $0xFFFF8300  }
0xce: {  	[tilespmem:s6], [sflag:$0x1] =	stream.linear.gather [hbm4b:s14+s3], $0x7D0, $0x38;
	[tilespmem:$0xABE0] =	vst v63  }
0xcf: {  	_ = 	snop  }
0xd0: {  	[tilespmem:s3], [sflag:$0x1] =	stream.linear.gather [hbm4b:s15+s3], $0x7D00, $0x38;
	[tilespmem:$0xABE0] =	vst v63  }
0xd1: {  	_ =	swait.ge [sflag:s8], $0x7D0  }
0xd2: {  	[sflag:s8] =	ssyncset.done $0x0  }
0xd3: {  	[sflag:s8] =	ssyncadd.s32 $0xFFFFF830  }
0xd4: {  	_ =	swait.ge [sflag:s8], $0x7D00  }
0xd5: {  	[sflag:s8] =	ssyncset.done $0x0  }
0xd6: {  	[sflag:s8] =	ssyncadd.s32 $0xFFFF8300  }
0xd7: {  	[spmem:s1] =	stream.indirect.scatter.add.f32 [tilespmem:s3], [sflag:$0x2], $0x10, s6, s9, $0xb8;
	[tilespmem:$0xABE0] =	vst v63  }
0xd8: {  	_ =	swait.ge [sflag:s4], $0x7D00  }
0xd9: {  	[sflag:s4] =	ssyncset.done $0x0  }
0xda: {  	[sflag:s4] =	ssyncadd.s32 $0xFFFF8300  }
0xdb: {  	[tilespmem:s6], [sflag:$0x1] =	stream.linear.gather [hbm4b:s12+s3], $0x7D0, $0x38;
	[tilespmem:$0xABE0] =	vst v63  }
0xdc: {  	_ = 	snop  }
0xdd: {  	[tilespmem:s3], [sflag:$0x1] =	stream.linear.gather [hbm4b:s13+s3], $0x7D00, $0x38;
	[tilespmem:$0xABE0] =	vst v63  }
0xde: {  	_ =	swait.ge [sflag:s8], $0x7D0  }
0xdf: {  	[sflag:s8] =	ssyncset.done $0x0  }
0xe0: {  	[sflag:s8] =	ssyncadd.s32 $0xFFFFF830  }
0xe1: {  	_ =	swait.ge [sflag:s8], $0x7D00  }
0xe2: {  	[sflag:s8] =	ssyncset.done $0x0  }
0xe3: {  	[sflag:s8] =	ssyncadd.s32 $0xFFFF8300  }
0xe4: {  	[spmem:s1] =	stream.indirect.scatter.add.f32 [tilespmem:s3], [sflag:$0x2], $0x10, s6, s9, $0xb8;
	[tilespmem:$0xABE0] =	vst v63  }
0xe5: {  	_ =	swait.ge [sflag:s4], $0x7D00  }
0xe6: {  	[sflag:s4] =	ssyncset.done $0x0  }
0xe7: {  	[sflag:s4] =	ssyncadd.s32 $0xFFFF8300  }
0xe8: {  	[tilespmem:s6], [sflag:$0x1] =	stream.linear.gather [hbm4b:s10+s3], $0x7D0, $0x38;
	[tilespmem:$0xABE0] =	vst v63  }
0xe9: {  	_ = 	snop  }
0xea: {  	[tilespmem:s3], [sflag:$0x1] =	stream.linear.gather [hbm4b:s11+s3], $0x7D00, $0x38;
	[tilespmem:$0xABE0] =	vst v63  }
0xeb: {  	_ =	swait.ge [sflag:s8], $0x7D0  }
0xec: {  	[sflag:s8] =	ssyncset.done $0x0  }
0xed: {  	[sflag:s8] =	ssyncadd.s32 $0xFFFFF830  }
0xee: {  	_ =	swait.ge [sflag:s8], $0x7D00  }
0xef: {  	[sflag:s8] =	ssyncset.done $0x0  }
0xf0: {  	[sflag:s8] =	ssyncadd.s32 $0xFFFF8300  }
0xf1: {  	[spmem:s1] =	stream.indirect.scatter.add.f32 [tilespmem:s3], [sflag:$0x2], $0x10, s6, s9, $0xb8;
	[tilespmem:$0xABE0] =	vst v63  }
0xf2: {  	_ =	swait.ge [sflag:s4], $0x7D00  }
0xf3: {  	[sflag:s4] =	ssyncset.done $0x0  }
0xf4: {  	s31 =	sshll.u32 s2, $0x6;
	[sflag:s4] =	ssyncadd.s32 $0xFFFF8300  }
0xf5: {  	s1 =	sor.u32 $0x1C02, s31;
	[bflag:$0x0] =	sbarrier.arrive $0xFFFF  }
0xf6: {  	[hbm:s5], [sflag:s1] =	dma.local [spmem:s7], $0x4E2  }
0xf7: {  	_ =	swait.ge [sflag:s4], $0x4E2  }
0xf8: {  	[sflag:s4] =	ssyncset.done $0x0  }
0xf9: {  	[sflag:s4] =	ssyncadd.s32 $0xFFFFFB1E  }
0xfa: {  	_ =	sfence.sel $0x180000  }
0xfb: {  	[bflag:$0x0] =	sbarrier.arrive $0xFFFF  }
0xfc: {  	_ =	strace $0x9000004A  }
0xfd: {  	s0 =	sadd.s32 @!p0 $0x100000, s0;
	[bflag:$0x2] =	sbarrier.arrive $0xFFFF  }
0xfe: {  	[sflag:s0] =	ssyncadd.tile.s32 @!p0 $0x1;
	_ =	shalt  }
.Lfunc_end2:
_tile_overlayer_lowered:
.L_overlay_start_2:
0xff: {  	(tag) =	ssettag $0x2  }
0x100: {  	s0 =	rddreg [dreg:$0x0];
	s2 =	stileid.u32  }
0x101: {  	s1 =	rddreg [dreg:$0x1];
	p0 =	sne.s32 s2, $0x0  }
0x102: {  	s3 =	rddreg [dreg:$0x2];
	[bflag:$0x3] =	sbarrier.arrive $0xFFFF;
	s2 =	simm.s32 @!p0 $0x1C02  }
0x103: {  	[timem:s3], [sflag:s2] =	dma.local @!p0 [hbm:s0], s1  }
0x104: {  	s0 =	simm.s32 @!p0 $0x2  }
0x105: {  	_ =	swait.ge @!p0 [sflag:s0], s1  }
0x106: {  	s1 =	ssub.s32 @!p0 $0x0, s1;
	[sflag:s0] =	ssyncset.done @!p0 $0x0  }
0x107: {  	[sflag:s0] =	ssyncadd.s32 @!p0 s1  }
0x108: {  	[bflag:$0x3] =	sbarrier.arrive $0xFFFF  }
0x109: {  	_ =	shalt  }

// kernel: kernel.14.cloned.1.call-start
scs
__scs_entry_jumppad:
0x0: {  	(pc) =	sbr.rel $0x88, $3  }
0x1: {  	(tag) =	ssettag $0x0;
	lr =	simm.s32 $0x1  }
0x2: {  	[smem:$0x3F8F] =	sst lr;
	_ =	strace $0xD0000000  }
0x3: {  	_ = 	snop  }
0x4: {  	_ = 	snop  }
0x5: {  	_ = 	snop  }
0x6: {  	_ = 	snop  }
0x7: {  	_ = 	snop  }
__scs_overlays_trampoline_lowered:
0x8: {  	[smem:$0x3F9E] =	sst s0  }
0x9: {  	[smem:$0x3F9F] =	sst s1  }
0xa: {  	[smem:$0x3FA0] =	sst s2  }
0xb: {  	[smem:$0x3FA1] =	sst s3  }
0xc: {  	[smem:$0x3FA2] =	sst s4  }
0xd: {  	[smem:$0x3FA3] =	sst s5  }
0xe: {  	[smem:$0x3FA4] =	sst s6  }
0xf: {  	[smem:$0x3FA5] =	sst s7  }
0x10: {  	[smem:$0x3FA6] =	sst s8  }
0x11: {  	[smem:$0x3FA7] =	sst s9;
	s0 =	simm.s32 @!p0 $0x0  }
0x12: {  	s1 =	sld [smem:$0x3F8D];
	s0 =	simm.s32 @p0 $0x1  }
0x13: {  	[smem:$0x3FA8] =	sst s0;
	s0 =	simm.s32 @!p1 $0x0  }
0x14: {  	s2 =	sld [smem:$0x3F8C];
	s0 =	simm.s32 @p1 $0x1  }
0x15: {  	[smem:$0x3FA9] =	sst s0;
	s0 =	simm.s32 @!p2 $0x0  }
0x16: {  	s3 =	sld [smem:$0x3FDB];
	s0 =	simm.s32 @p2 $0x1  }
0x17: {  	s4 =	simm.s32 $0x1BF5;
	[smem:$0x3FAB] =	sst s0  }
0x18: {  	s0 =	sld [smem:$0x3F8E];
	_ =	swait.ge [sflag:s4], $0x0  }
0x19: {  	s7 =	sld [smem:$0x3F8F]  }
0x1a: {  	s8 =	sadd.s32 $0xFFFFE003, lr  }
0x1b: {  	s9 =	sadd.s32 $0xFFFFFEF7, lr;
	s5 =	simm.s32 $0xFFFFFFFF;
	p2 =	slt.u32 s8, $0xFFFFF086  }
0x1c: {  	p1 =	slt.u32 s9, $0xF7A;
	s5 =	simm.s32 @!p2 $0x0  }
0x1d: {  	s5 =	simm.s32 @p1 $0x1;
	p0 =	seq.s32 s7, s2  }
0x1e: {  	s7 =	smul.u32 @!p0 $0xF7A, s2;
	p2 =	seq.s32 @!p0 s5, $0x0  }
0x1f: {  	s9 =	smul.u32 $0xF7A, s1;
	s8 =	simm.s32 @!p0 $0x1BF5;
	p2 =	por !p2, p0  }
0x20: {  	[sflag:s8] =	ssyncset.s32 @!p0 $0xFFFFF086;
	s6 =	sadd.s32 @!p0 s3, s7;
	s7 =	simm.s32 @!p0 $0x108  }
0x21: {  	s3 =	sadd.s32 s3, s9;
	s6 =	sadd.s32 @!p0 $0x88, s6;
	s7 =	simm.s32 @p2 $0x1082  }
0x22: {  	[simem:s7], [sflag:s8] =	dma.local @!p0 [hbm:s6], $0xF7A  }
0x23: {  	s9 =	sor.u32 $0xD0000000, s2;
	s6 =	simm.s32 $0x108;
	_ =	swait.ge @!p0 [sflag:s8], $0x0  }
0x24: {  	s3 =	sadd.s32 $0x88, s3;
	s6 =	simm.s32 @!p1 $0x1082;
	[sflag:s4] =	ssyncset.s32 $0xFFFFF086  }
0x25: {  	[simem:s6], [sflag:s4] =	dma.local [hbm:s3], $0xF7A  }
0x26: {  	[smem:$0x3F8F] =	sst s1;
	(tag) =	ssettag s2;
	_ =	strace s9  }
0x27: {  	s1 =	sld [smem:$0x3F9F]  }
0x28: {  	s2 =	sld [smem:$0x3FA0]  }
0x29: {  	s4 =	sld [smem:$0x3FA2]  }
0x2a: {  	p0 =	seq.s32 s5, $0x0;
	s5 =	sld [smem:$0x3FA3]  }
0x2b: {  	s6 =	sld [smem:$0x3FA4]  }
0x2c: {  	s7 =	sld [smem:$0x3FA5]  }
0x2d: {  	s3 =	simm.s32 $0x108;
	s8 =	sld [smem:$0x3FA6]  }
0x2e: {  	s3 =	simm.s32 @!p0 $0x1082;
	s9 =	sld [smem:$0x3FA7]  }
0x2f: {  	lr =	sadd.s32 s0, s3;
	s0 =	sld [smem:$0x3F9E]  }
0x30: {  	s3 =	sld [smem:$0x3FA1]  }
0x31: {  	[smem:$0x3FAA] =	sst s10  }
0x32: {  	s10 =	sld [smem:$0x3FA8];
	_ =	sdelay $0x3  }
0x33: {  	p0 =	seq.s32 s10, $0x1;
	s10 =	sld [smem:$0x3FAA];
	_ =	sdelay $0x3  }
0x34: {  	[smem:$0x3FAA] =	sst s10  }
0x35: {  	s10 =	sld [smem:$0x3FA9];
	_ =	sdelay $0x3  }
0x36: {  	p1 =	seq.s32 s10, $0x1;
	s10 =	sld [smem:$0x3FAA];
	_ =	sdelay $0x3  }
0x37: {  	[smem:$0x3FAA] =	sst s10  }
0x38: {  	s10 =	sld [smem:$0x3FAB]  }
0x39: {  	_ = 	snop;
	(pc) =	sbr.ind lr, $3  }
0x3a: {  	_ = 	snop  }
0x3b: {  	_ = 	snop  }
0x3c: {  	p2 =	seq.s32 s10, $0x1;
	s10 =	sld [smem:$0x3FAA]  }
0x3d: {  	_ =	shalt  }
0x3e: {  	_ =	shalt  }
0x3f: {  	_ =	shalt  }
0x40: {  	_ =	shalt  }
0x41: {  	_ =	shalt  }
0x42: {  	_ =	shalt  }
0x43: {  	_ =	shalt  }
0x44: {  	_ =	shalt  }
0x45: {  	_ =	shalt  }
0x46: {  	_ =	shalt  }
0x47: {  	_ =	shalt  }
0x48: {  	_ =	shalt  }
0x49: {  	_ =	shalt  }
0x4a: {  	_ =	shalt  }
0x4b: {  	_ =	shalt  }
0x4c: {  	_ =	shalt  }
0x4d: {  	_ =	shalt  }
0x4e: {  	_ =	shalt  }
0x4f: {  	_ =	shalt  }
0x50: {  	_ =	shalt  }
0x51: {  	_ =	shalt  }
0x52: {  	_ =	shalt  }
0x53: {  	_ =	shalt  }
0x54: {  	_ =	shalt  }
0x55: {  	_ =	shalt  }
0x56: {  	_ =	shalt  }
0x57: {  	_ =	shalt  }
0x58: {  	_ =	shalt  }
0x59: {  	_ =	shalt  }
0x5a: {  	_ =	shalt  }
0x5b: {  	_ =	shalt  }
0x5c: {  	_ =	shalt  }
0x5d: {  	_ =	shalt  }
0x5e: {  	_ =	shalt  }
0x5f: {  	_ =	shalt  }
0x60: {  	_ =	shalt  }
0x61: {  	_ =	shalt  }
0x62: {  	_ =	shalt  }
0x63: {  	_ =	shalt  }
0x64: {  	_ =	shalt  }
0x65: {  	_ =	shalt  }
0x66: {  	_ =	shalt  }
0x67: {  	_ =	shalt  }
0x68: {  	_ =	shalt  }
0x69: {  	_ =	shalt  }
0x6a: {  	_ =	shalt  }
0x6b: {  	_ =	shalt  }
0x6c: {  	_ =	shalt  }
0x6d: {  	_ =	shalt  }
0x6e: {  	_ =	shalt  }
0x6f: {  	_ =	shalt  }
0x70: {  	_ =	shalt  }
0x71: {  	_ =	shalt  }
0x72: {  	_ =	shalt  }
0x73: {  	_ =	shalt  }
0x74: {  	_ =	shalt  }
0x75: {  	_ =	shalt  }
0x76: {  	_ =	shalt  }
0x77: {  	_ =	shalt  }
0x78: {  	_ =	shalt  }
0x79: {  	_ =	shalt  }
0x7a: {  	_ =	shalt  }
0x7b: {  	_ =	shalt  }
0x7c: {  	_ =	shalt  }
0x7d: {  	_ =	shalt  }
0x7e: {  	_ =	shalt  }
0x7f: {  	_ =	shalt  }
0x80: {  	_ =	shalt  }
0x81: {  	_ =	shalt  }
0x82: {  	_ =	shalt  }
0x83: {  	_ =	shalt  }
0x84: {  	_ =	shalt  }
0x85: {  	_ =	shalt  }
0x86: {  	_ =	shalt  }
0x87: {  	_ =	shalt  }
.Lfunc_end0:
.L_simem_size_0:
called_computation.2_lowered:
.L_overlay_start_0:
0x88: {  	s2 =	sld [smem:$0x3FD9]  }
0x89: {  	s3 =	sld [smem:$0x3FFE];
	_ =	sdelay $0x1  }
0x8a: {  	s1 =	srdreg.scid  }
0x8b: {  	s0 =	sand.u32 $0x1, s1  }
0x8c: {  	s17 =	sshll.u32 s0, $0xA;
	s2 =	sadd.s32 s3, s2  }
0x8d: {  	s2 =	sadd.s32 s2, s17  }
0x8e: {  	[smem:$0x3FB6] =	sst s2  }
0x8f: {  	_ = 	snop  }
0x90: {  	s2 =	sld [smem:$0x3FD0];
	(tm) =	ssettm $0x1  }
0x91: {  	s18 =	sld [smem:$0x3FFB];
	_ =	sdelay $0x3  }
0x92: {  	_ =	strace s18  }
0x93: {  	s3 =	sld [smem:$0x3FFC];
	_ =	sdelay $0x3  }
0x94: {  	_ =	strace s3  }
0x95: {  	s3 =	sld [smem:$0x3FFD];
	_ =	sdelay $0x3  }
0x96: {  	_ =	strace s3  }
0x97: {  	_ =	strace $0x8FFFFFFF  }
0x98: {  	s19 =	sld [smem:$0x3FDB];
	_ =	sdelay $0x1  }
0x99: {  	s4 =	simm.s32 $_scs_section_size  }
0x9a: {  	s5 =	simm.s32 $_size__tile_overlayer_lowered;
	s6 =	simm.s32 $_tile_overlayer_lowered  }
0x9b: {  	s22 =	simm.s32 $0x1BFF;
	s21 =	sshll.u32 s6, $0x1;
	s3 =	sadd.s32 s4, s19  }
0x9c: {  	s7 =	simm.s32 $0x0;
	s20 =	sshll.u32 s5, $0x1;
	s5 =	sadd.s32 s21, s3  }
0x9d: {  	[timem:s7], [sflag:s22] =	dma.local [hbm:s5], s20  }
0x9e: {  	_ =	swait.ge [sflag:s22], s20  }
0x9f: {  	s4 =	ssub.s32 $0x0, s20;
	[sflag:s22] =	ssyncset.done $0x0  }
0xa0: {  	[sflag:s22] =	ssyncadd.s32 s4;
	_ =	sdelay $0x1  }
0xa1: {  	s23 =	simm.s32 $0x1B8B  }
0xa2: {  	_ =	swait.ge [sflag:s23], $0x1  }
0xa3: {  	[sflag:s23] =	ssyncset.done $0x0  }
0xa4: {  	s25 =	simm.s32 $0x1B8E;
	s24 =	sld [smem:$0x3FFE];
	[sflag:s23] =	ssyncadd.s32 $0xFFFFFFFF  }
0xa5: {  	s26 =	simm.s32 $execute0_lowered;
	[smem:$0x3FD2] =	sst s25  }
0xa6: {  	s5 =	sshll.u32 s26, $0x1;
	_ =	strace $0x8000004C;
	[dreg:$0x1] =	wrdreg $0xFFFFFFFF  }
0xa7: {  	s28 =	simm.s32 $_size_execute0_lowered;
	s3 =	sadd.s32 s3, s5;
	[dreg:$0x0] =	wrdreg $0x0  }
0xa8: {  	s5 =	sshll.u32 s28, $0x1;
	[dreg:$0x2] =	wrdreg s3  }
0xa9: {  	[dreg:$0x3] =	wrdreg s5  }
0xaa: {  	[dreg:$0x4] =	wrdreg $0xC0  }
0xab: {  	_ =	task [dreg:s7], $0x5FFFF  }
0xac: {  	[dreg:$0x1] =	wrdreg $0xFFFFFFFF  }
0xad: {  	[dreg:$0x0] =	wrdreg $0x60  }
0xae: {  	[dreg:$0x2] =	wrdreg s24  }
0xaf: {  	[dreg:$0x3] =	wrdreg s2  }
0xb0: {  	[dreg:$0x4] =	wrdreg $0x9AB00  }
0xb1: {  	[dreg:$0x5] =	wrdreg $0x9  }
0xb2: {  	_ =	task.clear_ibuf [dreg:s7], $0x6FFFF;
	_ =	strace $0x9000004C  }
0xb3: {  	s29 =	simm.s32 $0x9;
	_ =	strace $0x8000004E  }
0xb4: {  	_ =	swait.ge [sflag:s29], $0x1  }
0xb5: {  	[sflag:s29] =	ssyncadd.s32 $0xFFFFFFFF  }
0xb6: {  	_ =	strace $0x9000004E  }
0xb7: {  	_ =	sfence  }
0xb8: {  	s30 =	sld [smem:$0x0];
	_ =	sdelay $0x2  }
0xb9: {  	s31 =	sshll.u32 s1, $0xD;
	s1 =	sshrl.u32 s1, $0x2  }
0xba: {  	s3 =	sand.u32 $0x4000, s31;
	s1 =	sadd.s32 s1, s30  }
0xbb: {  	s0 =	sor.u32 s3, s0;
	s1 =	sshll.u32 s1, $0x11  }
0xbc: {  	s0 =	sor.u32 s1, s0  }
0xbd: {  	s0 =	sadd.s32 $0x8F2B, s0  }
0xbe: {  	[sflag:s0] =	ssyncadd.remote.s32 $0x1  }
0xbf: {  	_ =	sfence.sel $0xFFFF  }
0xc0: {  	[dreg:$0x0] =	wrdreg $0xFFFFFFFF;
	(pc) =	sbr.abs _section_cstart, $3  }
0xc1: {  	[dreg:$0x1] =	wrdreg $0xFFFFFFFF  }
0xc2: {  	_ =	task.clear_ibuf [dreg:s7], $0x2FFFF;
	_ =	strace $0x9FFFFFFF  }
0xc3: {  	(tm) =	ssettm $0x7FFFFFFF  }
tec
execute0_lowered:
.L_overlay_start_1:
0x0: {  	(tag) =	ssettag $0x1  }
0x1: {  	s10 =	rddreg [dreg:$0x0]  }
0x2: {  	s12 =	rddreg [dreg:$0x1]  }
0x3: {  	s1 =	rddreg [dreg:$0x2]  }
0x4: {  	s0 =	rddreg [dreg:$0x3]  }
0x5: {  	s2 =	simm.s32 $0x0;
	s11 =	srdreg.scid;
	s9 =	stileid.u32  }
0x6: {  	s17 =	simm.s32 $0x190;
	s18 =	simm.s32 $0x1900;
	[smem:$0x7FF] =	sst s2  }
0x7: {  	s3 =	sadd.s32 $0x13000, s10;
	s4 =	sadd.s32 $0xE000, s10;
	s5 =	sadd.s32 $0x4000, s10  }
0x8: {  	s19 =	simm.s32 $0x2;
	s6 =	sadd.s32 $0x32A200, s10;
	s7 =	sadd.s32 $0x320400, s10  }
0x9: {  	s8 =	sadd.s32 $0xAF400, s10;
	s11 =	sand.u32 $0x1, s11;
	s14 =	sshll.u32 s9, $0x1  }
0xa: {  	s31 =	smul.u32 $0x9C40, s9;
	s10 =	sadd.s32 $0x18000, s10;
	p0 =	sne.s32 s9, $0x0  }
0xb: {  	v1 =	vlaneseq.u32;
	v0 =	vimm.s32 $0x7;
	v2 =	vimm.s32 $0x4;
	_ =	strace $0x8000004D;
	s13 =	ssub.s32 $0x2, s11;
	s15 =	smul.u32 $0x13880, s11  }
0xc: {  	v3 =	vimm.s32 $0x8;
	v4 =	vimm.s32 $0x0;
	v5 =	vimm.s32 $0x1;
	s11 =	sor.u32 s11, s14;
	s14 =	simm.s32 $0x3200;
	s16 =	sshrl.u32 s13, $0x1  }
0xd: {  	v6 =	vimm.s32 $0x2;
	v7 =	vimm.s32 $0x3;
	v8 =	vimm.s32 $0x5;
	s11 =	smul.u32 $0x2710, s11;
	s21 =	sshrl.u32 s31, $0x3;
	s22 =	sadd.s32 s31, s1  }
0xe: {  	v9 =	vimm.s32 $0x6;
	v10 =	vimm.s32 $0x9;
	v11 =	vimm.s32 $0xA;
	s13 =	ssub.s32 s13, s16;
	s20 =	sadd.s32 s12, s15;
	s15 =	simm.s32 $0x36B0  }
0xf: {  	v12 =	vimm.s32 $0xB;
	v13 =	vimm.s32 $0xC;
	v14 =	vimm.s32 $0xD;
	s16 =	simm.s32 $0x1;
	s12 =	smax.u32 s13, $0x1;
	s13 =	sshrl.u32 @!p0 s1, $0x3  }
0x10: {  	v15 =	vimm.s32 $0xE;
	v16 =	vimm.s32 $0xF;
	v1 =	vmul.u32 $0x10, v1;
	s20 =	sadd.s32 s21, s20;
	s21 =	sshrl.u32 s22, $0x3;
	s22 =	simm.s32 $0x0  }
.LBB2_1:
0x11: {  	s23 =	simm.s32 @!p0 $0x1C02  }
0x12: {  	[spmem:s13], [sflag:s23] =	dma.local @!p0 [hbm:s10], $0x13880  }
0x13: {  	s23 =	simm.s32 @!p0 $0x2  }
0x14: {  	_ =	swait.ge @!p0 [sflag:s23], $0x13880  }
0x15: {  	[sflag:s23] =	ssyncset.done @!p0 $0x0  }
0x16: {  	[sflag:s23] =	ssyncadd.s32 @!p0 $0xFFFEC780  }
0x17: {  	s23 =	simm.s32 $0x0;
	[bflag:$0x0] =	sbarrier.arrive $0xFFFF  }
.LBB2_2:
0x18: {  	s24 =	smul.u32 $0x190, s23;
	_ =	sdelay $0x1  }
0x19: {  	s28 =	sadd.s32 s11, s24  }
0x1a: {  	s26 =	sshrl.u32 s28, $0x3  }
0x1b: {  	s24 =	simm.s32 $0x0;
	s25 =	sadd.s32 s5, s26  }
0x1c: {  	[tilespmem:s14], [sflag:$0x1] =	stream.linear.gather [hbm4b:s25+s24], $0x190, $0x38;
	[tilespmem:$0x136F0] =	vst v63  }
0x1d: {  	s29 =	sadd.s32 s6, s26;
	s25 =	simm.s32 $0x3390  }
0x1e: {  	[tilespmem:s25], [sflag:$0x1] =	stream.linear.gather [hbm4b:s29+s24], $0x190, $0x38;
	[tilespmem:$0x136F0] =	vst v63  }
0x1f: {  	s28 =	sshll.u32 s28, $0x3;
	s31 =	sadd.s32 s7, s26;
	s26 =	simm.s32 $0x3520  }
0x20: {  	[tilespmem:s26], [sflag:$0x1] =	stream.linear.gather [hbm4b:s31+s24], $0x190, $0x38;
	[tilespmem:$0x136F0] =	vst v63  }
0x21: {  	s28 =	sadd.s32 s8, s28  }
0x22: {  	[tilespmem:s15], [sflag:$0x1] =	stream.linear.gather [hbm4b:s28+s24], $0x6400, $0x38;
	[tilespmem:$0x136F0] =	vst v63  }
0x23: {  	_ =	swait.ge [sflag:s16], $0x190  }
0x24: {  	[sflag:s16] =	ssyncset.done $0x0  }
0x25: {  	[sflag:s16] =	ssyncadd.s32 $0xFFFFFE70  }
0x26: {  	_ =	swait.ge [sflag:s16], $0x190  }
0x27: {  	[sflag:s16] =	ssyncset.done $0x0  }
0x28: {  	[sflag:s16] =	ssyncadd.s32 $0xFFFFFE70  }
0x29: {  	_ =	swait.ge [sflag:s16], $0x190  }
0x2a: {  	[sflag:s16] =	ssyncset.done $0x0  }
0x2b: {  	[sflag:s16] =	ssyncadd.s32 $0xFFFFFE70  }
0x2c: {  	_ =	swait.ge [sflag:s16], $0x6400  }
0x2d: {  	[sflag:s16] =	ssyncset.done $0x0  }
0x2e: {  	[sflag:s16] =	ssyncadd.s32 $0xFFFF9C00  }
0x2f: {  	[tilespmem:s24], [sflag:$0x1] =	stream.indirect.gather [hbm4b:s3+s17], $0x10, s14, s17, $0xb8;
	[tilespmem:$0x136F0] =	vst v63  }
0x30: {  	_ = 	snop  }
0x31: {  	[tilespmem:s18], [sflag:$0x1] =	stream.indirect.gather [hbm4b:s4+s17], $0x10, s14, s17, $0xb8;
	[tilespmem:$0x136F0] =	vst v63  }
0x32: {  	_ =	swait.ge [sflag:s16], $0x1900  }
0x33: {  	[sflag:s16] =	ssyncset.done $0x0  }
0x34: {  	[sflag:s16] =	ssyncadd.s32 $0xFFFFE700  }
0x35: {  	_ =	swait.ge [sflag:s16], $0x1900  }
0x36: {  	[sflag:s16] =	ssyncset.done $0x0  }
0x37: {  	s28 =	simm.s32 $0x38B0;
	[sflag:s16] =	ssyncadd.s32 $0xFFFFE700  }
.LBB2_3:
0x38: {  	v17 =	vld [tilespmem:s25+$0x0];
	_ =	sdelay $0x2  }
0x39: {  	v18 =	vmov s24  }
0x3a: {  	v18 =	vshll.u32 v18, $0x4  }
0x3b: {  	v18 =	vor.u32 v1, v18;
	v19 =	vand.u32 $0xFFFFFFF8, v17  }
0x3c: {  	v17 =	vand.u32 $0x7, v17;
	v18 =	vadd.s32 v18, v19  }
0x3d: {  	v17 =	vor.u32 v17, v18;
	_ =	sdelay $0x2  }
0x3e: {  	v18 =	vadd.s32 $0x8, v17;
	_ =	sdelay $0x1  }
0x3f: {  	v19 =	vld.idx.msk [tilespmem:v17+s2+$0x0], $0xffff  }
0x40: {  	v17 =	vld.idx.msk [tilespmem:v17+s18+$0x0], $0xffff;
	_ =	sdelay $0x1  }
0x41: {  	v20 =	vld.idx.msk [tilespmem:v18+s2+$0x0], $0xffff  }
0x42: {  	v18 =	vld.idx.msk [tilespmem:v18+s18+$0x0], $0xffff;
	_ =	sdelay $0x1  }
0x43: {  	v17 =	vadd.f32 v17, v19;
	_ =	sdelay $0x1  }
0x44: {  	vm0 =	vgt.f32 v17, $0.0e+00  }
0x45: {  	v18 =	vadd.f32 v18, v20;
	v17 =	vnsel vm0, $0x3F800000, v17  }
0x46: {  	(erf) = vrcp.f32 v17  }
0x47: {  	v17 =	vmax.f32 v18, $1.000000000e+00  }
0x48: {  	(erf) = vrcp.f32 v17;
	_ =	sdelay $0x2  }
0x49: {  	v17 =	vld [tilespmem:s26+$0x0];
	_ =	sdelay $0x3  }
0x4a: {  	v18 =	vpop (erf)  }
0x4b: {  	v17 =	vmul.f32 v18, v17  }
0x4c: {  	v19 =	vld [tilespmem:s28+$0xFFFFFE00];
	v18 =	vpop (erf)  }
0x4d: {  	v17 =	vmul.f32 v18, v17;
	_ =	sdelay $0x1  }
0x4e: {  	v18 =	vperm.xlane v17, v4;
	_ =	sdelay $0x1  }
0x4f: {  	v19 =	vmul.f32 v19, v18;
	_ =	sdelay $0x1  }
0x50: {  	[tilespmem:s28+$0xFFFFFE00] =	vst v19;
	v19 =	vld [tilespmem:s28+$0xFFFFFE10];
	_ =	sdelay $0x4  }
0x51: {  	v19 =	vmul.f32 v19, v18;
	_ =	sdelay $0x1  }
0x52: {  	[tilespmem:s28+$0xFFFFFE10] =	vst v19;
	v19 =	vld [tilespmem:s28+$0xFFFFFE20];
	_ =	sdelay $0x4  }
0x53: {  	v19 =	vmul.f32 v19, v18;
	_ =	sdelay $0x1  }
0x54: {  	[tilespmem:s28+$0xFFFFFE20] =	vst v19;
	v19 =	vld [tilespmem:s28+$0xFFFFFE30];
	_ =	sdelay $0x4  }
0x55: {  	v18 =	vmul.f32 v19, v18;
	_ =	sdelay $0x1  }
0x56: {  	[tilespmem:s28+$0xFFFFFE30] =	vst v18;
	v18 =	vld [tilespmem:s28+$0xFFFFFE40];
	_ =	sdelay $0x2  }
0x57: {  	v19 =	vperm.xlane v17, v5;
	_ =	sdelay $0x1  }
0x58: {  	v18 =	vmul.f32 v18, v19;
	_ =	sdelay $0x1  }
0x59: {  	[tilespmem:s28+$0xFFFFFE40] =	vst v18;
	v18 =	vld [tilespmem:s28+$0xFFFFFE50];
	_ =	sdelay $0x4  }
0x5a: {  	v18 =	vmul.f32 v18, v19;
	_ =	sdelay $0x1  }
0x5b: {  	[tilespmem:s28+$0xFFFFFE50] =	vst v18;
	v18 =	vld [tilespmem:s28+$0xFFFFFE60];
	_ =	sdelay $0x4  }
0x5c: {  	v18 =	vmul.f32 v18, v19;
	_ =	sdelay $0x1  }
0x5d: {  	[tilespmem:s28+$0xFFFFFE60] =	vst v18;
	v18 =	vld [tilespmem:s28+$0xFFFFFE70];
	_ =	sdelay $0x4  }
0x5e: {  	v18 =	vmul.f32 v18, v19;
	_ =	sdelay $0x1  }
0x5f: {  	[tilespmem:s28+$0xFFFFFE70] =	vst v18;
	v18 =	vld [tilespmem:s28+$0xFFFFFE80];
	_ =	sdelay $0x2  }
0x60: {  	v19 =	vperm.xlane v17, v6;
	_ =	sdelay $0x1  }
0x61: {  	v18 =	vmul.f32 v18, v19;
	_ =	sdelay $0x1  }
0x62: {  	[tilespmem:s28+$0xFFFFFE80] =	vst v18;
	v18 =	vld [tilespmem:s28+$0xFFFFFE90];
	_ =	sdelay $0x4  }
0x63: {  	v18 =	vmul.f32 v18, v19;
	_ =	sdelay $0x1  }
0x64: {  	[tilespmem:s28+$0xFFFFFE90] =	vst v18;
	v18 =	vld [tilespmem:s28+$0xFFFFFEA0];
	_ =	sdelay $0x4  }
0x65: {  	v18 =	vmul.f32 v18, v19;
	_ =	sdelay $0x1  }
0x66: {  	[tilespmem:s28+$0xFFFFFEA0] =	vst v18;
	v18 =	vld [tilespmem:s28+$0xFFFFFEB0];
	_ =	sdelay $0x4  }
0x67: {  	v18 =	vmul.f32 v18, v19;
	_ =	sdelay $0x1  }
0x68: {  	[tilespmem:s28+$0xFFFFFEB0] =	vst v18;
	v18 =	vld [tilespmem:s28+$0xFFFFFEC0];
	_ =	sdelay $0x2  }
0x69: {  	v19 =	vperm.xlane v17, v7;
	_ =	sdelay $0x1  }
0x6a: {  	v18 =	vmul.f32 v18, v19;
	_ =	sdelay $0x1  }
0x6b: {  	[tilespmem:s28+$0xFFFFFEC0] =	vst v18;
	v18 =	vld [tilespmem:s28+$0xFFFFFED0];
	_ =	sdelay $0x4  }
0x6c: {  	v18 =	vmul.f32 v18, v19;
	_ =	sdelay $0x1  }
0x6d: {  	[tilespmem:s28+$0xFFFFFED0] =	vst v18;
	v18 =	vld [tilespmem:s28+$0xFFFFFEE0];
	_ =	sdelay $0x4  }
0x6e: {  	v18 =	vmul.f32 v18, v19;
	_ =	sdelay $0x1  }
0x6f: {  	[tilespmem:s28+$0xFFFFFEE0] =	vst v18;
	v18 =	vld [tilespmem:s28+$0xFFFFFEF0];
	_ =	sdelay $0x4  }
0x70: {  	v18 =	vmul.f32 v18, v19;
	_ =	sdelay $0x1  }
0x71: {  	[tilespmem:s28+$0xFFFFFEF0] =	vst v18;
	v18 =	vld [tilespmem:s28+$0xFFFFFF00];
	_ =	sdelay $0x2  }
0x72: {  	v19 =	vperm.xlane v17, v2;
	_ =	sdelay $0x1  }
0x73: {  	v18 =	vmul.f32 v18, v19;
	_ =	sdelay $0x1  }
0x74: {  	[tilespmem:s28+$0xFFFFFF00] =	vst v18;
	v18 =	vld [tilespmem:s28+$0xFFFFFF10];
	_ =	sdelay $0x4  }
0x75: {  	v18 =	vmul.f32 v18, v19;
	_ =	sdelay $0x1  }
0x76: {  	[tilespmem:s28+$0xFFFFFF10] =	vst v18;
	v18 =	vld [tilespmem:s28+$0xFFFFFF20];
	_ =	sdelay $0x4  }
0x77: {  	v18 =	vmul.f32 v18, v19;
	_ =	sdelay $0x1  }
0x78: {  	[tilespmem:s28+$0xFFFFFF20] =	vst v18;
	v18 =	vld [tilespmem:s28+$0xFFFFFF30];
	_ =	sdelay $0x4  }
0x79: {  	v18 =	vmul.f32 v18, v19;
	_ =	sdelay $0x1  }
0x7a: {  	[tilespmem:s28+$0xFFFFFF30] =	vst v18;
	v18 =	vld [tilespmem:s28+$0xFFFFFF40];
	_ =	sdelay $0x2  }
0x7b: {  	v19 =	vperm.xlane v17, v8;
	_ =	sdelay $0x1  }
0x7c: {  	v18 =	vmul.f32 v18, v19;
	_ =	sdelay $0x1  }
0x7d: {  	[tilespmem:s28+$0xFFFFFF40] =	vst v18;
	v18 =	vld [tilespmem:s28+$0xFFFFFF50];
	_ =	sdelay $0x4  }
0x7e: {  	v18 =	vmul.f32 v18, v19;
	_ =	sdelay $0x1  }
0x7f: {  	[tilespmem:s28+$0xFFFFFF50] =	vst v18;
	v18 =	vld [tilespmem:s28+$0xFFFFFF60];
	_ =	sdelay $0x4  }
0x80: {  	v18 =	vmul.f32 v18, v19;
	_ =	sdelay $0x1  }
0x81: {  	[tilespmem:s28+$0xFFFFFF60] =	vst v18;
	v18 =	vld [tilespmem:s28+$0xFFFFFF70];
	_ =	sdelay $0x4  }
0x82: {  	v18 =	vmul.f32 v18, v19;
	_ =	sdelay $0x1  }
0x83: {  	[tilespmem:s28+$0xFFFFFF70] =	vst v18;
	v18 =	vld [tilespmem:s28+$0xFFFFFF80];
	_ =	sdelay $0x2  }
0x84: {  	v19 =	vperm.xlane v17, v9;
	_ =	sdelay $0x1  }
0x85: {  	v18 =	vmul.f32 v18, v19;
	_ =	sdelay $0x1  }
0x86: {  	[tilespmem:s28+$0xFFFFFF80] =	vst v18;
	v18 =	vld [tilespmem:s28+$0xFFFFFF90];
	_ =	sdelay $0x4  }
0x87: {  	v18 =	vmul.f32 v18, v19;
	_ =	sdelay $0x1  }
0x88: {  	[tilespmem:s28+$0xFFFFFF90] =	vst v18;
	v18 =	vld [tilespmem:s28+$0xFFFFFFA0];
	_ =	sdelay $0x4  }
0x89: {  	v18 =	vmul.f32 v18, v19;
	_ =	sdelay $0x1  }
0x8a: {  	[tilespmem:s28+$0xFFFFFFA0] =	vst v18;
	v18 =	vld [tilespmem:s28+$0xFFFFFFB0];
	_ =	sdelay $0x4  }
0x8b: {  	v18 =	vmul.f32 v18, v19;
	_ =	sdelay $0x1  }
0x8c: {  	[tilespmem:s28+$0xFFFFFFB0] =	vst v18;
	v18 =	vld [tilespmem:s28+$0xFFFFFFC0];
	_ =	sdelay $0x2  }
0x8d: {  	v19 =	vperm.xlane v17, v0;
	_ =	sdelay $0x1  }
0x8e: {  	v18 =	vmul.f32 v18, v19;
	_ =	sdelay $0x1  }
0x8f: {  	[tilespmem:s28+$0xFFFFFFC0] =	vst v18;
	v18 =	vld [tilespmem:s28+$0xFFFFFFD0];
	_ =	sdelay $0x4  }
0x90: {  	v18 =	vmul.f32 v18, v19;
	_ =	sdelay $0x1  }
0x91: {  	[tilespmem:s28+$0xFFFFFFD0] =	vst v18;
	v18 =	vld [tilespmem:s28+$0xFFFFFFE0];
	_ =	sdelay $0x4  }
0x92: {  	v18 =	vmul.f32 v18, v19;
	_ =	sdelay $0x1  }
0x93: {  	[tilespmem:s28+$0xFFFFFFE0] =	vst v18;
	v18 =	vld [tilespmem:s28+$0xFFFFFFF0];
	_ =	sdelay $0x4  }
0x94: {  	v18 =	vmul.f32 v18, v19;
	_ =	sdelay $0x1  }
0x95: {  	[tilespmem:s28+$0xFFFFFFF0] =	vst v18;
	v18 =	vld [tilespmem:s28+$0x0];
	_ =	sdelay $0x2  }
0x96: {  	v19 =	vperm.xlane v17, v3;
	_ =	sdelay $0x1  }
0x97: {  	v18 =	vmul.f32 v18, v19;
	_ =	sdelay $0x1  }
0x98: {  	[tilespmem:s28+$0x0] =	vst v18;
	v18 =	vld [tilespmem:s28+$0x10];
	_ =	sdelay $0x4  }
0x99: {  	v18 =	vmul.f32 v18, v19;
	_ =	sdelay $0x1  }
0x9a: {  	[tilespmem:s28+$0x10] =	vst v18;
	v18 =	vld [tilespmem:s28+$0x20];
	_ =	sdelay $0x4  }
0x9b: {  	v18 =	vmul.f32 v18, v19;
	_ =	sdelay $0x1  }
0x9c: {  	[tilespmem:s28+$0x20] =	vst v18;
	v18 =	vld [tilespmem:s28+$0x30];
	_ =	sdelay $0x4  }
0x9d: {  	v18 =	vmul.f32 v18, v19;
	_ =	sdelay $0x1  }
0x9e: {  	[tilespmem:s28+$0x30] =	vst v18;
	v18 =	vld [tilespmem:s28+$0x40];
	_ =	sdelay $0x2  }
0x9f: {  	v19 =	vperm.xlane v17, v10;
	_ =	sdelay $0x1  }
0xa0: {  	v18 =	vmul.f32 v18, v19;
	_ =	sdelay $0x1  }
0xa1: {  	[tilespmem:s28+$0x40] =	vst v18;
	v18 =	vld [tilespmem:s28+$0x50];
	_ =	sdelay $0x4  }
0xa2: {  	v18 =	vmul.f32 v18, v19;
	_ =	sdelay $0x1  }
0xa3: {  	[tilespmem:s28+$0x50] =	vst v18;
	v18 =	vld [tilespmem:s28+$0x60];
	_ =	sdelay $0x4  }
0xa4: {  	v18 =	vmul.f32 v18, v19;
	_ =	sdelay $0x1  }
0xa5: {  	[tilespmem:s28+$0x60] =	vst v18;
	v18 =	vld [tilespmem:s28+$0x70];
	_ =	sdelay $0x4  }
0xa6: {  	v18 =	vmul.f32 v18, v19;
	_ =	sdelay $0x1  }
0xa7: {  	[tilespmem:s28+$0x70] =	vst v18;
	v18 =	vld [tilespmem:s28+$0x80];
	_ =	sdelay $0x2  }
0xa8: {  	v19 =	vperm.xlane v17, v11;
	_ =	sdelay $0x1  }
0xa9: {  	v18 =	vmul.f32 v18, v19;
	_ =	sdelay $0x1  }
0xaa: {  	[tilespmem:s28+$0x80] =	vst v18;
	v18 =	vld [tilespmem:s28+$0x90];
	_ =	sdelay $0x4  }
0xab: {  	v18 =	vmul.f32 v18, v19;
	_ =	sdelay $0x1  }
0xac: {  	[tilespmem:s28+$0x90] =	vst v18;
	v18 =	vld [tilespmem:s28+$0xA0];
	_ =	sdelay $0x4  }
0xad: {  	v18 =	vmul.f32 v18, v19;
	_ =	sdelay $0x1  }
0xae: {  	[tilespmem:s28+$0xA0] =	vst v18;
	v18 =	vld [tilespmem:s28+$0xB0];
	_ =	sdelay $0x4  }
0xaf: {  	v18 =	vmul.f32 v18, v19;
	_ =	sdelay $0x1  }
0xb0: {  	[tilespmem:s28+$0xB0] =	vst v18;
	v18 =	vld [tilespmem:s28+$0xC0];
	_ =	sdelay $0x2  }
0xb1: {  	v19 =	vperm.xlane v17, v12;
	_ =	sdelay $0x1  }
0xb2: {  	v18 =	vmul.f32 v18, v19;
	_ =	sdelay $0x1  }
0xb3: {  	[tilespmem:s28+$0xC0] =	vst v18;
	v18 =	vld [tilespmem:s28+$0xD0];
	_ =	sdelay $0x4  }
0xb4: {  	v18 =	vmul.f32 v18, v19;
	_ =	sdelay $0x1  }
0xb5: {  	[tilespmem:s28+$0xD0] =	vst v18;
	v18 =	vld [tilespmem:s28+$0xE0];
	_ =	sdelay $0x4  }
0xb6: {  	v18 =	vmul.f32 v18, v19;
	_ =	sdelay $0x1  }
0xb7: {  	[tilespmem:s28+$0xE0] =	vst v18;
	v18 =	vld [tilespmem:s28+$0xF0];
	_ =	sdelay $0x4  }
0xb8: {  	v18 =	vmul.f32 v18, v19;
	_ =	sdelay $0x1  }
0xb9: {  	[tilespmem:s28+$0xF0] =	vst v18;
	v18 =	vld [tilespmem:s28+$0x100];
	_ =	sdelay $0x2  }
0xba: {  	v19 =	vperm.xlane v17, v13;
	_ =	sdelay $0x1  }
0xbb: {  	v18 =	vmul.f32 v18, v19;
	_ =	sdelay $0x1  }
0xbc: {  	[tilespmem:s28+$0x100] =	vst v18;
	v18 =	vld [tilespmem:s28+$0x110];
	_ =	sdelay $0x4  }
0xbd: {  	v18 =	vmul.f32 v18, v19;
	_ =	sdelay $0x1  }
0xbe: {  	[tilespmem:s28+$0x110] =	vst v18;
	v18 =	vld [tilespmem:s28+$0x120];
	_ =	sdelay $0x4  }
0xbf: {  	v18 =	vmul.f32 v18, v19;
	_ =	sdelay $0x1  }
0xc0: {  	[tilespmem:s28+$0x120] =	vst v18;
	v18 =	vld [tilespmem:s28+$0x130];
	_ =	sdelay $0x4  }
0xc1: {  	v18 =	vmul.f32 v18, v19;
	_ =	sdelay $0x1  }
0xc2: {  	[tilespmem:s28+$0x130] =	vst v18;
	v18 =	vld [tilespmem:s28+$0x140];
	_ =	sdelay $0x2  }
0xc3: {  	v19 =	vperm.xlane v17, v14;
	_ =	sdelay $0x1  }
0xc4: {  	v18 =	vmul.f32 v18, v19;
	_ =	sdelay $0x1  }
0xc5: {  	[tilespmem:s28+$0x140] =	vst v18;
	v18 =	vld [tilespmem:s28+$0x150];
	_ =	sdelay $0x4  }
0xc6: {  	v18 =	vmul.f32 v18, v19;
	_ =	sdelay $0x1  }
0xc7: {  	[tilespmem:s28+$0x150] =	vst v18;
	v18 =	vld [tilespmem:s28+$0x160];
	_ =	sdelay $0x4  }
0xc8: {  	v18 =	vmul.f32 v18, v19;
	_ =	sdelay $0x1  }
0xc9: {  	[tilespmem:s28+$0x160] =	vst v18;
	v18 =	vld [tilespmem:s28+$0x170];
	_ =	sdelay $0x4  }
0xca: {  	v18 =	vmul.f32 v18, v19;
	_ =	sdelay $0x1  }
0xcb: {  	[tilespmem:s28+$0x170] =	vst v18;
	v18 =	vld [tilespmem:s28+$0x180];
	_ =	sdelay $0x2  }
0xcc: {  	v19 =	vperm.xlane v17, v15;
	_ =	sdelay $0x1  }
0xcd: {  	v18 =	vmul.f32 v18, v19;
	_ =	sdelay $0x1  }
0xce: {  	[tilespmem:s28+$0x180] =	vst v18;
	v18 =	vld [tilespmem:s28+$0x190];
	_ =	sdelay $0x4  }
0xcf: {  	v18 =	vmul.f32 v18, v19;
	_ =	sdelay $0x1  }
0xd0: {  	[tilespmem:s28+$0x190] =	vst v18;
	v18 =	vld [tilespmem:s28+$0x1A0];
	_ =	sdelay $0x4  }
0xd1: {  	v18 =	vmul.f32 v18, v19;
	_ =	sdelay $0x1  }
0xd2: {  	[tilespmem:s28+$0x1A0] =	vst v18;
	v18 =	vld [tilespmem:s28+$0x1B0];
	_ =	sdelay $0x4  }
0xd3: {  	v18 =	vmul.f32 v18, v19;
	_ =	sdelay $0x1  }
0xd4: {  	[tilespmem:s28+$0x1B0] =	vst v18;
	v18 =	vld [tilespmem:s28+$0x1C0];
	_ =	sdelay $0x2  }
0xd5: {  	v17 =	vperm.xlane v17, v16;
	_ =	sdelay $0x1  }
0xd6: {  	v18 =	vmul.f32 v18, v17;
	_ =	sdelay $0x1  }
0xd7: {  	[tilespmem:s28+$0x1C0] =	vst v18;
	v18 =	vld [tilespmem:s28+$0x1D0];
	_ =	sdelay $0x4  }
0xd8: {  	v18 =	vmul.f32 v18, v17;
	_ =	sdelay $0x1  }
0xd9: {  	[tilespmem:s28+$0x1D0] =	vst v18;
	v18 =	vld [tilespmem:s28+$0x1E0];
	_ =	sdelay $0x4  }
0xda: {  	v18 =	vmul.f32 v18, v17;
	_ =	sdelay $0x1  }
0xdb: {  	[tilespmem:s28+$0x1E0] =	vst v18;
	v18 =	vld [tilespmem:s28+$0x1F0];
	_ =	sdelay $0x1  }
0xdc: {  	p1 =	sne.s32 s24, $0x180  }
.Ltmp0:
0xdd: {  	_ = 	snop;
	(pc) =	sbr.rel @p1 .LBB2_3-.Ltmp0, $4  }
0xde: {  	_ = 	snop  }
0xdf: {  	v17 =	vmul.f32 v18, v17  }
0xe0: {  	s25 =	sadd.s32 $0x10, s25  }
0xe1: {  	s24 =	sadd.s32 $0x10, s24;
	s26 =	sadd.s32 $0x10, s26;
	[tilespmem:s28+$0x1F0] =	vst v17;
	s28 =	sadd.s32 $0x400, s28  }
0xe2: {  	s23 =	sadd.s32 $0x1, s23  }
0xe3: {  	p1 =	sne.s32 s23, $0x19  }
.Ltmp1:
0xe4: {  	_ = 	snop;
	(pc) =	sbr.rel @p1 .LBB2_2-.Ltmp1, $4  }
0xe5: {  	[spmem:s1] =	stream.indirect.scatter.add.f32 [tilespmem:s15], [sflag:$0x2], $0x40, s14, s17, $0xb8;
	[tilespmem:$0x136F0] =	vst v63  }
0xe6: {  	_ =	swait.ge [sflag:s19], $0x6400  }
0xe7: {  	[sflag:s19] =	ssyncset.done $0x0  }
0xe8: {  	[sflag:s19] =	ssyncadd.s32 $0xFFFF9C00  }
0xe9: {  	s22 =	sadd.s32 $0x1, s22  }
0xea: {  	s23 =	sshll.u32 s9, $0x6;
	p1 =	sne.s32 s22, s12  }
.Ltmp2:
0xeb: {  	[bflag:$0x0] =	sbarrier.arrive $0xFFFF;
	s23 =	sor.u32 $0x1C02, s23;
	(pc) =	sbr.rel @p1 .LBB2_1-.Ltmp2, $4  }
0xec: {  	[hbm:s20], [sflag:s23] =	dma.local [spmem:s21], $0x1388  }
0xed: {  	_ =	swait.ge [sflag:s19], $0x1388  }
0xee: {  	[sflag:s19] =	ssyncset.done $0x0  }
0xef: {  	[sflag:s19] =	ssyncadd.s32 $0xFFFFEC78  }
0xf0: {  	_ =	sfence.sel $0x180000  }
0xf1: {  	[bflag:$0x0] =	sbarrier.arrive $0xFFFF  }
0xf2: {  	_ =	strace $0x9000004D  }
0xf3: {  	s0 =	sadd.s32 @!p0 $0x100000, s0;
	[bflag:$0x2] =	sbarrier.arrive $0xFFFF  }
0xf4: {  	[sflag:s0] =	ssyncadd.tile.s32 @!p0 $0x1;
	_ =	shalt  }
.Lfunc_end2:
_tile_overlayer_lowered:
.L_overlay_start_2:
0xf5: {  	(tag) =	ssettag $0x2  }
0xf6: {  	s0 =	rddreg [dreg:$0x0];
	s2 =	stileid.u32  }
0xf7: {  	s1 =	rddreg [dreg:$0x1];
	p0 =	sne.s32 s2, $0x0  }
0xf8: {  	s3 =	rddreg [dreg:$0x2];
	[bflag:$0x3] =	sbarrier.arrive $0xFFFF;
	s2 =	simm.s32 @!p0 $0x1C02  }
0xf9: {  	[timem:s3], [sflag:s2] =	dma.local @!p0 [hbm:s0], s1  }
0xfa: {  	s0 =	simm.s32 @!p0 $0x2  }
0xfb: {  	_ =	swait.ge @!p0 [sflag:s0], s1  }
0xfc: {  	s1 =	ssub.s32 @!p0 $0x0, s1;
	[sflag:s0] =	ssyncset.done @!p0 $0x0  }
0xfd: {  	[sflag:s0] =	ssyncadd.s32 @!p0 s1  }
0xfe: {  	[bflag:$0x3] =	sbarrier.arrive $0xFFFF  }
0xff: {  	_ =	shalt  }

// kernel: kernel.8.cloned.1.call-start
scs
__scs_entry_jumppad:
0x0: {  	(pc) =	sbr.rel $0x88, $3  }
0x1: {  	(tag) =	ssettag $0x0;
	lr =	simm.s32 $0x1  }
0x2: {  	[smem:$0x3F8F] =	sst lr;
	_ =	strace $0xD0000000  }
0x3: {  	_ = 	snop  }
0x4: {  	_ = 	snop  }
0x5: {  	_ = 	snop  }
0x6: {  	_ = 	snop  }
0x7: {  	_ = 	snop  }
__scs_overlays_trampoline_lowered:
0x8: {  	[smem:$0x3F9E] =	sst s0  }
0x9: {  	[smem:$0x3F9F] =	sst s1  }
0xa: {  	[smem:$0x3FA0] =	sst s2  }
0xb: {  	[smem:$0x3FA1] =	sst s3  }
0xc: {  	[smem:$0x3FA2] =	sst s4  }
0xd: {  	[smem:$0x3FA3] =	sst s5  }
0xe: {  	[smem:$0x3FA4] =	sst s6  }
0xf: {  	[smem:$0x3FA5] =	sst s7  }
0x10: {  	[smem:$0x3FA6] =	sst s8  }
0x11: {  	[smem:$0x3FA7] =	sst s9;
	s0 =	simm.s32 @!p0 $0x0  }
0x12: {  	s1 =	sld [smem:$0x3F8D];
	s0 =	simm.s32 @p0 $0x1  }
0x13: {  	[smem:$0x3FA8] =	sst s0;
	s0 =	simm.s32 @!p1 $0x0  }
0x14: {  	s2 =	sld [smem:$0x3F8C];
	s0 =	simm.s32 @p1 $0x1  }
0x15: {  	[smem:$0x3FA9] =	sst s0;
	s0 =	simm.s32 @!p2 $0x0  }
0x16: {  	s3 =	sld [smem:$0x3FDB];
	s0 =	simm.s32 @p2 $0x1  }
0x17: {  	s4 =	simm.s32 $0x1BF5;
	[smem:$0x3FAB] =	sst s0  }
0x18: {  	s0 =	sld [smem:$0x3F8E];
	_ =	swait.ge [sflag:s4], $0x0  }
0x19: {  	s7 =	sld [smem:$0x3F8F]  }
0x1a: {  	s8 =	sadd.s32 $0xFFFFE003, lr  }
0x1b: {  	s9 =	sadd.s32 $0xFFFFFEF7, lr;
	s5 =	simm.s32 $0xFFFFFFFF;
	p2 =	slt.u32 s8, $0xFFFFF086  }
0x1c: {  	p1 =	slt.u32 s9, $0xF7A;
	s5 =	simm.s32 @!p2 $0x0  }
0x1d: {  	s5 =	simm.s32 @p1 $0x1;
	p0 =	seq.s32 s7, s2  }
0x1e: {  	s7 =	smul.u32 @!p0 $0xF7A, s2;
	p2 =	seq.s32 @!p0 s5, $0x0  }
0x1f: {  	s9 =	smul.u32 $0xF7A, s1;
	s8 =	simm.s32 @!p0 $0x1BF5;
	p2 =	por !p2, p0  }
0x20: {  	[sflag:s8] =	ssyncset.s32 @!p0 $0xFFFFF086;
	s6 =	sadd.s32 @!p0 s3, s7;
	s7 =	simm.s32 @!p0 $0x108  }
0x21: {  	s3 =	sadd.s32 s3, s9;
	s6 =	sadd.s32 @!p0 $0x88, s6;
	s7 =	simm.s32 @p2 $0x1082  }
0x22: {  	[simem:s7], [sflag:s8] =	dma.local @!p0 [hbm:s6], $0xF7A  }
0x23: {  	s9 =	sor.u32 $0xD0000000, s2;
	s6 =	simm.s32 $0x108;
	_ =	swait.ge @!p0 [sflag:s8], $0x0  }
0x24: {  	s3 =	sadd.s32 $0x88, s3;
	s6 =	simm.s32 @!p1 $0x1082;
	[sflag:s4] =	ssyncset.s32 $0xFFFFF086  }
0x25: {  	[simem:s6], [sflag:s4] =	dma.local [hbm:s3], $0xF7A  }
0x26: {  	[smem:$0x3F8F] =	sst s1;
	(tag) =	ssettag s2;
	_ =	strace s9  }
0x27: {  	s1 =	sld [smem:$0x3F9F]  }
0x28: {  	s2 =	sld [smem:$0x3FA0]  }
0x29: {  	s4 =	sld [smem:$0x3FA2]  }
0x2a: {  	p0 =	seq.s32 s5, $0x0;
	s5 =	sld [smem:$0x3FA3]  }
0x2b: {  	s6 =	sld [smem:$0x3FA4]  }
0x2c: {  	s7 =	sld [smem:$0x3FA5]  }
0x2d: {  	s3 =	simm.s32 $0x108;
	s8 =	sld [smem:$0x3FA6]  }
0x2e: {  	s3 =	simm.s32 @!p0 $0x1082;
	s9 =	sld [smem:$0x3FA7]  }
0x2f: {  	lr =	sadd.s32 s0, s3;
	s0 =	sld [smem:$0x3F9E]  }
0x30: {  	s3 =	sld [smem:$0x3FA1]  }
0x31: {  	[smem:$0x3FAA] =	sst s10  }
0x32: {  	s10 =	sld [smem:$0x3FA8];
	_ =	sdelay $0x3  }
0x33: {  	p0 =	seq.s32 s10, $0x1;
	s10 =	sld [smem:$0x3FAA];
	_ =	sdelay $0x3  }
0x34: {  	[smem:$0x3FAA] =	sst s10  }
0x35: {  	s10 =	sld [smem:$0x3FA9];
	_ =	sdelay $0x3  }
0x36: {  	p1 =	seq.s32 s10, $0x1;
	s10 =	sld [smem:$0x3FAA];
	_ =	sdelay $0x3  }
0x37: {  	[smem:$0x3FAA] =	sst s10  }
0x38: {  	s10 =	sld [smem:$0x3FAB]  }
0x39: {  	_ = 	snop;
	(pc) =	sbr.ind lr, $3  }
0x3a: {  	_ = 	snop  }
0x3b: {  	_ = 	snop  }
0x3c: {  	p2 =	seq.s32 s10, $0x1;
	s10 =	sld [smem:$0x3FAA]  }
0x3d: {  	_ =	shalt  }
0x3e: {  	_ =	shalt  }
0x3f: {  	_ =	shalt  }
0x40: {  	_ =	shalt  }
0x41: {  	_ =	shalt  }
0x42: {  	_ =	shalt  }
0x43: {  	_ =	shalt  }
0x44: {  	_ =	shalt  }
0x45: {  	_ =	shalt  }
0x46: {  	_ =	shalt  }
0x47: {  	_ =	shalt  }
0x48: {  	_ =	shalt  }
0x49: {  	_ =	shalt  }
0x4a: {  	_ =	shalt  }
0x4b: {  	_ =	shalt  }
0x4c: {  	_ =	shalt  }
0x4d: {  	_ =	shalt  }
0x4e: {  	_ =	shalt  }
0x4f: {  	_ =	shalt  }
0x50: {  	_ =	shalt  }
0x51: {  	_ =	shalt  }
0x52: {  	_ =	shalt  }
0x53: {  	_ =	shalt  }
0x54: {  	_ =	shalt  }
0x55: {  	_ =	shalt  }
0x56: {  	_ =	shalt  }
0x57: {  	_ =	shalt  }
0x58: {  	_ =	shalt  }
0x59: {  	_ =	shalt  }
0x5a: {  	_ =	shalt  }
0x5b: {  	_ =	shalt  }
0x5c: {  	_ =	shalt  }
0x5d: {  	_ =	shalt  }
0x5e: {  	_ =	shalt  }
0x5f: {  	_ =	shalt  }
0x60: {  	_ =	shalt  }
0x61: {  	_ =	shalt  }
0x62: {  	_ =	shalt  }
0x63: {  	_ =	shalt  }
0x64: {  	_ =	shalt  }
0x65: {  	_ =	shalt  }
0x66: {  	_ =	shalt  }
0x67: {  	_ =	shalt  }
0x68: {  	_ =	shalt  }
0x69: {  	_ =	shalt  }
0x6a: {  	_ =	shalt  }
0x6b: {  	_ =	shalt  }
0x6c: {  	_ =	shalt  }
0x6d: {  	_ =	shalt  }
0x6e: {  	_ =	shalt  }
0x6f: {  	_ =	shalt  }
0x70: {  	_ =	shalt  }
0x71: {  	_ =	shalt  }
0x72: {  	_ =	shalt  }
0x73: {  	_ =	shalt  }
0x74: {  	_ =	shalt  }
0x75: {  	_ =	shalt  }
0x76: {  	_ =	shalt  }
0x77: {  	_ =	shalt  }
0x78: {  	_ =	shalt  }
0x79: {  	_ =	shalt  }
0x7a: {  	_ =	shalt  }
0x7b: {  	_ =	shalt  }
0x7c: {  	_ =	shalt  }
0x7d: {  	_ =	shalt  }
0x7e: {  	_ =	shalt  }
0x7f: {  	_ =	shalt  }
0x80: {  	_ =	shalt  }
0x81: {  	_ =	shalt  }
0x82: {  	_ =	shalt  }
0x83: {  	_ =	shalt  }
0x84: {  	_ =	shalt  }
0x85: {  	_ =	shalt  }
0x86: {  	_ =	shalt  }
0x87: {  	_ =	shalt  }
.Lfunc_end0:
.L_simem_size_0:
called_computation_lowered:
.L_overlay_start_0:
0x88: {  	s2 =	sld [smem:$0x3FD9]  }
0x89: {  	s3 =	sld [smem:$0x3FFE];
	_ =	sdelay $0x1  }
0x8a: {  	s1 =	srdreg.scid  }
0x8b: {  	s0 =	sand.u32 $0x1, s1  }
0x8c: {  	s17 =	sshll.u32 s0, $0xA;
	s2 =	sadd.s32 s3, s2  }
0x8d: {  	s2 =	sadd.s32 s2, s17  }
0x8e: {  	[smem:$0x3FB6] =	sst s2  }
0x8f: {  	_ = 	snop  }
0x90: {  	s2 =	sld [smem:$0x3FD0];
	(tm) =	ssettm $0x1  }
0x91: {  	s18 =	sld [smem:$0x3FFB];
	_ =	sdelay $0x3  }
0x92: {  	_ =	strace s18  }
0x93: {  	s3 =	sld [smem:$0x3FFC];
	_ =	sdelay $0x3  }
0x94: {  	_ =	strace s3  }
0x95: {  	s3 =	sld [smem:$0x3FFD];
	_ =	sdelay $0x3  }
0x96: {  	_ =	strace s3  }
0x97: {  	_ =	strace $0x8FFFFFFF  }
0x98: {  	s19 =	sld [smem:$0x3FDB];
	_ =	sdelay $0x1  }
0x99: {  	s4 =	simm.s32 $_scs_section_size  }
0x9a: {  	s5 =	simm.s32 $_size__tile_overlayer_lowered;
	s6 =	simm.s32 $_tile_overlayer_lowered  }
0x9b: {  	s22 =	simm.s32 $0x1BFF;
	s21 =	sshll.u32 s6, $0x1;
	s3 =	sadd.s32 s4, s19  }
0x9c: {  	s7 =	simm.s32 $0x0;
	s20 =	sshll.u32 s5, $0x1;
	s5 =	sadd.s32 s21, s3  }
0x9d: {  	[timem:s7], [sflag:s22] =	dma.local [hbm:s5], s20  }
0x9e: {  	_ =	swait.ge [sflag:s22], s20  }
0x9f: {  	s4 =	ssub.s32 $0x0, s20;
	[sflag:s22] =	ssyncset.done $0x0  }
0xa0: {  	[sflag:s22] =	ssyncadd.s32 s4;
	_ =	sdelay $0x1  }
0xa1: {  	s23 =	simm.s32 $0x1B8B  }
0xa2: {  	_ =	swait.ge [sflag:s23], $0x1  }
0xa3: {  	[sflag:s23] =	ssyncset.done $0x0  }
0xa4: {  	s25 =	simm.s32 $0x1B8E;
	s24 =	sld [smem:$0x3FFE];
	[sflag:s23] =	ssyncadd.s32 $0xFFFFFFFF  }
0xa5: {  	s26 =	simm.s32 $execute0_lowered;
	[smem:$0x3FD2] =	sst s25  }
0xa6: {  	s5 =	sshll.u32 s26, $0x1;
	_ =	strace $0x80000046;
	[dreg:$0x1] =	wrdreg $0xFFFFFFFF  }
0xa7: {  	s28 =	simm.s32 $_size_execute0_lowered;
	s3 =	sadd.s32 s3, s5;
	[dreg:$0x0] =	wrdreg $0x0  }
0xa8: {  	s5 =	sshll.u32 s28, $0x1;
	[dreg:$0x2] =	wrdreg s3  }
0xa9: {  	[dreg:$0x3] =	wrdreg s5  }
0xaa: {  	[dreg:$0x4] =	wrdreg $0xC0  }
0xab: {  	_ =	task [dreg:s7], $0x5FFFF  }
0xac: {  	[dreg:$0x1] =	wrdreg $0xFFFFFFFF  }
0xad: {  	[dreg:$0x0] =	wrdreg $0x60  }
0xae: {  	[dreg:$0x2] =	wrdreg s2  }
0xaf: {  	[dreg:$0x3] =	wrdreg s24  }
0xb0: {  	[dreg:$0x4] =	wrdreg $0x9  }
0xb1: {  	_ =	task.clear_ibuf [dreg:s7], $0x5FFFF;
	_ =	strace $0x90000046  }
0xb2: {  	s29 =	simm.s32 $0x9;
	_ =	strace $0x80000048  }
0xb3: {  	_ =	swait.ge [sflag:s29], $0x1  }
0xb4: {  	[sflag:s29] =	ssyncadd.s32 $0xFFFFFFFF  }
0xb5: {  	_ =	strace $0x90000048  }
0xb6: {  	_ =	sfence  }
0xb7: {  	s30 =	sld [smem:$0x0];
	_ =	sdelay $0x2  }
0xb8: {  	s31 =	sshll.u32 s1, $0xD;
	s1 =	sshrl.u32 s1, $0x2  }
0xb9: {  	s3 =	sand.u32 $0x4000, s31;
	s1 =	sadd.s32 s1, s30  }
0xba: {  	s0 =	sor.u32 s3, s0;
	s1 =	sshll.u32 s1, $0x11  }
0xbb: {  	s0 =	sor.u32 s1, s0  }
0xbc: {  	s0 =	sadd.s32 $0x8F2B, s0  }
0xbd: {  	[sflag:s0] =	ssyncadd.remote.s32 $0x1  }
0xbe: {  	_ =	sfence.sel $0xFFFF  }
0xbf: {  	[dreg:$0x0] =	wrdreg $0xFFFFFFFF;
	(pc) =	sbr.abs _section_cstart, $3  }
0xc0: {  	[dreg:$0x1] =	wrdreg $0xFFFFFFFF  }
0xc1: {  	_ =	task.clear_ibuf [dreg:s7], $0x2FFFF;
	_ =	strace $0x9FFFFFFF  }
0xc2: {  	(tm) =	ssettm $0x7FFFFFFF  }
0xc3: {  	_ =	shalt  }
tec
execute0_lowered:
.L_overlay_start_1:
0x0: {  	(tag) =	ssettag $0x1  }
0x1: {  	s2 =	rddreg [dreg:$0x0]  }
0x2: {  	s4 =	rddreg [dreg:$0x1]  }
0x3: {  	s0 =	rddreg [dreg:$0x2];
	s1 =	stileid.u32  }
0x4: {  	s5 =	srdreg.scid;
	s3 =	simm.s32 $0x0;
	s6 =	smul.u32 $0x4E20, s1  }
0x5: {  	s10 =	simm.s32 $0x0;
	s5 =	sand.u32 $0x1, s5;
	s8 =	smul.u32 $0x27100, s1  }
0x6: {  	[smem:$0x7FF] =	sst s3;
	s7 =	smul.u32 $0x2710, s5;
	s9 =	ssub.s32 $0x2, s5  }
0x7: {  	_ =	strace $0x80000047;
	s5 =	smul.u32 $0x13880, s5;
	s31 =	sshrl.u32 s9, $0x1  }
0x8: {  	s8 =	sadd.s32 s8, s4;
	s6 =	sadd.s32 s7, s6;
	s7 =	ssub.s32 s9, s31  }
0x9: {  	s5 =	sadd.s32 s5, s8;
	s8 =	simm.s32 $0x3E8;
	s6 =	sshrl.u32 s6, $0x3  }
0xa: {  	s9 =	simm.s32 $0x1;
	s5 =	sadd.s32 $0xDE00, s5;
	s6 =	sadd.s32 s6, s4  }
0xb: {  	s4 =	smax.u32 s7, $0x1;
	s7 =	simm.s32 $0x2;
	s6 =	sadd.s32 $0x4000, s6  }
.LBB2_1:
0xc: {  	s11 =	sadd.s32 $0x0, s6  }
0xd: {  	[tilespmem:s3], [sflag:$0x2] =	stream.linear.gather [hbm4b:s11+s3], $0x3E8, $0x38;
	[tilespmem:$0xFDE8] =	vst v63  }
0xe: {  	_ =	swait.ge [sflag:s7], $0x3E8  }
0xf: {  	[sflag:s7] =	ssyncset.done $0x0  }
0x10: {  	[sflag:s7] =	ssyncadd.s32 $0xFFFFFC18  }
0x11: {  	[tilespmem:s8], [sflag:$0x1] =	stream.indirect.gather [hbm4b:s2+s8], $0x40, s3, s8, $0xb8;
	[tilespmem:$0xFDE8] =	vst v63  }
0x12: {  	_ =	swait.ge [sflag:s9], $0xFA00  }
0x13: {  	[sflag:s9] =	ssyncset.done $0x0  }
0x14: {  	[sflag:s9] =	ssyncadd.s32 $0xFFFF0600  }
0x15: {  	[hbm4b:s5+s3] =	stream.linear.scatter [tilespmem:s8], [sflag:$0x2], $0xFA00, $0x38;
	[tilespmem:$0xFDE8] =	vst v63  }
0x16: {  	s12 =	simm.s32 $0x7D;
	_ =	swait.ge [sflag:s7], $0xFA00  }
0x17: {  	s13 =	simm.s32 $0xFA;
	s11 =	sadd.s32 $0x1F40, s5;
	[sflag:s7] =	ssyncset.done $0x0  }
.LBB2_2:
0x18: {  	s14 =	sadd.s32 s12, s6  }
0x19: {  	[sflag:s7] =	ssyncadd.s32 $0xFFFF0600;
	s12 =	smov.u32 s13;
	s15 =	sadd.s32 $0x7D, s13  }
0x1a: {  	[tilespmem:s3], [sflag:$0x2] =	stream.linear.gather [hbm4b:s14+s3], $0x3E8, $0x38;
	[tilespmem:$0xFDE8] =	vst v63  }
0x1b: {  	p0 =	sne.s32 s13, $0x465;
	_ =	swait.ge [sflag:s7], $0x3E8  }
0x1c: {  	[sflag:s7] =	ssyncset.done $0x0  }
0x1d: {  	[sflag:s7] =	ssyncadd.s32 $0xFFFFFC18  }
0x1e: {  	[tilespmem:s8], [sflag:$0x1] =	stream.indirect.gather [hbm4b:s2+s8], $0x40, s3, s8, $0xb8;
	[tilespmem:$0xFDE8] =	vst v63  }
0x1f: {  	_ =	swait.ge [sflag:s9], $0xFA00  }
.Ltmp0:
0x20: {  	[sflag:s9] =	ssyncset.done $0x0;
	(pc) =	sbr.rel @p0 .LBB2_2-.Ltmp0, $4  }
0x21: {  	[sflag:s9] =	ssyncadd.s32 $0xFFFF0600  }
0x22: {  	[hbm4b:s11+s3] =	stream.linear.scatter [tilespmem:s8], [sflag:$0x2], $0xFA00, $0x38;
	[tilespmem:$0xFDE8] =	vst v63  }
0x23: {  	_ =	swait.ge [sflag:s7], $0xFA00  }
0x24: {  	s13 =	smov.u32 s15;
	s11 =	sadd.s32 $0x1F40, s11;
	[sflag:s7] =	ssyncset.done $0x0  }
0x25: {  	s12 =	sadd.s32 s12, s6;
	[sflag:s7] =	ssyncadd.s32 $0xFFFF0600  }
0x26: {  	[tilespmem:s3], [sflag:$0x2] =	stream.linear.gather [hbm4b:s12+s3], $0x3E8, $0x38;
	[tilespmem:$0xFDE8] =	vst v63  }
0x27: {  	_ =	swait.ge [sflag:s7], $0x3E8  }
0x28: {  	[sflag:s7] =	ssyncset.done $0x0  }
0x29: {  	[sflag:s7] =	ssyncadd.s32 $0xFFFFFC18  }
0x2a: {  	[tilespmem:s8], [sflag:$0x1] =	stream.indirect.gather [hbm4b:s2+s8], $0x40, s3, s8, $0xb8;
	[tilespmem:$0xFDE8] =	vst v63  }
0x2b: {  	s10 =	sadd.s32 $0x1, s10;
	_ =	swait.ge [sflag:s9], $0xFA00  }
0x2c: {  	p0 =	sne.s32 s10, s4;
	[sflag:s9] =	ssyncset.done $0x0  }
.Ltmp1:
0x2d: {  	[sflag:s9] =	ssyncadd.s32 $0xFFFF0600;
	(pc) =	sbr.rel @p0 .LBB2_1-.Ltmp1, $4  }
0x2e: {  	[hbm4b:s11+s3] =	stream.linear.scatter [tilespmem:s8], [sflag:$0x2], $0xFA00, $0x38;
	[tilespmem:$0xFDE8] =	vst v63  }
0x2f: {  	_ =	swait.ge [sflag:s7], $0xFA00  }
0x30: {  	[sflag:s7] =	ssyncset.done $0x0  }
0x31: {  	[sflag:s7] =	ssyncadd.s32 $0xFFFF0600  }
0x32: {  	_ =	sfence.sel $0x180000  }
0x33: {  	[bflag:$0x0] =	sbarrier.arrive $0xFFFF  }
0x34: {  	p0 =	sne.s32 s1, $0x0;
	_ =	strace $0x90000047  }
0x35: {  	s0 =	sadd.s32 @!p0 $0x100000, s0;
	[bflag:$0x2] =	sbarrier.arrive $0xFFFF  }
0x36: {  	[sflag:s0] =	ssyncadd.tile.s32 @!p0 $0x1;
	_ =	shalt  }
.Lfunc_end2:
_tile_overlayer_lowered:
.L_overlay_start_2:
0x37: {  	(tag) =	ssettag $0x2  }
0x38: {  	s0 =	rddreg [dreg:$0x0];
	s2 =	stileid.u32  }
0x39: {  	s1 =	rddreg [dreg:$0x1];
	p0 =	sne.s32 s2, $0x0  }
0x3a: {  	s3 =	rddreg [dreg:$0x2];
	[bflag:$0x3] =	sbarrier.arrive $0xFFFF;
	s2 =	simm.s32 @!p0 $0x1C02  }
0x3b: {  	[timem:s3], [sflag:s2] =	dma.local @!p0 [hbm:s0], s1  }
0x3c: {  	s0 =	simm.s32 @!p0 $0x2  }
0x3d: {  	_ =	swait.ge @!p0 [sflag:s0], s1  }
0x3e: {  	s1 =	ssub.s32 @!p0 $0x0, s1;
	[sflag:s0] =	ssyncset.done @!p0 $0x0  }
0x3f: {  	[sflag:s0] =	ssyncadd.s32 @!p0 s1  }
0x40: {  	[bflag:$0x3] =	sbarrier.arrive $0xFFFF  }
0x41: {  	_ =	shalt  }

</sc_bundles>
